<compile_context>
chip_gen: v7x
topology: tpu7x:2x2x1
jax: 0.10.2.dev20260603
libtpu: 0.0.44.dev20260713+nightly
codegen_flags: <defaults>
</compile_context>

<pallas_src>
import functools

import jax
import jax.numpy as jnp
from jax import lax
from jax.experimental import pallas as pl
from jax.experimental.pallas import tpu as pltpu
from jax.experimental.pallas import tpu_sc as plsc

_N = 10000
_E = 320000
_NHID = 128
_NCLASS = 64

_CH = 128
_NCHUNK = _E // _CH
_NTILES = 32
_NPAD = 10240
_ROWS_PER_TILE = _NPAD // 16
_BLK = 1000


_NCT = 80
_HALF = _NCT // 2
_EPAD = _NTILES * _NCT * _CH


def _spmm_body(support_hbm, src_hbm, dst_hbm, out_hbm,
               src2d, dst2d, rows0, rows1, acc_sh, gsem0, gsem1):
    rows_v = rows0
    cid = lax.axis_index("c")
    sid = lax.axis_index("s")
    wid = sid * 2 + cid

    def zfill(i, carry):
        r = i // (_NHID // 16)
        c = (i % (_NHID // 16)) * 16
        rows_v[r, pl.ds(c, 16)] = jnp.zeros((16,), jnp.float32)
        return carry
    lax.fori_loop(0, _CH * (_NHID // 16), zfill, 0)

    base_r = sid * _ROWS_PER_TILE
    def zacc(k, carry):
        pltpu.sync_copy(rows_v, acc_sh.at[pl.ds(base_r + k * _CH, _CH)])
        return carry
    lax.fori_loop(0, _ROWS_PER_TILE // _CH, zacc, 0)

    plsc.subcore_barrier()

    def wait_gather(b_rows, b_sem):
        pltpu.make_async_copy(support_hbm.at[src2d.at[0]], b_rows,
                              b_sem).wait()

    for h in range(_NCT // _HALF):
        pltpu.sync_copy(
            src_hbm.at[pl.ds(wid * _NCT + h * _HALF, _HALF)], src2d)
        pltpu.sync_copy(
            dst_hbm.at[pl.ds(wid * _NCT + h * _HALF, _HALF)], dst2d)

        pltpu.async_copy(support_hbm.at[src2d.at[0]], rows0, gsem0)
        pltpu.async_copy(support_hbm.at[src2d.at[1]], rows1, gsem1)

        def body2(g, carry):
            k0 = 2 * g
            wait_gather(rows0, gsem0)
            pltpu.sync_copy(rows0, acc_sh.at[dst2d.at[k0]], add=True)
            pltpu.async_copy(support_hbm.at[src2d.at[k0 + 2]], rows0, gsem0)
            wait_gather(rows1, gsem1)
            pltpu.sync_copy(rows1, acc_sh.at[dst2d.at[k0 + 1]], add=True)
            pltpu.async_copy(support_hbm.at[src2d.at[k0 + 3]], rows1, gsem1)
            return carry
        lax.fori_loop(0, _HALF // 2 - 1, body2, 0)

        wait_gather(rows0, gsem0)
        pltpu.sync_copy(rows0, acc_sh.at[dst2d.at[_HALF - 2]], add=True)
        wait_gather(rows1, gsem1)
        pltpu.sync_copy(rows1, acc_sh.at[dst2d.at[_HALF - 1]], add=True)
    plsc.subcore_barrier()

    pltpu.sync_copy(acc_sh.at[pl.ds(base_r, _ROWS_PER_TILE)],
                    out_hbm.at[cid, pl.ds(base_r, _ROWS_PER_TILE)])


@functools.cache
def _make_spmm():
    return pl.kernel(
        _spmm_body,
        out_type=jax.ShapeDtypeStruct((2, _NPAD, _NHID), jnp.float32),
        mesh=plsc.VectorSubcoreMesh(core_axis_name="c", subcore_axis_name="s"),
        scratch_types=[
            pltpu.VMEM((_HALF, _CH), jnp.int32),
            pltpu.VMEM((_HALF, _CH), jnp.int32),
            pltpu.VMEM((_CH, _NHID), jnp.float32),
            pltpu.VMEM((_CH, _NHID), jnp.float32),
            pltpu.VMEM_SHARED((_NPAD, _NHID), jnp.float32),
            pltpu.SemaphoreType.DMA,
            pltpu.SemaphoreType.DMA,
        ],
    )


def _spmm(support, src, dst):
    npad_e = _EPAD - _E
    src_p = jnp.concatenate(
        [src, jnp.arange(npad_e, dtype=jnp.int32) % _N]).reshape(-1, _CH)
    dst_p = jnp.concatenate(
        [dst, _N + (jnp.arange(npad_e, dtype=jnp.int32) % (_NPAD - _N))]
    ).reshape(-1, _CH)
    return _make_spmm()(support, src_p, dst_p)



def _gate(agg_a, agg_b, w, b, x, wci, bci, wco, bco):
    out_x = jnp.dot(agg_a[0] + agg_b[0], w,
                    preferred_element_type=jnp.float32) + b
    ci = jnp.dot(x, wci, preferred_element_type=jnp.float32) + bci
    z = jax.nn.sigmoid(
        ci + jnp.dot(out_x, wco, preferred_element_type=jnp.float32) + bco)
    return z * out_x + (1.0 - z) * x


def _gate_mm_body(agga_ref, aggb_ref, w_ref, b_ref, x_ref, wci_ref, bci_ref,
                  wco_ref, bco_ref, out_ref):
    out_ref[...] = jax.nn.relu(
        _gate(agga_ref[...], aggb_ref[...], w_ref[...], b_ref[...],
              x_ref[...], wci_ref[...], bci_ref[...], wco_ref[...],
              bco_ref[...]))


def _gate_mm(agg, W, b, x, Wci, bci, Wco, bco):
    full = pl.BlockSpec((_NHID, _NHID), lambda i: (0, 0))
    row = pl.BlockSpec((1, _NHID), lambda i: (0, 0))
    blk = pl.BlockSpec((_BLK, _NHID), lambda i: (i, 0))
    agg0 = pl.BlockSpec((1, _BLK, _NHID), lambda i: (0, i, 0))
    agg1 = pl.BlockSpec((1, _BLK, _NHID), lambda i: (1, i, 0))
    return pl.pallas_call(
        _gate_mm_body,
        grid=(_N // _BLK,),
        in_specs=[agg0, agg1, full, row, blk, full, row, full, row],
        out_specs=blk,
        out_shape=jax.ShapeDtypeStruct((_N, _NHID), jnp.float32),
    )(agg, agg, W, b, x, Wci, bci, Wco, bco)


def _gate_final_body(agga_ref, aggb_ref, w_ref, b_ref, x_ref, wci_ref,
                     bci_ref, wco_ref, bco_ref, wf_ref, bf_ref, out_ref):
    h = _gate(agga_ref[...], aggb_ref[...], w_ref[...], b_ref[...],
              x_ref[...], wci_ref[...], bci_ref[...], wco_ref[...],
              bco_ref[...])
    out_ref[...] = (jnp.dot(h, wf_ref[...], preferred_element_type=jnp.float32)
                    + bf_ref[...])


def _gate_final(agg, W, b, x, Wci, bci, Wco, bco, Wf, bf):
    full = pl.BlockSpec((_NHID, _NHID), lambda i: (0, 0))
    wf_spec = pl.BlockSpec((_NHID, _NCLASS), lambda i: (0, 0))
    row = pl.BlockSpec((1, _NHID), lambda i: (0, 0))
    rowf = pl.BlockSpec((1, _NCLASS), lambda i: (0, 0))
    blk = pl.BlockSpec((_BLK, _NHID), lambda i: (i, 0))
    blkf = pl.BlockSpec((_BLK, _NCLASS), lambda i: (i, 0))
    agg0 = pl.BlockSpec((1, _BLK, _NHID), lambda i: (0, i, 0))
    agg1 = pl.BlockSpec((1, _BLK, _NHID), lambda i: (1, i, 0))
    return pl.pallas_call(
        _gate_final_body,
        grid=(_N // _BLK,),
        in_specs=[agg0, agg1, full, row, blk, full, row, full, row,
                  wf_spec, rowf],
        out_specs=blkf,
        out_shape=jax.ShapeDtypeStruct((_N, _NCLASS), jnp.float32),
    )(agg, agg, W, b, x, Wci, bci, Wco, bco, Wf, bf)


def kernel(x, edge_index, W0, b0, W1, b1, W2, b2, Wci, bci, Wco, bco, Wf, bf):
    src = edge_index[0].astype(jnp.int32)
    dst = edge_index[1].astype(jnp.int32)
    bci2 = bci.reshape(1, _NHID)
    bco2 = bco.reshape(1, _NHID)
    bf2 = bf.reshape(1, _NCLASS)

    agg0 = _spmm(x, src, dst)
    h1 = _gate_mm(agg0, W0, b0, x, Wci, bci2, Wco, bco2)
    agg1 = _spmm(h1, src, dst)
    h2 = _gate_mm(agg1, W1, b1, x, Wci, bci2, Wco, bco2)
    agg2 = _spmm(h2, src, dst)
    return _gate_final(agg2, W2, b2, x, Wci, bci2, Wco, bco2, Wf, bf2)

# --- scband reference (transcript-rebuilt; emitter-appended) ---
"""Pipeline reference for scband-gcn-35802847380162 (READ-ONLY COPY).

The authoritative reference and input builder live on the scoring server;
editing this copy changes nothing except your own understanding.
"""

import jax, jax.numpy as jnp
import numpy as np

N = 10000
E = 320000
NFEAT = 128
NHID = 128
NCLASS = 64


def setup_inputs(seed: int = 0) -> dict:
    key = jax.random.key(seed)
    ks = jax.random.split(key, 16)
    x = jax.random.normal(ks[0], (N, NFEAT), dtype=jnp.float32)
    edge_index = jax.random.randint(ks[1], (2, E), 0, N)
    s = 0.02
    W0 = s * jax.random.normal(ks[2], (NFEAT, NHID), dtype=jnp.float32)
    b0 = jnp.zeros((1, NHID), dtype=jnp.float32)
    W1 = s * jax.random.normal(ks[3], (NHID, NHID), dtype=jnp.float32)
    b1 = jnp.zeros((1, NHID), dtype=jnp.float32)
    W2 = s * jax.random.normal(ks[4], (NHID, NHID), dtype=jnp.float32)
    b2 = jnp.zeros((1, NHID), dtype=jnp.float32)
    Wci = s * jax.random.normal(ks[5], (NHID, NHID), dtype=jnp.float32)
    bci = jnp.zeros((NHID,), dtype=jnp.float32)
    Wco = s * jax.random.normal(ks[6], (NHID, NHID), dtype=jnp.float32)
    bco = jnp.zeros((NHID,), dtype=jnp.float32)
    Wf = s * jax.random.normal(ks[7], (NHID, NCLASS), dtype=jnp.float32)
    bf = jnp.zeros((NCLASS,), dtype=jnp.float32)
    return {"x": x, "edge_index": edge_index, "W0": W0, "b0": b0, "W1": W1, "b1": b1,
            "W2": W2, "b2": b2, "Wci": Wci, "bci": bci, "Wco": Wco, "bco": bco,
            "Wf": Wf, "bf": bf}


def _gcn_layer(h, src, dst, W, b, n_nodes):
    support = h @ W
    msg = jnp.take(support, src, axis=0)
    out = jax.ops.segment_sum(msg, dst, num_segments=n_nodes)
    return out + b


def _gated_sc(in_x, out_x, Wci, bci, Wco, bco):
    # in_features == out_features so in_x passes through unchanged
    z = jax.nn.sigmoid(in_x @ Wci + bci + out_x @ Wco + bco)
    return z * out_x + (1.0 - z) * in_x


def reference(x, edge_index, W0, b0, W1, b1, W2, b2, Wci, bci, Wco, bco, Wf, bf):
    src = edge_index[0]
    dst = edge_index[1]
    n_nodes = x.shape[0]
    residual = x
    out1 = _gcn_layer(x, src, dst, W0, b0, n_nodes)
    out2 = _gated_sc(residual, out1, Wci, bci, Wco, bco)
    out3 = jax.nn.relu(out2)
    out4 = _gcn_layer(out3, src, dst, W1, b1, n_nodes)
    out5 = _gated_sc(residual, out4, Wci, bci, Wco, bco)
    out6 = jax.nn.relu(out5)
    out7 = _gcn_layer(out6, src, dst, W2, b2, n_nodes)
    out8 = _gated_sc(residual, out7, Wci, bci, Wco, bco)
    return out8 @ Wf + bf

if __name__ == "__main__":
    import jax
    _d = setup_inputs()
    print(jax.jit(kernel)(*tuple(_d.values())))

</pallas_src>

<mosaic_0001>
#map = affine_map<(d0, d1) -> (0, 0)>
#map1 = affine_map<(d0, d1) -> (0, 0, 0)>
module attributes {stable_mosaic.version = 14 : i64} {
  func.func @_spmm_body(%arg0: i32, %arg1: i32, %arg2: memref<10000x128xf32, #tpu.memory_space<hbm>>, %arg3: memref<2560x128xi32, #tpu.memory_space<hbm>>, %arg4: memref<2560x128xi32, #tpu.memory_space<hbm>>, %arg5: memref<2x10240x128xf32, #tpu.memory_space<hbm>>, %arg6: memref<40x128xi32, #tpu.memory_space<vmem>>, %arg7: memref<40x128xi32, #tpu.memory_space<vmem>>, %arg8: memref<128x128xf32, #tpu.memory_space<vmem>>, %arg9: memref<128x128xf32, #tpu.memory_space<vmem>>, %arg10: memref<10240x128xf32, #tpu.memory_space<vmem_shared>>, %arg11: memref<!tpu.dma_semaphore, #tpu.memory_space<semaphore_mem>>, %arg12: memref<!tpu.dma_semaphore, #tpu.memory_space<semaphore_mem>>) attributes {dimension_semantics = [#tpu.dimension_semantics<core_parallel>, #tpu.dimension_semantics<subcore_parallel>], iteration_bounds = array<i64: 2, 16>, scalar_prefetch = 0 : i64, scratch_operands = 7 : i64, tpu.core_type = #tpu.core_type<sc_vector_subcore>, window_params = [{transform_indices = #map}, {transform_indices = #map}, {transform_indices = #map}, {transform_indices = #map1}]} {
    %mul3A = arith.constant 2 : i32
    %mul3A_0 = arith.muli %arg1, %mul3A : i32
    %add3A = arith.addi %mul3A_0, %arg0 : i32
    %scan3A = arith.constant 0 : i32
    %scan3A_1 = arith.constant 0 : i32
    %scan3A_2 = arith.constant 1024 : i32
    %scan3A_3 = arith.addi %scan3A_1, %scan3A_2 : i32
    %scan3A_4 = arith.constant 1 : i32
    scf.for %scan3A_100 = %scan3A_1 to %scan3A_3 step %scan3A_4  : i32 {
      %jit3A = arith.constant 8 : i32
      %div3A = arith.divsi %scan3A_100, %jit3A : i32
      %sign3A = arith.constant 0 : i32
      %sign3A_101 = arith.cmpi sgt, %scan3A_100, %sign3A : i32
      %sign3A_102 = arith.extui %sign3A_101 : i1 to i32
      %sign3A_103 = arith.constant 0 : i32
      %sign3A_104 = arith.cmpi slt, %scan3A_100, %sign3A_103 : i32
      %sign3A_105 = arith.extui %sign3A_104 : i1 to i32
      %sign3A_106 = arith.subi %sign3A_102, %sign3A_105 : i32
      %sign3A_107 = arith.constant 0 : i32
      %sign3A_108 = arith.cmpi sgt, %jit3A, %sign3A_107 : i32
      %sign3A_109 = arith.extui %sign3A_108 : i1 to i32
      %sign3A_110 = arith.constant 0 : i32
      %sign3A_111 = arith.cmpi slt, %jit3A, %sign3A_110 : i32
      %sign3A_112 = arith.extui %sign3A_111 : i1 to i32
      %sign3A_113 = arith.subi %sign3A_109, %sign3A_112 : i32
      %ne3A = arith.cmpi ne, %sign3A_106, %sign3A_113 : i32
      %rem3A = arith.remsi %scan3A_100, %jit3A : i32
      %ne3A_114 = arith.constant 0 : i32
      %ne3A_115 = arith.cmpi ne, %rem3A, %ne3A_114 : i32
      %and3A = arith.andi %ne3A, %ne3A_115 : i1
      %sub3A = arith.constant 1 : i32
      %sub3A_116 = arith.subi %div3A, %sub3A : i32
      %select_n3A = arith.select %and3A, %sub3A_116, %div3A : i32
      %jit3A_117 = arith.constant 8 : i32
      %eq3A = arith.constant 0 : i32
      %eq3A_118 = arith.cmpi eq, %jit3A_117, %eq3A : i32
      %jit3A_119 = arith.constant 1 : i32
      %select_n3A_120 = arith.select %eq3A_118, %jit3A_119, %jit3A_117 : i32
      %rem3A_121 = arith.remsi %scan3A_100, %select_n3A_120 : i32
      %ne3A_122 = arith.constant 0 : i32
      %ne3A_123 = arith.cmpi ne, %rem3A_121, %ne3A_122 : i32
      %lt3A = arith.constant 0 : i32
      %lt3A_124 = arith.cmpi slt, %rem3A_121, %lt3A : i32
      %lt3A_125 = arith.constant 0 : i32
      %lt3A_126 = arith.cmpi slt, %select_n3A_120, %lt3A_125 : i32
      %ne3A_127 = arith.xori %lt3A_124, %lt3A_126 : i1
      %and3A_128 = arith.andi %ne3A_127, %ne3A_123 : i1
      %add3A_129 = arith.addi %rem3A_121, %select_n3A_120 : i32
      %select_n3A_130 = arith.select %and3A_128, %add3A_129, %rem3A_121 : i32
      %mul3A_131 = arith.constant 16 : i32
      %mul3A_132 = arith.muli %select_n3A_130, %mul3A_131 : i32
      %broadcast_in_dim3A = arith.constant 0.000000e+00 : f32
      %broadcast_in_dim3A_133 = vector.broadcast %broadcast_in_dim3A : f32 to vector<16xf32>
      %swap3A = arith.index_cast %select_n3A : i32 to index
      %swap3A_134 = arith.index_cast %mul3A_132 : i32 to index
      %swap3A_135 = tpu.vector_load %arg8[%swap3A, %swap3A_134] {strides = array<i32>} : memref<128x128xf32, #tpu.memory_space<vmem>>, vector<1x16xf32>,
      %swap3A_136 = vector.shape_cast %swap3A_135 : vector<1x16xf32> to vector<16xf32>
      %swap3A_137 = vector.shape_cast %broadcast_in_dim3A_133 : vector<16xf32> to vector<1x16xf32>
      tpu.vector_store %arg8[%swap3A, %swap3A_134], %swap3A_137 {strides = array<i32>} : memref<128x128xf32, #tpu.memory_space<vmem>>, vector<1x16xf32>,
    }
    %scan3A_5 = arith.constant 1024 : i32
    %mul3A_6 = arith.constant 640 : i32
    %mul3A_7 = arith.muli %arg1, %mul3A_6 : i32
    %scan3A_8 = arith.constant 0 : i32
    %scan3A_9 = arith.constant 0 : i32
    %scan3A_10 = arith.constant 5 : i32
    %scan3A_11 = arith.addi %scan3A_9, %scan3A_10 : i32
    %scan3A_12 = arith.constant 1 : i32
    scf.for %scan3A_100 = %scan3A_9 to %scan3A_11 step %scan3A_12  : i32 {
      %mul3A_101 = arith.constant 128 : i32
      %mul3A_102 = arith.muli %scan3A_100, %mul3A_101 : i32
      %add3A_103 = arith.addi %mul3A_7, %mul3A_102 : i32
      "tpu.region"() ({
        %run_scoped3A_104 = tpu.sem_alloc : memref<!tpu.dma_semaphore, #tpu.memory_space<semaphore_mem>>
        %dma_start3A_105 = arith.constant 0 : i32
        %dma_start3A_106 = tpu.memref_slice %arg10[%add3A_103, %dma_start3A_105] : memref<10240x128xf32, #tpu.memory_space<vmem_shared>> -> memref<128x128xf32, #tpu.memory_space<vmem_shared>>
        %dma_start3A_107 = arith.constant 0 : i32
        %dma_start3A_108 = tpu.memref_slice %arg10[%add3A_103, %dma_start3A_107] : memref<10240x128xf32, #tpu.memory_space<vmem_shared>> -> memref<128x128xf32, #tpu.memory_space<vmem_shared>>
        tpu.enqueue_dma source(%arg8 : memref<128x128xf32, #tpu.memory_space<vmem>>) target(%dma_start3A_108 : memref<128x128xf32, #tpu.memory_space<vmem_shared>>) target_semaphore(%run_scoped3A_104 : memref<!tpu.dma_semaphore, #tpu.memory_space<semaphore_mem>>)
        %dma_wait3A_109 = arith.constant 0 : i32
        %dma_wait3A_110 = tpu.memref_slice %arg10[%add3A_103, %dma_wait3A_109] : memref<10240x128xf32, #tpu.memory_space<vmem_shared>> -> memref<128x128xf32, #tpu.memory_space<vmem_shared>>
        %dma_wait3A_111 = arith.constant 0 : i32
        %dma_wait3A_112 = tpu.memref_slice %arg10[%add3A_103, %dma_wait3A_111] : memref<10240x128xf32, #tpu.memory_space<vmem_shared>> -> memref<128x128xf32, #tpu.memory_space<vmem_shared>>
        tpu.wait_dma2 semaphore(%run_scoped3A_104 : memref<!tpu.dma_semaphore, #tpu.memory_space<semaphore_mem>>) src(%arg8 : memref<128x128xf32, #tpu.memory_space<vmem>>) dst(%dma_wait3A_112 : memref<128x128xf32, #tpu.memory_space<vmem_shared>>)
        tpu.yield
      }) : () -> ()
    }
    %scan3A_13 = arith.constant 5 : i32
    %barrier3A = arith.constant 0 : index
    tpu.barrier barrier_id(%barrier3A)
    %mul3A_14 = arith.constant 80 : i32
    %mul3A_15 = arith.muli %add3A, %mul3A_14 : i32
    %add3A_16 = arith.constant 0 : i32
    %add3A_17 = arith.addi %mul3A_15, %add3A_16 : i32
    "tpu.region"() ({
      %run_scoped3A_100 = tpu.sem_alloc : memref<!tpu.dma_semaphore, #tpu.memory_space<semaphore_mem>>
      %dma_start3A_101 = arith.constant 0 : i32
      %dma_start3A_102 = tpu.memref_slice %arg3[%add3A_17, %dma_start3A_101] : memref<2560x128xi32, #tpu.memory_space<hbm>> -> memref<40x128xi32, #tpu.memory_space<hbm>>
      %dma_start3A_103 = arith.constant 0 : i32
      %dma_start3A_104 = tpu.memref_slice %arg3[%add3A_17, %dma_start3A_103] : memref<2560x128xi32, #tpu.memory_space<hbm>> -> memref<40x128xi32, #tpu.memory_space<hbm>>
      tpu.enqueue_dma source(%dma_start3A_104 : memref<40x128xi32, #tpu.memory_space<hbm>>) target(%arg6 : memref<40x128xi32, #tpu.memory_space<vmem>>) target_semaphore(%run_scoped3A_100 : memref<!tpu.dma_semaphore, #tpu.memory_space<semaphore_mem>>)
      %dma_wait3A_105 = arith.constant 0 : i32
      %dma_wait3A_106 = tpu.memref_slice %arg3[%add3A_17, %dma_wait3A_105] : memref<2560x128xi32, #tpu.memory_space<hbm>> -> memref<40x128xi32, #tpu.memory_space<hbm>>
      %dma_wait3A_107 = arith.constant 0 : i32
      %dma_wait3A_108 = tpu.memref_slice %arg3[%add3A_17, %dma_wait3A_107] : memref<2560x128xi32, #tpu.memory_space<hbm>> -> memref<40x128xi32, #tpu.memory_space<hbm>>
      tpu.wait_dma2 semaphore(%run_scoped3A_100 : memref<!tpu.dma_semaphore, #tpu.memory_space<semaphore_mem>>) src(%dma_wait3A_108 : memref<40x128xi32, #tpu.memory_space<hbm>>) dst(%arg6 : memref<40x128xi32, #tpu.memory_space<vmem>>)
      tpu.yield
    }) : () -> ()
    %mul3A_18 = arith.constant 80 : i32
    %mul3A_19 = arith.muli %add3A, %mul3A_18 : i32
    %add3A_20 = arith.constant 0 : i32
    %add3A_21 = arith.addi %mul3A_19, %add3A_20 : i32
    "tpu.region"() ({
      %run_scoped3A_100 = tpu.sem_alloc : memref<!tpu.dma_semaphore, #tpu.memory_space<semaphore_mem>>
      %dma_start3A_101 = arith.constant 0 : i32
      %dma_start3A_102 = tpu.memref_slice %arg4[%add3A_21, %dma_start3A_101] : memref<2560x128xi32, #tpu.memory_space<hbm>> -> memref<40x128xi32, #tpu.memory_space<hbm>>
      %dma_start3A_103 = arith.constant 0 : i32
      %dma_start3A_104 = tpu.memref_slice %arg4[%add3A_21, %dma_start3A_103] : memref<2560x128xi32, #tpu.memory_space<hbm>> -> memref<40x128xi32, #tpu.memory_space<hbm>>
      tpu.enqueue_dma source(%dma_start3A_104 : memref<40x128xi32, #tpu.memory_space<hbm>>) target(%arg7 : memref<40x128xi32, #tpu.memory_space<vmem>>) target_semaphore(%run_scoped3A_100 : memref<!tpu.dma_semaphore, #tpu.memory_space<semaphore_mem>>)
      %dma_wait3A_105 = arith.constant 0 : i32
      %dma_wait3A_106 = tpu.memref_slice %arg4[%add3A_21, %dma_wait3A_105] : memref<2560x128xi32, #tpu.memory_space<hbm>> -> memref<40x128xi32, #tpu.memory_space<hbm>>
      %dma_wait3A_107 = arith.constant 0 : i32
      %dma_wait3A_108 = tpu.memref_slice %arg4[%add3A_21, %dma_wait3A_107] : memref<2560x128xi32, #tpu.memory_space<hbm>> -> memref<40x128xi32, #tpu.memory_space<hbm>>
      tpu.wait_dma2 semaphore(%run_scoped3A_100 : memref<!tpu.dma_semaphore, #tpu.memory_space<semaphore_mem>>) src(%dma_wait3A_108 : memref<40x128xi32, #tpu.memory_space<hbm>>) dst(%arg7 : memref<40x128xi32, #tpu.memory_space<vmem>>)
      tpu.yield
    }) : () -> ()
    %dma_start3A = arith.constant 0 : i32
    %dma_start3A_22 = arith.constant 0 : i32
    %dma_start3A_23 = tpu.memref_slice %arg6[%dma_start3A, %dma_start3A_22] : memref<40x128xi32, #tpu.memory_space<vmem>> -> memref<1x128xi32, #tpu.memory_space<vmem>>
    %dma_start3A_24 = tpu.memref_squeeze %dma_start3A_23 : memref<1x128xi32, #tpu.memory_space<vmem>> -> memref<128xi32, #tpu.memory_space<vmem>>
    %dma_start3A_25 = arith.constant 0 : i32
    %dma_start3A_26 = arith.constant 0 : i32
    %dma_start3A_27 = tpu.memref_slice %arg2[%dma_start3A_25, %dma_start3A_26] : memref<10000x128xf32, #tpu.memory_space<hbm>> -> memref<10000x128xf32, #tpu.memory_space<hbm>>
    tpu.enqueue_indirect_dma source(%dma_start3A_27 : memref<10000x128xf32, #tpu.memory_space<hbm>>) target(%arg8 : memref<128x128xf32, #tpu.memory_space<vmem>>) offsets(%dma_start3A_24 : memref<128xi32, #tpu.memory_space<vmem>>) semaphore(%arg11 : memref<!tpu.dma_semaphore, #tpu.memory_space<semaphore_mem>>)
    %dma_start3A_28 = arith.constant 1 : i32
    %dma_start3A_29 = arith.constant 0 : i32
    %dma_start3A_30 = tpu.memref_slice %arg6[%dma_start3A_28, %dma_start3A_29] : memref<40x128xi32, #tpu.memory_space<vmem>> -> memref<1x128xi32, #tpu.memory_space<vmem>>
    %dma_start3A_31 = tpu.memref_squeeze %dma_start3A_30 : memref<1x128xi32, #tpu.memory_space<vmem>> -> memref<128xi32, #tpu.memory_space<vmem>>
    %dma_start3A_32 = arith.constant 0 : i32
    %dma_start3A_33 = arith.constant 0 : i32
    %dma_start3A_34 = tpu.memref_slice %arg2[%dma_start3A_32, %dma_start3A_33] : memref<10000x128xf32, #tpu.memory_space<hbm>> -> memref<10000x128xf32, #tpu.memory_space<hbm>>
    tpu.enqueue_indirect_dma source(%dma_start3A_34 : memref<10000x128xf32, #tpu.memory_space<hbm>>) target(%arg9 : memref<128x128xf32, #tpu.memory_space<vmem>>) offsets(%dma_start3A_31 : memref<128xi32, #tpu.memory_space<vmem>>) semaphore(%arg12 : memref<!tpu.dma_semaphore, #tpu.memory_space<semaphore_mem>>)
    %scan3A_35 = arith.constant 0 : i32
    %scan3A_36 = arith.constant 0 : i32
    %scan3A_37 = arith.constant 19 : i32
    %scan3A_38 = arith.addi %scan3A_36, %scan3A_37 : i32
    %scan3A_39 = arith.constant 1 : i32
    scf.for %scan3A_100 = %scan3A_36 to %scan3A_38 step %scan3A_39  : i32 {
      %mul3A_101 = arith.constant 2 : i32
      %mul3A_102 = arith.muli %mul3A_101, %scan3A_100 : i32
      %dma_wait3A_103 = arith.constant 0 : i32
      %dma_wait3A_104 = arith.constant 0 : i32
      %dma_wait3A_105 = tpu.memref_slice %arg6[%dma_wait3A_103, %dma_wait3A_104] : memref<40x128xi32, #tpu.memory_space<vmem>> -> memref<1x128xi32, #tpu.memory_space<vmem>>
      %dma_wait3A_106 = tpu.memref_squeeze %dma_wait3A_105 : memref<1x128xi32, #tpu.memory_space<vmem>> -> memref<128xi32, #tpu.memory_space<vmem>>
      %dma_wait3A_107 = arith.constant 0 : i32
      %dma_wait3A_108 = arith.constant 0 : i32
      %dma_wait3A_109 = tpu.memref_slice %arg2[%dma_wait3A_107, %dma_wait3A_108] : memref<10000x128xf32, #tpu.memory_space<hbm>> -> memref<10000x128xf32, #tpu.memory_space<hbm>>
      tpu.wait_indirect_dma semaphore(%arg11 : memref<!tpu.dma_semaphore, #tpu.memory_space<semaphore_mem>>) src(%dma_wait3A_109 : memref<10000x128xf32, #tpu.memory_space<hbm>>) dst(%arg8 : memref<128x128xf32, #tpu.memory_space<vmem>>)
      "tpu.region"() ({
        %run_scoped3A_135 = tpu.sem_alloc : memref<!tpu.dma_semaphore, #tpu.memory_space<semaphore_mem>>
        %dma_start3A_136 = arith.constant 0 : i32
        %dma_start3A_137 = tpu.memref_slice %arg7[%mul3A_102, %dma_start3A_136] : memref<40x128xi32, #tpu.memory_space<vmem>> -> memref<1x128xi32, #tpu.memory_space<vmem>>
        %dma_start3A_138 = tpu.memref_squeeze %dma_start3A_137 : memref<1x128xi32, #tpu.memory_space<vmem>> -> memref<128xi32, #tpu.memory_space<vmem>>
        %dma_start3A_139 = arith.constant 0 : i32
        %dma_start3A_140 = arith.constant 0 : i32
        %dma_start3A_141 = tpu.memref_slice %arg10[%dma_start3A_139, %dma_start3A_140] : memref<10240x128xf32, #tpu.memory_space<vmem_shared>> -> memref<10240x128xf32, #tpu.memory_space<vmem_shared>>
        tpu.enqueue_indirect_dma source(%arg8 : memref<128x128xf32, #tpu.memory_space<vmem>>) target(%dma_start3A_141 : memref<10240x128xf32, #tpu.memory_space<vmem_shared>>) offsets(%dma_start3A_138 : memref<128xi32, #tpu.memory_space<vmem>>) semaphore(%run_scoped3A_135 : memref<!tpu.dma_semaphore, #tpu.memory_space<semaphore_mem>>) {add = true}
        %dma_wait3A_142 = arith.constant 0 : i32
        %dma_wait3A_143 = tpu.memref_slice %arg7[%mul3A_102, %dma_wait3A_142] : memref<40x128xi32, #tpu.memory_space<vmem>> -> memref<1x128xi32, #tpu.memory_space<vmem>>
        %dma_wait3A_144 = tpu.memref_squeeze %dma_wait3A_143 : memref<1x128xi32, #tpu.memory_space<vmem>> -> memref<128xi32, #tpu.memory_space<vmem>>
        %dma_wait3A_145 = arith.constant 0 : i32
        %dma_wait3A_146 = arith.constant 0 : i32
        %dma_wait3A_147 = tpu.memref_slice %arg10[%dma_wait3A_145, %dma_wait3A_146] : memref<10240x128xf32, #tpu.memory_space<vmem_shared>> -> memref<10240x128xf32, #tpu.memory_space<vmem_shared>>
        tpu.wait_indirect_dma semaphore(%run_scoped3A_135 : memref<!tpu.dma_semaphore, #tpu.memory_space<semaphore_mem>>) src(%arg8 : memref<128x128xf32, #tpu.memory_space<vmem>>) dst(%dma_wait3A_147 : memref<10240x128xf32, #tpu.memory_space<vmem_shared>>)
        tpu.yield
      }) : () -> ()
      %add3A_110 = arith.constant 2 : i32
      %add3A_111 = arith.addi %mul3A_102, %add3A_110 : i32
      %dma_start3A_112 = arith.constant 0 : i32
      %dma_start3A_113 = tpu.memref_slice %arg6[%add3A_111, %dma_start3A_112] : memref<40x128xi32, #tpu.memory_space<vmem>> -> memref<1x128xi32, #tpu.memory_space<vmem>>
      %dma_start3A_114 = tpu.memref_squeeze %dma_start3A_113 : memref<1x128xi32, #tpu.memory_space<vmem>> -> memref<128xi32, #tpu.memory_space<vmem>>
      %dma_start3A_115 = arith.constant 0 : i32
      %dma_start3A_116 = arith.constant 0 : i32
      %dma_start3A_117 = tpu.memref_slice %arg2[%dma_start3A_115, %dma_start3A_116] : memref<10000x128xf32, #tpu.memory_space<hbm>> -> memref<10000x128xf32, #tpu.memory_space<hbm>>
      tpu.enqueue_indirect_dma source(%dma_start3A_117 : memref<10000x128xf32, #tpu.memory_space<hbm>>) target(%arg8 : memref<128x128xf32, #tpu.memory_space<vmem>>) offsets(%dma_start3A_114 : memref<128xi32, #tpu.memory_space<vmem>>) semaphore(%arg11 : memref<!tpu.dma_semaphore, #tpu.memory_space<semaphore_mem>>)
      %dma_wait3A_118 = arith.constant 0 : i32
      %dma_wait3A_119 = arith.constant 0 : i32
      %dma_wait3A_120 = tpu.memref_slice %arg6[%dma_wait3A_118, %dma_wait3A_119] : memref<40x128xi32, #tpu.memory_space<vmem>> -> memref<1x128xi32, #tpu.memory_space<vmem>>
      %dma_wait3A_121 = tpu.memref_squeeze %dma_wait3A_120 : memref<1x128xi32, #tpu.memory_space<vmem>> -> memref<128xi32, #tpu.memory_space<vmem>>
      %dma_wait3A_122 = arith.constant 0 : i32
      %dma_wait3A_123 = arith.constant 0 : i32
      %dma_wait3A_124 = tpu.memref_slice %arg2[%dma_wait3A_122, %dma_wait3A_123] : memref<10000x128xf32, #tpu.memory_space<hbm>> -> memref<10000x128xf32, #tpu.memory_space<hbm>>
      tpu.wait_indirect_dma semaphore(%arg12 : memref<!tpu.dma_semaphore, #tpu.memory_space<semaphore_mem>>) src(%dma_wait3A_124 : memref<10000x128xf32, #tpu.memory_space<hbm>>) dst(%arg9 : memref<128x128xf32, #tpu.memory_space<vmem>>)
      %add3A_125 = arith.constant 1 : i32
      %add3A_126 = arith.addi %mul3A_102, %add3A_125 : i32
      "tpu.region"() ({
        %run_scoped3A_135 = tpu.sem_alloc : memref<!tpu.dma_semaphore, #tpu.memory_space<semaphore_mem>>
        %dma_start3A_136 = arith.constant 0 : i32
        %dma_start3A_137 = tpu.memref_slice %arg7[%add3A_126, %dma_start3A_136] : memref<40x128xi32, #tpu.memory_space<vmem>> -> memref<1x128xi32, #tpu.memory_space<vmem>>
        %dma_start3A_138 = tpu.memref_squeeze %dma_start3A_137 : memref<1x128xi32, #tpu.memory_space<vmem>> -> memref<128xi32, #tpu.memory_space<vmem>>
        %dma_start3A_139 = arith.constant 0 : i32
        %dma_start3A_140 = arith.constant 0 : i32
        %dma_start3A_141 = tpu.memref_slice %arg10[%dma_start3A_139, %dma_start3A_140] : memref<10240x128xf32, #tpu.memory_space<vmem_shared>> -> memref<10240x128xf32, #tpu.memory_space<vmem_shared>>
        tpu.enqueue_indirect_dma source(%arg9 : memref<128x128xf32, #tpu.memory_space<vmem>>) target(%dma_start3A_141 : memref<10240x128xf32, #tpu.memory_space<vmem_shared>>) offsets(%dma_start3A_138 : memref<128xi32, #tpu.memory_space<vmem>>) semaphore(%run_scoped3A_135 : memref<!tpu.dma_semaphore, #tpu.memory_space<semaphore_mem>>) {add = true}
        %dma_wait3A_142 = arith.constant 0 : i32
        %dma_wait3A_143 = tpu.memref_slice %arg7[%add3A_126, %dma_wait3A_142] : memref<40x128xi32, #tpu.memory_space<vmem>> -> memref<1x128xi32, #tpu.memory_space<vmem>>
        %dma_wait3A_144 = tpu.memref_squeeze %dma_wait3A_143 : memref<1x128xi32, #tpu.memory_space<vmem>> -> memref<128xi32, #tpu.memory_space<vmem>>
        %dma_wait3A_145 = arith.constant 0 : i32
        %dma_wait3A_146 = arith.constant 0 : i32
        %dma_wait3A_147 = tpu.memref_slice %arg10[%dma_wait3A_145, %dma_wait3A_146] : memref<10240x128xf32, #tpu.memory_space<vmem_shared>> -> memref<10240x128xf32, #tpu.memory_space<vmem_shared>>
        tpu.wait_indirect_dma semaphore(%run_scoped3A_135 : memref<!tpu.dma_semaphore, #tpu.memory_space<semaphore_mem>>) src(%arg9 : memref<128x128xf32, #tpu.memory_space<vmem>>) dst(%dma_wait3A_147 : memref<10240x128xf32, #tpu.memory_space<vmem_shared>>)
        tpu.yield
      }) : () -> ()
      %add3A_127 = arith.constant 3 : i32
      %add3A_128 = arith.addi %mul3A_102, %add3A_127 : i32
      %dma_start3A_129 = arith.constant 0 : i32
      %dma_start3A_130 = tpu.memref_slice %arg6[%add3A_128, %dma_start3A_129] : memref<40x128xi32, #tpu.memory_space<vmem>> -> memref<1x128xi32, #tpu.memory_space<vmem>>
      %dma_start3A_131 = tpu.memref_squeeze %dma_start3A_130 : memref<1x128xi32, #tpu.memory_space<vmem>> -> memref<128xi32, #tpu.memory_space<vmem>>
      %dma_start3A_132 = arith.constant 0 : i32
      %dma_start3A_133 = arith.constant 0 : i32
      %dma_start3A_134 = tpu.memref_slice %arg2[%dma_start3A_132, %dma_start3A_133] : memref<10000x128xf32, #tpu.memory_space<hbm>> -> memref<10000x128xf32, #tpu.memory_space<hbm>>
      tpu.enqueue_indirect_dma source(%dma_start3A_134 : memref<10000x128xf32, #tpu.memory_space<hbm>>) target(%arg9 : memref<128x128xf32, #tpu.memory_space<vmem>>) offsets(%dma_start3A_131 : memref<128xi32, #tpu.memory_space<vmem>>) semaphore(%arg12 : memref<!tpu.dma_semaphore, #tpu.memory_space<semaphore_mem>>)
    }
    %scan3A_40 = arith.constant 19 : i32
    %dma_wait3A = arith.constant 0 : i32
    %dma_wait3A_41 = arith.constant 0 : i32
    %dma_wait3A_42 = tpu.memref_slice %arg6[%dma_wait3A, %dma_wait3A_41] : memref<40x128xi32, #tpu.memory_space<vmem>> -> memref<1x128xi32, #tpu.memory_space<vmem>>
    %dma_wait3A_43 = tpu.memref_squeeze %dma_wait3A_42 : memref<1x128xi32, #tpu.memory_space<vmem>> -> memref<128xi32, #tpu.memory_space<vmem>>
    %dma_wait3A_44 = arith.constant 0 : i32
    %dma_wait3A_45 = arith.constant 0 : i32
    %dma_wait3A_46 = tpu.memref_slice %arg2[%dma_wait3A_44, %dma_wait3A_45] : memref<10000x128xf32, #tpu.memory_space<hbm>> -> memref<10000x128xf32, #tpu.memory_space<hbm>>
    tpu.wait_indirect_dma semaphore(%arg11 : memref<!tpu.dma_semaphore, #tpu.memory_space<semaphore_mem>>) src(%dma_wait3A_46 : memref<10000x128xf32, #tpu.memory_space<hbm>>) dst(%arg8 : memref<128x128xf32, #tpu.memory_space<vmem>>)
    %run_scoped3A = arith.constant 38 : i32
    "tpu.region"() ({
      %run_scoped3A_100 = tpu.sem_alloc : memref<!tpu.dma_semaphore, #tpu.memory_space<semaphore_mem>>
      %dma_start3A_101 = arith.constant 0 : i32
      %dma_start3A_102 = tpu.memref_slice %arg7[%run_scoped3A, %dma_start3A_101] : memref<40x128xi32, #tpu.memory_space<vmem>> -> memref<1x128xi32, #tpu.memory_space<vmem>>
      %dma_start3A_103 = tpu.memref_squeeze %dma_start3A_102 : memref<1x128xi32, #tpu.memory_space<vmem>> -> memref<128xi32, #tpu.memory_space<vmem>>
      %dma_start3A_104 = arith.constant 0 : i32
      %dma_start3A_105 = arith.constant 0 : i32
      %dma_start3A_106 = tpu.memref_slice %arg10[%dma_start3A_104, %dma_start3A_105] : memref<10240x128xf32, #tpu.memory_space<vmem_shared>> -> memref<10240x128xf32, #tpu.memory_space<vmem_shared>>
      tpu.enqueue_indirect_dma source(%arg8 : memref<128x128xf32, #tpu.memory_space<vmem>>) target(%dma_start3A_106 : memref<10240x128xf32, #tpu.memory_space<vmem_shared>>) offsets(%dma_start3A_103 : memref<128xi32, #tpu.memory_space<vmem>>) semaphore(%run_scoped3A_100 : memref<!tpu.dma_semaphore, #tpu.memory_space<semaphore_mem>>) {add = true}
      %dma_wait3A_107 = arith.constant 0 : i32
      %dma_wait3A_108 = tpu.memref_slice %arg7[%run_scoped3A, %dma_wait3A_107] : memref<40x128xi32, #tpu.memory_space<vmem>> -> memref<1x128xi32, #tpu.memory_space<vmem>>
      %dma_wait3A_109 = tpu.memref_squeeze %dma_wait3A_108 : memref<1x128xi32, #tpu.memory_space<vmem>> -> memref<128xi32, #tpu.memory_space<vmem>>
      %dma_wait3A_110 = arith.constant 0 : i32
      %dma_wait3A_111 = arith.constant 0 : i32
      %dma_wait3A_112 = tpu.memref_slice %arg10[%dma_wait3A_110, %dma_wait3A_111] : memref<10240x128xf32, #tpu.memory_space<vmem_shared>> -> memref<10240x128xf32, #tpu.memory_space<vmem_shared>>
      tpu.wait_indirect_dma semaphore(%run_scoped3A_100 : memref<!tpu.dma_semaphore, #tpu.memory_space<semaphore_mem>>) src(%arg8 : memref<128x128xf32, #tpu.memory_space<vmem>>) dst(%dma_wait3A_112 : memref<10240x128xf32, #tpu.memory_space<vmem_shared>>)
      tpu.yield
    }) : () -> ()
    %dma_wait3A_47 = arith.constant 0 : i32
    %dma_wait3A_48 = arith.constant 0 : i32
    %dma_wait3A_49 = tpu.memref_slice %arg6[%dma_wait3A_47, %dma_wait3A_48] : memref<40x128xi32, #tpu.memory_space<vmem>> -> memref<1x128xi32, #tpu.memory_space<vmem>>
    %dma_wait3A_50 = tpu.memref_squeeze %dma_wait3A_49 : memref<1x128xi32, #tpu.memory_space<vmem>> -> memref<128xi32, #tpu.memory_space<vmem>>
    %dma_wait3A_51 = arith.constant 0 : i32
    %dma_wait3A_52 = arith.constant 0 : i32
    %dma_wait3A_53 = tpu.memref_slice %arg2[%dma_wait3A_51, %dma_wait3A_52] : memref<10000x128xf32, #tpu.memory_space<hbm>> -> memref<10000x128xf32, #tpu.memory_space<hbm>>
    tpu.wait_indirect_dma semaphore(%arg12 : memref<!tpu.dma_semaphore, #tpu.memory_space<semaphore_mem>>) src(%dma_wait3A_53 : memref<10000x128xf32, #tpu.memory_space<hbm>>) dst(%arg9 : memref<128x128xf32, #tpu.memory_space<vmem>>)
    %run_scoped3A_54 = arith.constant 39 : i32
    "tpu.region"() ({
      %run_scoped3A_100 = tpu.sem_alloc : memref<!tpu.dma_semaphore, #tpu.memory_space<semaphore_mem>>
      %dma_start3A_101 = arith.constant 0 : i32
      %dma_start3A_102 = tpu.memref_slice %arg7[%run_scoped3A_54, %dma_start3A_101] : memref<40x128xi32, #tpu.memory_space<vmem>> -> memref<1x128xi32, #tpu.memory_space<vmem>>
      %dma_start3A_103 = tpu.memref_squeeze %dma_start3A_102 : memref<1x128xi32, #tpu.memory_space<vmem>> -> memref<128xi32, #tpu.memory_space<vmem>>
      %dma_start3A_104 = arith.constant 0 : i32
      %dma_start3A_105 = arith.constant 0 : i32
      %dma_start3A_106 = tpu.memref_slice %arg10[%dma_start3A_104, %dma_start3A_105] : memref<10240x128xf32, #tpu.memory_space<vmem_shared>> -> memref<10240x128xf32, #tpu.memory_space<vmem_shared>>
      tpu.enqueue_indirect_dma source(%arg9 : memref<128x128xf32, #tpu.memory_space<vmem>>) target(%dma_start3A_106 : memref<10240x128xf32, #tpu.memory_space<vmem_shared>>) offsets(%dma_start3A_103 : memref<128xi32, #tpu.memory_space<vmem>>) semaphore(%run_scoped3A_100 : memref<!tpu.dma_semaphore, #tpu.memory_space<semaphore_mem>>) {add = true}
      %dma_wait3A_107 = arith.constant 0 : i32
      %dma_wait3A_108 = tpu.memref_slice %arg7[%run_scoped3A_54, %dma_wait3A_107] : memref<40x128xi32, #tpu.memory_space<vmem>> -> memref<1x128xi32, #tpu.memory_space<vmem>>
      %dma_wait3A_109 = tpu.memref_squeeze %dma_wait3A_108 : memref<1x128xi32, #tpu.memory_space<vmem>> -> memref<128xi32, #tpu.memory_space<vmem>>
      %dma_wait3A_110 = arith.constant 0 : i32
      %dma_wait3A_111 = arith.constant 0 : i32
      %dma_wait3A_112 = tpu.memref_slice %arg10[%dma_wait3A_110, %dma_wait3A_111] : memref<10240x128xf32, #tpu.memory_space<vmem_shared>> -> memref<10240x128xf32, #tpu.memory_space<vmem_shared>>
      tpu.wait_indirect_dma semaphore(%run_scoped3A_100 : memref<!tpu.dma_semaphore, #tpu.memory_space<semaphore_mem>>) src(%arg9 : memref<128x128xf32, #tpu.memory_space<vmem>>) dst(%dma_wait3A_112 : memref<10240x128xf32, #tpu.memory_space<vmem_shared>>)
      tpu.yield
    }) : () -> ()
    %mul3A_55 = arith.constant 80 : i32
    %mul3A_56 = arith.muli %add3A, %mul3A_55 : i32
    %add3A_57 = arith.constant 40 : i32
    %add3A_58 = arith.addi %mul3A_56, %add3A_57 : i32
    "tpu.region"() ({
      %run_scoped3A_100 = tpu.sem_alloc : memref<!tpu.dma_semaphore, #tpu.memory_space<semaphore_mem>>
      %dma_start3A_101 = arith.constant 0 : i32
      %dma_start3A_102 = tpu.memref_slice %arg3[%add3A_58, %dma_start3A_101] : memref<2560x128xi32, #tpu.memory_space<hbm>> -> memref<40x128xi32, #tpu.memory_space<hbm>>
      %dma_start3A_103 = arith.constant 0 : i32
      %dma_start3A_104 = tpu.memref_slice %arg3[%add3A_58, %dma_start3A_103] : memref<2560x128xi32, #tpu.memory_space<hbm>> -> memref<40x128xi32, #tpu.memory_space<hbm>>
      tpu.enqueue_dma source(%dma_start3A_104 : memref<40x128xi32, #tpu.memory_space<hbm>>) target(%arg6 : memref<40x128xi32, #tpu.memory_space<vmem>>) target_semaphore(%run_scoped3A_100 : memref<!tpu.dma_semaphore, #tpu.memory_space<semaphore_mem>>)
      %dma_wait3A_105 = arith.constant 0 : i32
      %dma_wait3A_106 = tpu.memref_slice %arg3[%add3A_58, %dma_wait3A_105] : memref<2560x128xi32, #tpu.memory_space<hbm>> -> memref<40x128xi32, #tpu.memory_space<hbm>>
      %dma_wait3A_107 = arith.constant 0 : i32
      %dma_wait3A_108 = tpu.memref_slice %arg3[%add3A_58, %dma_wait3A_107] : memref<2560x128xi32, #tpu.memory_space<hbm>> -> memref<40x128xi32, #tpu.memory_space<hbm>>
      tpu.wait_dma2 semaphore(%run_scoped3A_100 : memref<!tpu.dma_semaphore, #tpu.memory_space<semaphore_mem>>) src(%dma_wait3A_108 : memref<40x128xi32, #tpu.memory_space<hbm>>) dst(%arg6 : memref<40x128xi32, #tpu.memory_space<vmem>>)
      tpu.yield
    }) : () -> ()
    %mul3A_59 = arith.constant 80 : i32
    %mul3A_60 = arith.muli %add3A, %mul3A_59 : i32
    %add3A_61 = arith.constant 40 : i32
    %add3A_62 = arith.addi %mul3A_60, %add3A_61 : i32
    "tpu.region"() ({
      %run_scoped3A_100 = tpu.sem_alloc : memref<!tpu.dma_semaphore, #tpu.memory_space<semaphore_mem>>
      %dma_start3A_101 = arith.constant 0 : i32
      %dma_start3A_102 = tpu.memref_slice %arg4[%add3A_62, %dma_start3A_101] : memref<2560x128xi32, #tpu.memory_space<hbm>> -> memref<40x128xi32, #tpu.memory_space<hbm>>
      %dma_start3A_103 = arith.constant 0 : i32
      %dma_start3A_104 = tpu.memref_slice %arg4[%add3A_62, %dma_start3A_103] : memref<2560x128xi32, #tpu.memory_space<hbm>> -> memref<40x128xi32, #tpu.memory_space<hbm>>
      tpu.enqueue_dma source(%dma_start3A_104 : memref<40x128xi32, #tpu.memory_space<hbm>>) target(%arg7 : memref<40x128xi32, #tpu.memory_space<vmem>>) target_semaphore(%run_scoped3A_100 : memref<!tpu.dma_semaphore, #tpu.memory_space<semaphore_mem>>)
      %dma_wait3A_105 = arith.constant 0 : i32
      %dma_wait3A_106 = tpu.memref_slice %arg4[%add3A_62, %dma_wait3A_105] : memref<2560x128xi32, #tpu.memory_space<hbm>> -> memref<40x128xi32, #tpu.memory_space<hbm>>
      %dma_wait3A_107 = arith.constant 0 : i32
      %dma_wait3A_108 = tpu.memref_slice %arg4[%add3A_62, %dma_wait3A_107] : memref<2560x128xi32, #tpu.memory_space<hbm>> -> memref<40x128xi32, #tpu.memory_space<hbm>>
      tpu.wait_dma2 semaphore(%run_scoped3A_100 : memref<!tpu.dma_semaphore, #tpu.memory_space<semaphore_mem>>) src(%dma_wait3A_108 : memref<40x128xi32, #tpu.memory_space<hbm>>) dst(%arg7 : memref<40x128xi32, #tpu.memory_space<vmem>>)
      tpu.yield
    }) : () -> ()
    %dma_start3A_63 = arith.constant 0 : i32
    %dma_start3A_64 = arith.constant 0 : i32
    %dma_start3A_65 = tpu.memref_slice %arg6[%dma_start3A_63, %dma_start3A_64] : memref<40x128xi32, #tpu.memory_space<vmem>> -> memref<1x128xi32, #tpu.memory_space<vmem>>
    %dma_start3A_66 = tpu.memref_squeeze %dma_start3A_65 : memref<1x128xi32, #tpu.memory_space<vmem>> -> memref<128xi32, #tpu.memory_space<vmem>>
    %dma_start3A_67 = arith.constant 0 : i32
    %dma_start3A_68 = arith.constant 0 : i32
    %dma_start3A_69 = tpu.memref_slice %arg2[%dma_start3A_67, %dma_start3A_68] : memref<10000x128xf32, #tpu.memory_space<hbm>> -> memref<10000x128xf32, #tpu.memory_space<hbm>>
    tpu.enqueue_indirect_dma source(%dma_start3A_69 : memref<10000x128xf32, #tpu.memory_space<hbm>>) target(%arg8 : memref<128x128xf32, #tpu.memory_space<vmem>>) offsets(%dma_start3A_66 : memref<128xi32, #tpu.memory_space<vmem>>) semaphore(%arg11 : memref<!tpu.dma_semaphore, #tpu.memory_space<semaphore_mem>>)
    %dma_start3A_70 = arith.constant 1 : i32
    %dma_start3A_71 = arith.constant 0 : i32
    %dma_start3A_72 = tpu.memref_slice %arg6[%dma_start3A_70, %dma_start3A_71] : memref<40x128xi32, #tpu.memory_space<vmem>> -> memref<1x128xi32, #tpu.memory_space<vmem>>
    %dma_start3A_73 = tpu.memref_squeeze %dma_start3A_72 : memref<1x128xi32, #tpu.memory_space<vmem>> -> memref<128xi32, #tpu.memory_space<vmem>>
    %dma_start3A_74 = arith.constant 0 : i32
    %dma_start3A_75 = arith.constant 0 : i32
    %dma_start3A_76 = tpu.memref_slice %arg2[%dma_start3A_74, %dma_start3A_75] : memref<10000x128xf32, #tpu.memory_space<hbm>> -> memref<10000x128xf32, #tpu.memory_space<hbm>>
    tpu.enqueue_indirect_dma source(%dma_start3A_76 : memref<10000x128xf32, #tpu.memory_space<hbm>>) target(%arg9 : memref<128x128xf32, #tpu.memory_space<vmem>>) offsets(%dma_start3A_73 : memref<128xi32, #tpu.memory_space<vmem>>) semaphore(%arg12 : memref<!tpu.dma_semaphore, #tpu.memory_space<semaphore_mem>>)
    %scan3A_77 = arith.constant 0 : i32
    %scan3A_78 = arith.constant 0 : i32
    %scan3A_79 = arith.constant 19 : i32
    %scan3A_80 = arith.addi %scan3A_78, %scan3A_79 : i32
    %scan3A_81 = arith.constant 1 : i32
    scf.for %scan3A_100 = %scan3A_78 to %scan3A_80 step %scan3A_81  : i32 {
      %mul3A_101 = arith.constant 2 : i32
      %mul3A_102 = arith.muli %mul3A_101, %scan3A_100 : i32
      %dma_wait3A_103 = arith.constant 0 : i32
      %dma_wait3A_104 = arith.constant 0 : i32
      %dma_wait3A_105 = tpu.memref_slice %arg6[%dma_wait3A_103, %dma_wait3A_104] : memref<40x128xi32, #tpu.memory_space<vmem>> -> memref<1x128xi32, #tpu.memory_space<vmem>>
      %dma_wait3A_106 = tpu.memref_squeeze %dma_wait3A_105 : memref<1x128xi32, #tpu.memory_space<vmem>> -> memref<128xi32, #tpu.memory_space<vmem>>
      %dma_wait3A_107 = arith.constant 0 : i32
      %dma_wait3A_108 = arith.constant 0 : i32
      %dma_wait3A_109 = tpu.memref_slice %arg2[%dma_wait3A_107, %dma_wait3A_108] : memref<10000x128xf32, #tpu.memory_space<hbm>> -> memref<10000x128xf32, #tpu.memory_space<hbm>>
      tpu.wait_indirect_dma semaphore(%arg11 : memref<!tpu.dma_semaphore, #tpu.memory_space<semaphore_mem>>) src(%dma_wait3A_109 : memref<10000x128xf32, #tpu.memory_space<hbm>>) dst(%arg8 : memref<128x128xf32, #tpu.memory_space<vmem>>)
      "tpu.region"() ({
        %run_scoped3A_135 = tpu.sem_alloc : memref<!tpu.dma_semaphore, #tpu.memory_space<semaphore_mem>>
        %dma_start3A_136 = arith.constant 0 : i32
        %dma_start3A_137 = tpu.memref_slice %arg7[%mul3A_102, %dma_start3A_136] : memref<40x128xi32, #tpu.memory_space<vmem>> -> memref<1x128xi32, #tpu.memory_space<vmem>>
        %dma_start3A_138 = tpu.memref_squeeze %dma_start3A_137 : memref<1x128xi32, #tpu.memory_space<vmem>> -> memref<128xi32, #tpu.memory_space<vmem>>
        %dma_start3A_139 = arith.constant 0 : i32
        %dma_start3A_140 = arith.constant 0 : i32
        %dma_start3A_141 = tpu.memref_slice %arg10[%dma_start3A_139, %dma_start3A_140] : memref<10240x128xf32, #tpu.memory_space<vmem_shared>> -> memref<10240x128xf32, #tpu.memory_space<vmem_shared>>
        tpu.enqueue_indirect_dma source(%arg8 : memref<128x128xf32, #tpu.memory_space<vmem>>) target(%dma_start3A_141 : memref<10240x128xf32, #tpu.memory_space<vmem_shared>>) offsets(%dma_start3A_138 : memref<128xi32, #tpu.memory_space<vmem>>) semaphore(%run_scoped3A_135 : memref<!tpu.dma_semaphore, #tpu.memory_space<semaphore_mem>>) {add = true}
        %dma_wait3A_142 = arith.constant 0 : i32
        %dma_wait3A_143 = tpu.memref_slice %arg7[%mul3A_102, %dma_wait3A_142] : memref<40x128xi32, #tpu.memory_space<vmem>> -> memref<1x128xi32, #tpu.memory_space<vmem>>
        %dma_wait3A_144 = tpu.memref_squeeze %dma_wait3A_143 : memref<1x128xi32, #tpu.memory_space<vmem>> -> memref<128xi32, #tpu.memory_space<vmem>>
        %dma_wait3A_145 = arith.constant 0 : i32
        %dma_wait3A_146 = arith.constant 0 : i32
        %dma_wait3A_147 = tpu.memref_slice %arg10[%dma_wait3A_145, %dma_wait3A_146] : memref<10240x128xf32, #tpu.memory_space<vmem_shared>> -> memref<10240x128xf32, #tpu.memory_space<vmem_shared>>
        tpu.wait_indirect_dma semaphore(%run_scoped3A_135 : memref<!tpu.dma_semaphore, #tpu.memory_space<semaphore_mem>>) src(%arg8 : memref<128x128xf32, #tpu.memory_space<vmem>>) dst(%dma_wait3A_147 : memref<10240x128xf32, #tpu.memory_space<vmem_shared>>)
        tpu.yield
      }) : () -> ()
      %add3A_110 = arith.constant 2 : i32
      %add3A_111 = arith.addi %mul3A_102, %add3A_110 : i32
      %dma_start3A_112 = arith.constant 0 : i32
      %dma_start3A_113 = tpu.memref_slice %arg6[%add3A_111, %dma_start3A_112] : memref<40x128xi32, #tpu.memory_space<vmem>> -> memref<1x128xi32, #tpu.memory_space<vmem>>
      %dma_start3A_114 = tpu.memref_squeeze %dma_start3A_113 : memref<1x128xi32, #tpu.memory_space<vmem>> -> memref<128xi32, #tpu.memory_space<vmem>>
      %dma_start3A_115 = arith.constant 0 : i32
      %dma_start3A_116 = arith.constant 0 : i32
      %dma_start3A_117 = tpu.memref_slice %arg2[%dma_start3A_115, %dma_start3A_116] : memref<10000x128xf32, #tpu.memory_space<hbm>> -> memref<10000x128xf32, #tpu.memory_space<hbm>>
      tpu.enqueue_indirect_dma source(%dma_start3A_117 : memref<10000x128xf32, #tpu.memory_space<hbm>>) target(%arg8 : memref<128x128xf32, #tpu.memory_space<vmem>>) offsets(%dma_start3A_114 : memref<128xi32, #tpu.memory_space<vmem>>) semaphore(%arg11 : memref<!tpu.dma_semaphore, #tpu.memory_space<semaphore_mem>>)
      %dma_wait3A_118 = arith.constant 0 : i32
      %dma_wait3A_119 = arith.constant 0 : i32
      %dma_wait3A_120 = tpu.memref_slice %arg6[%dma_wait3A_118, %dma_wait3A_119] : memref<40x128xi32, #tpu.memory_space<vmem>> -> memref<1x128xi32, #tpu.memory_space<vmem>>
      %dma_wait3A_121 = tpu.memref_squeeze %dma_wait3A_120 : memref<1x128xi32, #tpu.memory_space<vmem>> -> memref<128xi32, #tpu.memory_space<vmem>>
      %dma_wait3A_122 = arith.constant 0 : i32
      %dma_wait3A_123 = arith.constant 0 : i32
      %dma_wait3A_124 = tpu.memref_slice %arg2[%dma_wait3A_122, %dma_wait3A_123] : memref<10000x128xf32, #tpu.memory_space<hbm>> -> memref<10000x128xf32, #tpu.memory_space<hbm>>
      tpu.wait_indirect_dma semaphore(%arg12 : memref<!tpu.dma_semaphore, #tpu.memory_space<semaphore_mem>>) src(%dma_wait3A_124 : memref<10000x128xf32, #tpu.memory_space<hbm>>) dst(%arg9 : memref<128x128xf32, #tpu.memory_space<vmem>>)
      %add3A_125 = arith.constant 1 : i32
      %add3A_126 = arith.addi %mul3A_102, %add3A_125 : i32
      "tpu.region"() ({
        %run_scoped3A_135 = tpu.sem_alloc : memref<!tpu.dma_semaphore, #tpu.memory_space<semaphore_mem>>
        %dma_start3A_136 = arith.constant 0 : i32
        %dma_start3A_137 = tpu.memref_slice %arg7[%add3A_126, %dma_start3A_136] : memref<40x128xi32, #tpu.memory_space<vmem>> -> memref<1x128xi32, #tpu.memory_space<vmem>>
        %dma_start3A_138 = tpu.memref_squeeze %dma_start3A_137 : memref<1x128xi32, #tpu.memory_space<vmem>> -> memref<128xi32, #tpu.memory_space<vmem>>
        %dma_start3A_139 = arith.constant 0 : i32
        %dma_start3A_140 = arith.constant 0 : i32
        %dma_start3A_141 = tpu.memref_slice %arg10[%dma_start3A_139, %dma_start3A_140] : memref<10240x128xf32, #tpu.memory_space<vmem_shared>> -> memref<10240x128xf32, #tpu.memory_space<vmem_shared>>
        tpu.enqueue_indirect_dma source(%arg9 : memref<128x128xf32, #tpu.memory_space<vmem>>) target(%dma_start3A_141 : memref<10240x128xf32, #tpu.memory_space<vmem_shared>>) offsets(%dma_start3A_138 : memref<128xi32, #tpu.memory_space<vmem>>) semaphore(%run_scoped3A_135 : memref<!tpu.dma_semaphore, #tpu.memory_space<semaphore_mem>>) {add = true}
        %dma_wait3A_142 = arith.constant 0 : i32
        %dma_wait3A_143 = tpu.memref_slice %arg7[%add3A_126, %dma_wait3A_142] : memref<40x128xi32, #tpu.memory_space<vmem>> -> memref<1x128xi32, #tpu.memory_space<vmem>>
        %dma_wait3A_144 = tpu.memref_squeeze %dma_wait3A_143 : memref<1x128xi32, #tpu.memory_space<vmem>> -> memref<128xi32, #tpu.memory_space<vmem>>
        %dma_wait3A_145 = arith.constant 0 : i32
        %dma_wait3A_146 = arith.constant 0 : i32
        %dma_wait3A_147 = tpu.memref_slice %arg10[%dma_wait3A_145, %dma_wait3A_146] : memref<10240x128xf32, #tpu.memory_space<vmem_shared>> -> memref<10240x128xf32, #tpu.memory_space<vmem_shared>>
        tpu.wait_indirect_dma semaphore(%run_scoped3A_135 : memref<!tpu.dma_semaphore, #tpu.memory_space<semaphore_mem>>) src(%arg9 : memref<128x128xf32, #tpu.memory_space<vmem>>) dst(%dma_wait3A_147 : memref<10240x128xf32, #tpu.memory_space<vmem_shared>>)
        tpu.yield
      }) : () -> ()
      %add3A_127 = arith.constant 3 : i32
      %add3A_128 = arith.addi %mul3A_102, %add3A_127 : i32
      %dma_start3A_129 = arith.constant 0 : i32
      %dma_start3A_130 = tpu.memref_slice %arg6[%add3A_128, %dma_start3A_129] : memref<40x128xi32, #tpu.memory_space<vmem>> -> memref<1x128xi32, #tpu.memory_space<vmem>>
      %dma_start3A_131 = tpu.memref_squeeze %dma_start3A_130 : memref<1x128xi32, #tpu.memory_space<vmem>> -> memref<128xi32, #tpu.memory_space<vmem>>
      %dma_start3A_132 = arith.constant 0 : i32
      %dma_start3A_133 = arith.constant 0 : i32
      %dma_start3A_134 = tpu.memref_slice %arg2[%dma_start3A_132, %dma_start3A_133] : memref<10000x128xf32, #tpu.memory_space<hbm>> -> memref<10000x128xf32, #tpu.memory_space<hbm>>
      tpu.enqueue_indirect_dma source(%dma_start3A_134 : memref<10000x128xf32, #tpu.memory_space<hbm>>) target(%arg9 : memref<128x128xf32, #tpu.memory_space<vmem>>) offsets(%dma_start3A_131 : memref<128xi32, #tpu.memory_space<vmem>>) semaphore(%arg12 : memref<!tpu.dma_semaphore, #tpu.memory_space<semaphore_mem>>)
    }
    %scan3A_82 = arith.constant 19 : i32
    %dma_wait3A_83 = arith.constant 0 : i32
    %dma_wait3A_84 = arith.constant 0 : i32
    %dma_wait3A_85 = tpu.memref_slice %arg6[%dma_wait3A_83, %dma_wait3A_84] : memref<40x128xi32, #tpu.memory_space<vmem>> -> memref<1x128xi32, #tpu.memory_space<vmem>>
    %dma_wait3A_86 = tpu.memref_squeeze %dma_wait3A_85 : memref<1x128xi32, #tpu.memory_space<vmem>> -> memref<128xi32, #tpu.memory_space<vmem>>
    %dma_wait3A_87 = arith.constant 0 : i32
    %dma_wait3A_88 = arith.constant 0 : i32
    %dma_wait3A_89 = tpu.memref_slice %arg2[%dma_wait3A_87, %dma_wait3A_88] : memref<10000x128xf32, #tpu.memory_space<hbm>> -> memref<10000x128xf32, #tpu.memory_space<hbm>>
    tpu.wait_indirect_dma semaphore(%arg11 : memref<!tpu.dma_semaphore, #tpu.memory_space<semaphore_mem>>) src(%dma_wait3A_89 : memref<10000x128xf32, #tpu.memory_space<hbm>>) dst(%arg8 : memref<128x128xf32, #tpu.memory_space<vmem>>)
    %run_scoped3A_90 = arith.constant 38 : i32
    "tpu.region"() ({
      %run_scoped3A_100 = tpu.sem_alloc : memref<!tpu.dma_semaphore, #tpu.memory_space<semaphore_mem>>
      %dma_start3A_101 = arith.constant 0 : i32
      %dma_start3A_102 = tpu.memref_slice %arg7[%run_scoped3A_90, %dma_start3A_101] : memref<40x128xi32, #tpu.memory_space<vmem>> -> memref<1x128xi32, #tpu.memory_space<vmem>>
      %dma_start3A_103 = tpu.memref_squeeze %dma_start3A_102 : memref<1x128xi32, #tpu.memory_space<vmem>> -> memref<128xi32, #tpu.memory_space<vmem>>
      %dma_start3A_104 = arith.constant 0 : i32
      %dma_start3A_105 = arith.constant 0 : i32
      %dma_start3A_106 = tpu.memref_slice %arg10[%dma_start3A_104, %dma_start3A_105] : memref<10240x128xf32, #tpu.memory_space<vmem_shared>> -> memref<10240x128xf32, #tpu.memory_space<vmem_shared>>
      tpu.enqueue_indirect_dma source(%arg8 : memref<128x128xf32, #tpu.memory_space<vmem>>) target(%dma_start3A_106 : memref<10240x128xf32, #tpu.memory_space<vmem_shared>>) offsets(%dma_start3A_103 : memref<128xi32, #tpu.memory_space<vmem>>) semaphore(%run_scoped3A_100 : memref<!tpu.dma_semaphore, #tpu.memory_space<semaphore_mem>>) {add = true}
      %dma_wait3A_107 = arith.constant 0 : i32
      %dma_wait3A_108 = tpu.memref_slice %arg7[%run_scoped3A_90, %dma_wait3A_107] : memref<40x128xi32, #tpu.memory_space<vmem>> -> memref<1x128xi32, #tpu.memory_space<vmem>>
      %dma_wait3A_109 = tpu.memref_squeeze %dma_wait3A_108 : memref<1x128xi32, #tpu.memory_space<vmem>> -> memref<128xi32, #tpu.memory_space<vmem>>
      %dma_wait3A_110 = arith.constant 0 : i32
      %dma_wait3A_111 = arith.constant 0 : i32
      %dma_wait3A_112 = tpu.memref_slice %arg10[%dma_wait3A_110, %dma_wait3A_111] : memref<10240x128xf32, #tpu.memory_space<vmem_shared>> -> memref<10240x128xf32, #tpu.memory_space<vmem_shared>>
      tpu.wait_indirect_dma semaphore(%run_scoped3A_100 : memref<!tpu.dma_semaphore, #tpu.memory_space<semaphore_mem>>) src(%arg8 : memref<128x128xf32, #tpu.memory_space<vmem>>) dst(%dma_wait3A_112 : memref<10240x128xf32, #tpu.memory_space<vmem_shared>>)
      tpu.yield
    }) : () -> ()
    %dma_wait3A_91 = arith.constant 0 : i32
    %dma_wait3A_92 = arith.constant 0 : i32
    %dma_wait3A_93 = tpu.memref_slice %arg6[%dma_wait3A_91, %dma_wait3A_92] : memref<40x128xi32, #tpu.memory_space<vmem>> -> memref<1x128xi32, #tpu.memory_space<vmem>>
    %dma_wait3A_94 = tpu.memref_squeeze %dma_wait3A_93 : memref<1x128xi32, #tpu.memory_space<vmem>> -> memref<128xi32, #tpu.memory_space<vmem>>
    %dma_wait3A_95 = arith.constant 0 : i32
    %dma_wait3A_96 = arith.constant 0 : i32
    %dma_wait3A_97 = tpu.memref_slice %arg2[%dma_wait3A_95, %dma_wait3A_96] : memref<10000x128xf32, #tpu.memory_space<hbm>> -> memref<10000x128xf32, #tpu.memory_space<hbm>>
    tpu.wait_indirect_dma semaphore(%arg12 : memref<!tpu.dma_semaphore, #tpu.memory_space<semaphore_mem>>) src(%dma_wait3A_97 : memref<10000x128xf32, #tpu.memory_space<hbm>>) dst(%arg9 : memref<128x128xf32, #tpu.memory_space<vmem>>)
    %run_scoped3A_98 = arith.constant 39 : i32
    "tpu.region"() ({
      %run_scoped3A_100 = tpu.sem_alloc : memref<!tpu.dma_semaphore, #tpu.memory_space<semaphore_mem>>
      %dma_start3A_101 = arith.constant 0 : i32
      %dma_start3A_102 = tpu.memref_slice %arg7[%run_scoped3A_98, %dma_start3A_101] : memref<40x128xi32, #tpu.memory_space<vmem>> -> memref<1x128xi32, #tpu.memory_space<vmem>>
      %dma_start3A_103 = tpu.memref_squeeze %dma_start3A_102 : memref<1x128xi32, #tpu.memory_space<vmem>> -> memref<128xi32, #tpu.memory_space<vmem>>
      %dma_start3A_104 = arith.constant 0 : i32
      %dma_start3A_105 = arith.constant 0 : i32
      %dma_start3A_106 = tpu.memref_slice %arg10[%dma_start3A_104, %dma_start3A_105] : memref<10240x128xf32, #tpu.memory_space<vmem_shared>> -> memref<10240x128xf32, #tpu.memory_space<vmem_shared>>
      tpu.enqueue_indirect_dma source(%arg9 : memref<128x128xf32, #tpu.memory_space<vmem>>) target(%dma_start3A_106 : memref<10240x128xf32, #tpu.memory_space<vmem_shared>>) offsets(%dma_start3A_103 : memref<128xi32, #tpu.memory_space<vmem>>) semaphore(%run_scoped3A_100 : memref<!tpu.dma_semaphore, #tpu.memory_space<semaphore_mem>>) {add = true}
      %dma_wait3A_107 = arith.constant 0 : i32
      %dma_wait3A_108 = tpu.memref_slice %arg7[%run_scoped3A_98, %dma_wait3A_107] : memref<40x128xi32, #tpu.memory_space<vmem>> -> memref<1x128xi32, #tpu.memory_space<vmem>>
      %dma_wait3A_109 = tpu.memref_squeeze %dma_wait3A_108 : memref<1x128xi32, #tpu.memory_space<vmem>> -> memref<128xi32, #tpu.memory_space<vmem>>
      %dma_wait3A_110 = arith.constant 0 : i32
      %dma_wait3A_111 = arith.constant 0 : i32
      %dma_wait3A_112 = tpu.memref_slice %arg10[%dma_wait3A_110, %dma_wait3A_111] : memref<10240x128xf32, #tpu.memory_space<vmem_shared>> -> memref<10240x128xf32, #tpu.memory_space<vmem_shared>>
      tpu.wait_indirect_dma semaphore(%run_scoped3A_100 : memref<!tpu.dma_semaphore, #tpu.memory_space<semaphore_mem>>) src(%arg9 : memref<128x128xf32, #tpu.memory_space<vmem>>) dst(%dma_wait3A_112 : memref<10240x128xf32, #tpu.memory_space<vmem_shared>>)
      tpu.yield
    }) : () -> ()
    %barrier3A_99 = arith.constant 0 : index
    tpu.barrier barrier_id(%barrier3A_99)
    "tpu.region"() ({
      %run_scoped3A_100 = tpu.sem_alloc : memref<!tpu.dma_semaphore, #tpu.memory_space<semaphore_mem>>
      %dma_start3A_101 = arith.constant 0 : i32
      %dma_start3A_102 = tpu.memref_slice %arg5[%arg0, %mul3A_7, %dma_start3A_101] : memref<2x10240x128xf32, #tpu.memory_space<hbm>> -> memref<1x640x128xf32, #tpu.memory_space<hbm>>
      %dma_start3A_103 = tpu.memref_squeeze %dma_start3A_102 : memref<1x640x128xf32, #tpu.memory_space<hbm>> -> memref<640x128xf32, #tpu.memory_space<hbm>>
      %dma_start3A_104 = arith.constant 0 : i32
      %dma_start3A_105 = tpu.memref_slice %arg10[%mul3A_7, %dma_start3A_104] : memref<10240x128xf32, #tpu.memory_space<vmem_shared>> -> memref<640x128xf32, #tpu.memory_space<vmem_shared>>
      tpu.enqueue_dma source(%dma_start3A_105 : memref<640x128xf32, #tpu.memory_space<vmem_shared>>) target(%dma_start3A_103 : memref<640x128xf32, #tpu.memory_space<hbm>>) target_semaphore(%run_scoped3A_100 : memref<!tpu.dma_semaphore, #tpu.memory_space<semaphore_mem>>)
      %dma_wait3A_106 = arith.constant 0 : i32
      %dma_wait3A_107 = tpu.memref_slice %arg5[%arg0, %mul3A_7, %dma_wait3A_106] : memref<2x10240x128xf32, #tpu.memory_space<hbm>> -> memref<1x640x128xf32, #tpu.memory_space<hbm>>
      %dma_wait3A_108 = tpu.memref_squeeze %dma_wait3A_107 : memref<1x640x128xf32, #tpu.memory_space<hbm>> -> memref<640x128xf32, #tpu.memory_space<hbm>>
      %dma_wait3A_109 = arith.constant 0 : i32
      %dma_wait3A_110 = tpu.memref_slice %arg10[%mul3A_7, %dma_wait3A_109] : memref<10240x128xf32, #tpu.memory_space<vmem_shared>> -> memref<640x128xf32, #tpu.memory_space<vmem_shared>>
      tpu.wait_dma2 semaphore(%run_scoped3A_100 : memref<!tpu.dma_semaphore, #tpu.memory_space<semaphore_mem>>) src(%dma_wait3A_110 : memref<640x128xf32, #tpu.memory_space<vmem_shared>>) dst(%dma_wait3A_108 : memref<640x128xf32, #tpu.memory_space<hbm>>)
      tpu.yield
    }) : () -> ()
    return
  }
}

#map = affine_map<(d0, d1) -> (0, 0)>
#map1 = affine_map<(d0, d1) -> (0, 0, 0)>
module attributes {stable_mosaic.version = 14 : i64} {
  func.func @_spmm_body(%arg0: i32, %arg1: i32, %arg2: memref<10000x128xf32, #tpu.memory_space<hbm>>, %arg3: memref<2560x128xi32, #tpu.memory_space<hbm>>, %arg4: memref<2560x128xi32, #tpu.memory_space<hbm>>, %arg5: memref<2x10240x128xf32, #tpu.memory_space<hbm>>, %arg6: memref<40x128xi32, #tpu.memory_space<vmem>>, %arg7: memref<40x128xi32, #tpu.memory_space<vmem>>, %arg8: memref<128x128xf32, #tpu.memory_space<vmem>>, %arg9: memref<128x128xf32, #tpu.memory_space<vmem>>, %arg10: memref<10240x128xf32, #tpu.memory_space<vmem_shared>>, %arg11: memref<!tpu.dma_semaphore, #tpu.memory_space<semaphore_mem>>, %arg12: memref<!tpu.dma_semaphore, #tpu.memory_space<semaphore_mem>>) attributes {dimension_semantics = [#tpu.dimension_semantics<core_parallel>, #tpu.dimension_semantics<subcore_parallel>], iteration_bounds = array<i64: 2, 16>, scalar_prefetch = 0 : i64, scratch_operands = 7 : i64, tpu.core_type = #tpu.core_type<sc_vector_subcore>, window_params = [{transform_indices = #map}, {transform_indices = #map}, {transform_indices = #map}, {transform_indices = #map1}]} {
    %mul3A = arith.constant 2 : i32
    %mul3A_0 = arith.muli %arg1, %mul3A : i32
    %add3A = arith.addi %mul3A_0, %arg0 : i32
    %scan3A = arith.constant 0 : i32
    %scan3A_1 = arith.constant 0 : i32
    %scan3A_2 = arith.constant 1024 : i32
    %scan3A_3 = arith.addi %scan3A_1, %scan3A_2 : i32
    %scan3A_4 = arith.constant 1 : i32
    scf.for %scan3A_100 = %scan3A_1 to %scan3A_3 step %scan3A_4  : i32 {
      %jit3A = arith.constant 8 : i32
      %div3A = arith.divsi %scan3A_100, %jit3A : i32
      %sign3A = arith.constant 0 : i32
      %sign3A_101 = arith.cmpi sgt, %scan3A_100, %sign3A : i32
      %sign3A_102 = arith.extui %sign3A_101 : i1 to i32
      %sign3A_103 = arith.constant 0 : i32
      %sign3A_104 = arith.cmpi slt, %scan3A_100, %sign3A_103 : i32
      %sign3A_105 = arith.extui %sign3A_104 : i1 to i32
      %sign3A_106 = arith.subi %sign3A_102, %sign3A_105 : i32
      %sign3A_107 = arith.constant 0 : i32
      %sign3A_108 = arith.cmpi sgt, %jit3A, %sign3A_107 : i32
      %sign3A_109 = arith.extui %sign3A_108 : i1 to i32
      %sign3A_110 = arith.constant 0 : i32
      %sign3A_111 = arith.cmpi slt, %jit3A, %sign3A_110 : i32
      %sign3A_112 = arith.extui %sign3A_111 : i1 to i32
      %sign3A_113 = arith.subi %sign3A_109, %sign3A_112 : i32
      %ne3A = arith.cmpi ne, %sign3A_106, %sign3A_113 : i32
      %rem3A = arith.remsi %scan3A_100, %jit3A : i32
      %ne3A_114 = arith.constant 0 : i32
      %ne3A_115 = arith.cmpi ne, %rem3A, %ne3A_114 : i32
      %and3A = arith.andi %ne3A, %ne3A_115 : i1
      %sub3A = arith.constant 1 : i32
      %sub3A_116 = arith.subi %div3A, %sub3A : i32
      %select_n3A = arith.select %and3A, %sub3A_116, %div3A : i32
      %jit3A_117 = arith.constant 8 : i32
      %eq3A = arith.constant 0 : i32
      %eq3A_118 = arith.cmpi eq, %jit3A_117, %eq3A : i32
      %jit3A_119 = arith.constant 1 : i32
      %select_n3A_120 = arith.select %eq3A_118, %jit3A_119, %jit3A_117 : i32
      %rem3A_121 = arith.remsi %scan3A_100, %select_n3A_120 : i32
      %ne3A_122 = arith.constant 0 : i32
      %ne3A_123 = arith.cmpi ne, %rem3A_121, %ne3A_122 : i32
      %lt3A = arith.constant 0 : i32
      %lt3A_124 = arith.cmpi slt, %rem3A_121, %lt3A : i32
      %lt3A_125 = arith.constant 0 : i32
      %lt3A_126 = arith.cmpi slt, %select_n3A_120, %lt3A_125 : i32
      %ne3A_127 = arith.xori %lt3A_124, %lt3A_126 : i1
      %and3A_128 = arith.andi %ne3A_127, %ne3A_123 : i1
      %add3A_129 = arith.addi %rem3A_121, %select_n3A_120 : i32
      %select_n3A_130 = arith.select %and3A_128, %add3A_129, %rem3A_121 : i32
      %mul3A_131 = arith.constant 16 : i32
      %mul3A_132 = arith.muli %select_n3A_130, %mul3A_131 : i32
      %broadcast_in_dim3A = arith.constant 0.000000e+00 : f32
      %broadcast_in_dim3A_133 = vector.broadcast %broadcast_in_dim3A : f32 to vector<16xf32>
      %swap3A = arith.index_cast %select_n3A : i32 to index
      %swap3A_134 = arith.index_cast %mul3A_132 : i32 to index
      %swap3A_135 = tpu.vector_load %arg8[%swap3A, %swap3A_134] {strides = array<i32>} : memref<128x128xf32, #tpu.memory_space<vmem>>, vector<1x16xf32>,
      %swap3A_136 = vector.shape_cast %swap3A_135 : vector<1x16xf32> to vector<16xf32>
      %swap3A_137 = vector.shape_cast %broadcast_in_dim3A_133 : vector<16xf32> to vector<1x16xf32>
      tpu.vector_store %arg8[%swap3A, %swap3A_134], %swap3A_137 {strides = array<i32>} : memref<128x128xf32, #tpu.memory_space<vmem>>, vector<1x16xf32>,
    }
    %scan3A_5 = arith.constant 1024 : i32
    %mul3A_6 = arith.constant 640 : i32
    %mul3A_7 = arith.muli %arg1, %mul3A_6 : i32
    %scan3A_8 = arith.constant 0 : i32
    %scan3A_9 = arith.constant 0 : i32
    %scan3A_10 = arith.constant 5 : i32
    %scan3A_11 = arith.addi %scan3A_9, %scan3A_10 : i32
    %scan3A_12 = arith.constant 1 : i32
    scf.for %scan3A_100 = %scan3A_9 to %scan3A_11 step %scan3A_12  : i32 {
      %mul3A_101 = arith.constant 128 : i32
      %mul3A_102 = arith.muli %scan3A_100, %mul3A_101 : i32
      %add3A_103 = arith.addi %mul3A_7, %mul3A_102 : i32
      "tpu.region"() ({
        %run_scoped3A_104 = tpu.sem_alloc : memref<!tpu.dma_semaphore, #tpu.memory_space<semaphore_mem>>
        %dma_start3A_105 = arith.constant 0 : i32
        %dma_start3A_106 = tpu.memref_slice %arg10[%add3A_103, %dma_start3A_105] : memref<10240x128xf32, #tpu.memory_space<vmem_shared>> -> memref<128x128xf32, #tpu.memory_space<vmem_shared>>
        %dma_start3A_107 = arith.constant 0 : i32
        %dma_start3A_108 = tpu.memref_slice %arg10[%add3A_103, %dma_start3A_107] : memref<10240x128xf32, #tpu.memory_space<vmem_shared>> -> memref<128x128xf32, #tpu.memory_space<vmem_shared>>
        tpu.enqueue_dma source(%arg8 : memref<128x128xf32, #tpu.memory_space<vmem>>) target(%dma_start3A_108 : memref<128x128xf32, #tpu.memory_space<vmem_shared>>) target_semaphore(%run_scoped3A_104 : memref<!tpu.dma_semaphore, #tpu.memory_space<semaphore_mem>>)
        %dma_wait3A_109 = arith.constant 0 : i32
        %dma_wait3A_110 = tpu.memref_slice %arg10[%add3A_103, %dma_wait3A_109] : memref<10240x128xf32, #tpu.memory_space<vmem_shared>> -> memref<128x128xf32, #tpu.memory_space<vmem_shared>>
        %dma_wait3A_111 = arith.constant 0 : i32
        %dma_wait3A_112 = tpu.memref_slice %arg10[%add3A_103, %dma_wait3A_111] : memref<10240x128xf32, #tpu.memory_space<vmem_shared>> -> memref<128x128xf32, #tpu.memory_space<vmem_shared>>
        tpu.wait_dma2 semaphore(%run_scoped3A_104 : memref<!tpu.dma_semaphore, #tpu.memory_space<semaphore_mem>>) src(%arg8 : memref<128x128xf32, #tpu.memory_space<vmem>>) dst(%dma_wait3A_112 : memref<128x128xf32, #tpu.memory_space<vmem_shared>>)
        tpu.yield
      }) : () -> ()
    }
    %scan3A_13 = arith.constant 5 : i32
    %barrier3A = arith.constant 0 : index
    tpu.barrier barrier_id(%barrier3A)
    %mul3A_14 = arith.constant 80 : i32
    %mul3A_15 = arith.muli %add3A, %mul3A_14 : i32
    %add3A_16 = arith.constant 0 : i32
    %add3A_17 = arith.addi %mul3A_15, %add3A_16 : i32
    "tpu.region"() ({
      %run_scoped3A_100 = tpu.sem_alloc : memref<!tpu.dma_semaphore, #tpu.memory_space<semaphore_mem>>
      %dma_start3A_101 = arith.constant 0 : i32
      %dma_start3A_102 = tpu.memref_slice %arg3[%add3A_17, %dma_start3A_101] : memref<2560x128xi32, #tpu.memory_space<hbm>> -> memref<40x128xi32, #tpu.memory_space<hbm>>
      %dma_start3A_103 = arith.constant 0 : i32
      %dma_start3A_104 = tpu.memref_slice %arg3[%add3A_17, %dma_start3A_103] : memref<2560x128xi32, #tpu.memory_space<hbm>> -> memref<40x128xi32, #tpu.memory_space<hbm>>
      tpu.enqueue_dma source(%dma_start3A_104 : memref<40x128xi32, #tpu.memory_space<hbm>>) target(%arg6 : memref<40x128xi32, #tpu.memory_space<vmem>>) target_semaphore(%run_scoped3A_100 : memref<!tpu.dma_semaphore, #tpu.memory_space<semaphore_mem>>)
      %dma_wait3A_105 = arith.constant 0 : i32
      %dma_wait3A_106 = tpu.memref_slice %arg3[%add3A_17, %dma_wait3A_105] : memref<2560x128xi32, #tpu.memory_space<hbm>> -> memref<40x128xi32, #tpu.memory_space<hbm>>
      %dma_wait3A_107 = arith.constant 0 : i32
      %dma_wait3A_108 = tpu.memref_slice %arg3[%add3A_17, %dma_wait3A_107] : memref<2560x128xi32, #tpu.memory_space<hbm>> -> memref<40x128xi32, #tpu.memory_space<hbm>>
      tpu.wait_dma2 semaphore(%run_scoped3A_100 : memref<!tpu.dma_semaphore, #tpu.memory_space<semaphore_mem>>) src(%dma_wait3A_108 : memref<40x128xi32, #tpu.memory_space<hbm>>) dst(%arg6 : memref<40x128xi32, #tpu.memory_space<vmem>>)
      tpu.yield
    }) : () -> ()
    %mul3A_18 = arith.constant 80 : i32
    %mul3A_19 = arith.muli %add3A, %mul3A_18 : i32
    %add3A_20 = arith.constant 0 : i32
    %add3A_21 = arith.addi %mul3A_19, %add3A_20 : i32
    "tpu.region"() ({
      %run_scoped3A_100 = tpu.sem_alloc : memref<!tpu.dma_semaphore, #tpu.memory_space<semaphore_mem>>
      %dma_start3A_101 = arith.constant 0 : i32
      %dma_start3A_102 = tpu.memref_slice %arg4[%add3A_21, %dma_start3A_101] : memref<2560x128xi32, #tpu.memory_space<hbm>> -> memref<40x128xi32, #tpu.memory_space<hbm>>
      %dma_start3A_103 = arith.constant 0 : i32
      %dma_start3A_104 = tpu.memref_slice %arg4[%add3A_21, %dma_start3A_103] : memref<2560x128xi32, #tpu.memory_space<hbm>> -> memref<40x128xi32, #tpu.memory_space<hbm>>
      tpu.enqueue_dma source(%dma_start3A_104 : memref<40x128xi32, #tpu.memory_space<hbm>>) target(%arg7 : memref<40x128xi32, #tpu.memory_space<vmem>>) target_semaphore(%run_scoped3A_100 : memref<!tpu.dma_semaphore, #tpu.memory_space<semaphore_mem>>)
      %dma_wait3A_105 = arith.constant 0 : i32
      %dma_wait3A_106 = tpu.memref_slice %arg4[%add3A_21, %dma_wait3A_105] : memref<2560x128xi32, #tpu.memory_space<hbm>> -> memref<40x128xi32, #tpu.memory_space<hbm>>
      %dma_wait3A_107 = arith.constant 0 : i32
      %dma_wait3A_108 = tpu.memref_slice %arg4[%add3A_21, %dma_wait3A_107] : memref<2560x128xi32, #tpu.memory_space<hbm>> -> memref<40x128xi32, #tpu.memory_space<hbm>>
      tpu.wait_dma2 semaphore(%run_scoped3A_100 : memref<!tpu.dma_semaphore, #tpu.memory_space<semaphore_mem>>) src(%dma_wait3A_108 : memref<40x128xi32, #tpu.memory_space<hbm>>) dst(%arg7 : memref<40x128xi32, #tpu.memory_space<vmem>>)
      tpu.yield
    }) : () -> ()
    %dma_start3A = arith.constant 0 : i32
    %dma_start3A_22 = arith.constant 0 : i32
    %dma_start3A_23 = tpu.memref_slice %arg6[%dma_start3A, %dma_start3A_22] : memref<40x128xi32, #tpu.memory_space<vmem>> -> memref<1x128xi32, #tpu.memory_space<vmem>>
    %dma_start3A_24 = tpu.memref_squeeze %dma_start3A_23 : memref<1x128xi32, #tpu.memory_space<vmem>> -> memref<128xi32, #tpu.memory_space<vmem>>
    %dma_start3A_25 = arith.constant 0 : i32
    %dma_start3A_26 = arith.constant 0 : i32
    %dma_start3A_27 = tpu.memref_slice %arg2[%dma_start3A_25, %dma_start3A_26] : memref<10000x128xf32, #tpu.memory_space<hbm>> -> memref<10000x128xf32, #tpu.memory_space<hbm>>
    tpu.enqueue_indirect_dma source(%dma_start3A_27 : memref<10000x128xf32, #tpu.memory_space<hbm>>) target(%arg8 : memref<128x128xf32, #tpu.memory_space<vmem>>) offsets(%dma_start3A_24 : memref<128xi32, #tpu.memory_space<vmem>>) semaphore(%arg11 : memref<!tpu.dma_semaphore, #tpu.memory_space<semaphore_mem>>)
    %dma_start3A_28 = arith.constant 1 : i32
    %dma_start3A_29 = arith.constant 0 : i32
    %dma_start3A_30 = tpu.memref_slice %arg6[%dma_start3A_28, %dma_start3A_29] : memref<40x128xi32, #tpu.memory_space<vmem>> -> memref<1x128xi32, #tpu.memory_space<vmem>>
    %dma_start3A_31 = tpu.memref_squeeze %dma_start3A_30 : memref<1x128xi32, #tpu.memory_space<vmem>> -> memref<128xi32, #tpu.memory_space<vmem>>
    %dma_start3A_32 = arith.constant 0 : i32
    %dma_start3A_33 = arith.constant 0 : i32
    %dma_start3A_34 = tpu.memref_slice %arg2[%dma_start3A_32, %dma_start3A_33] : memref<10000x128xf32, #tpu.memory_space<hbm>> -> memref<10000x128xf32, #tpu.memory_space<hbm>>
    tpu.enqueue_indirect_dma source(%dma_start3A_34 : memref<10000x128xf32, #tpu.memory_space<hbm>>) target(%arg9 : memref<128x128xf32, #tpu.memory_space<vmem>>) offsets(%dma_start3A_31 : memref<128xi32, #tpu.memory_space<vmem>>) semaphore(%arg12 : memref<!tpu.dma_semaphore, #tpu.memory_space<semaphore_mem>>)
    %scan3A_35 = arith.constant 0 : i32
    %scan3A_36 = arith.constant 0 : i32
    %scan3A_37 = arith.constant 19 : i32
    %scan3A_38 = arith.addi %scan3A_36, %scan3A_37 : i32
    %scan3A_39 = arith.constant 1 : i32
    scf.for %scan3A_100 = %scan3A_36 to %scan3A_38 step %scan3A_39  : i32 {
      %mul3A_101 = arith.constant 2 : i32
      %mul3A_102 = arith.muli %mul3A_101, %scan3A_100 : i32
      %dma_wait3A_103 = arith.constant 0 : i32
      %dma_wait3A_104 = arith.constant 0 : i32
      %dma_wait3A_105 = tpu.memref_slice %arg6[%dma_wait3A_103, %dma_wait3A_104] : memref<40x128xi32, #tpu.memory_space<vmem>> -> memref<1x128xi32, #tpu.memory_space<vmem>>
      %dma_wait3A_106 = tpu.memref_squeeze %dma_wait3A_105 : memref<1x128xi32, #tpu.memory_space<vmem>> -> memref<128xi32, #tpu.memory_space<vmem>>
      %dma_wait3A_107 = arith.constant 0 : i32
      %dma_wait3A_108 = arith.constant 0 : i32
      %dma_wait3A_109 = tpu.memref_slice %arg2[%dma_wait3A_107, %dma_wait3A_108] : memref<10000x128xf32, #tpu.memory_space<hbm>> -> memref<10000x128xf32, #tpu.memory_space<hbm>>
      tpu.wait_indirect_dma semaphore(%arg11 : memref<!tpu.dma_semaphore, #tpu.memory_space<semaphore_mem>>) src(%dma_wait3A_109 : memref<10000x128xf32, #tpu.memory_space<hbm>>) dst(%arg8 : memref<128x128xf32, #tpu.memory_space<vmem>>)
      "tpu.region"() ({
        %run_scoped3A_135 = tpu.sem_alloc : memref<!tpu.dma_semaphore, #tpu.memory_space<semaphore_mem>>
        %dma_start3A_136 = arith.constant 0 : i32
        %dma_start3A_137 = tpu.memref_slice %arg7[%mul3A_102, %dma_start3A_136] : memref<40x128xi32, #tpu.memory_space<vmem>> -> memref<1x128xi32, #tpu.memory_space<vmem>>
        %dma_start3A_138 = tpu.memref_squeeze %dma_start3A_137 : memref<1x128xi32, #tpu.memory_space<vmem>> -> memref<128xi32, #tpu.memory_space<vmem>>
        %dma_start3A_139 = arith.constant 0 : i32
        %dma_start3A_140 = arith.constant 0 : i32
        %dma_start3A_141 = tpu.memref_slice %arg10[%dma_start3A_139, %dma_start3A_140] : memref<10240x128xf32, #tpu.memory_space<vmem_shared>> -> memref<10240x128xf32, #tpu.memory_space<vmem_shared>>
        tpu.enqueue_indirect_dma source(%arg8 : memref<128x128xf32, #tpu.memory_space<vmem>>) target(%dma_start3A_141 : memref<10240x128xf32, #tpu.memory_space<vmem_shared>>) offsets(%dma_start3A_138 : memref<128xi32, #tpu.memory_space<vmem>>) semaphore(%run_scoped3A_135 : memref<!tpu.dma_semaphore, #tpu.memory_space<semaphore_mem>>) {add = true}
        %dma_wait3A_142 = arith.constant 0 : i32
        %dma_wait3A_143 = tpu.memref_slice %arg7[%mul3A_102, %dma_wait3A_142] : memref<40x128xi32, #tpu.memory_space<vmem>> -> memref<1x128xi32, #tpu.memory_space<vmem>>
        %dma_wait3A_144 = tpu.memref_squeeze %dma_wait3A_143 : memref<1x128xi32, #tpu.memory_space<vmem>> -> memref<128xi32, #tpu.memory_space<vmem>>
        %dma_wait3A_145 = arith.constant 0 : i32
        %dma_wait3A_146 = arith.constant 0 : i32
        %dma_wait3A_147 = tpu.memref_slice %arg10[%dma_wait3A_145, %dma_wait3A_146] : memref<10240x128xf32, #tpu.memory_space<vmem_shared>> -> memref<10240x128xf32, #tpu.memory_space<vmem_shared>>
        tpu.wait_indirect_dma semaphore(%run_scoped3A_135 : memref<!tpu.dma_semaphore, #tpu.memory_space<semaphore_mem>>) src(%arg8 : memref<128x128xf32, #tpu.memory_space<vmem>>) dst(%dma_wait3A_147 : memref<10240x128xf32, #tpu.memory_space<vmem_shared>>)
        tpu.yield
      }) : () -> ()
      %add3A_110 = arith.constant 2 : i32
      %add3A_111 = arith.addi %mul3A_102, %add3A_110 : i32
      %dma_start3A_112 = arith.constant 0 : i32
      %dma_start3A_113 = tpu.memref_slice %arg6[%add3A_111, %dma_start3A_112] : memref<40x128xi32, #tpu.memory_space<vmem>> -> memref<1x128xi32, #tpu.memory_space<vmem>>
      %dma_start3A_114 = tpu.memref_squeeze %dma_start3A_113 : memref<1x128xi32, #tpu.memory_space<vmem>> -> memref<128xi32, #tpu.memory_space<vmem>>
      %dma_start3A_115 = arith.constant 0 : i32
      %dma_start3A_116 = arith.constant 0 : i32
      %dma_start3A_117 = tpu.memref_slice %arg2[%dma_start3A_115, %dma_start3A_116] : memref<10000x128xf32, #tpu.memory_space<hbm>> -> memref<10000x128xf32, #tpu.memory_space<hbm>>
      tpu.enqueue_indirect_dma source(%dma_start3A_117 : memref<10000x128xf32, #tpu.memory_space<hbm>>) target(%arg8 : memref<128x128xf32, #tpu.memory_space<vmem>>) offsets(%dma_start3A_114 : memref<128xi32, #tpu.memory_space<vmem>>) semaphore(%arg11 : memref<!tpu.dma_semaphore, #tpu.memory_space<semaphore_mem>>)
      %dma_wait3A_118 = arith.constant 0 : i32
      %dma_wait3A_119 = arith.constant 0 : i32
      %dma_wait3A_120 = tpu.memref_slice %arg6[%dma_wait3A_118, %dma_wait3A_119] : memref<40x128xi32, #tpu.memory_space<vmem>> -> memref<1x128xi32, #tpu.memory_space<vmem>>
      %dma_wait3A_121 = tpu.memref_squeeze %dma_wait3A_120 : memref<1x128xi32, #tpu.memory_space<vmem>> -> memref<128xi32, #tpu.memory_space<vmem>>
      %dma_wait3A_122 = arith.constant 0 : i32
      %dma_wait3A_123 = arith.constant 0 : i32
      %dma_wait3A_124 = tpu.memref_slice %arg2[%dma_wait3A_122, %dma_wait3A_123] : memref<10000x128xf32, #tpu.memory_space<hbm>> -> memref<10000x128xf32, #tpu.memory_space<hbm>>
      tpu.wait_indirect_dma semaphore(%arg12 : memref<!tpu.dma_semaphore, #tpu.memory_space<semaphore_mem>>) src(%dma_wait3A_124 : memref<10000x128xf32, #tpu.memory_space<hbm>>) dst(%arg9 : memref<128x128xf32, #tpu.memory_space<vmem>>)
      %add3A_125 = arith.constant 1 : i32
      %add3A_126 = arith.addi %mul3A_102, %add3A_125 : i32
      "tpu.region"() ({
        %run_scoped3A_135 = tpu.sem_alloc : memref<!tpu.dma_semaphore, #tpu.memory_space<semaphore_mem>>
        %dma_start3A_136 = arith.constant 0 : i32
        %dma_start3A_137 = tpu.memref_slice %arg7[%add3A_126, %dma_start3A_136] : memref<40x128xi32, #tpu.memory_space<vmem>> -> memref<1x128xi32, #tpu.memory_space<vmem>>
        %dma_start3A_138 = tpu.memref_squeeze %dma_start3A_137 : memref<1x128xi32, #tpu.memory_space<vmem>> -> memref<128xi32, #tpu.memory_space<vmem>>
        %dma_start3A_139 = arith.constant 0 : i32
        %dma_start3A_140 = arith.constant 0 : i32
        %dma_start3A_141 = tpu.memref_slice %arg10[%dma_start3A_139, %dma_start3A_140] : memref<10240x128xf32, #tpu.memory_space<vmem_shared>> -> memref<10240x128xf32, #tpu.memory_space<vmem_shared>>
        tpu.enqueue_indirect_dma source(%arg9 : memref<128x128xf32, #tpu.memory_space<vmem>>) target(%dma_start3A_141 : memref<10240x128xf32, #tpu.memory_space<vmem_shared>>) offsets(%dma_start3A_138 : memref<128xi32, #tpu.memory_space<vmem>>) semaphore(%run_scoped3A_135 : memref<!tpu.dma_semaphore, #tpu.memory_space<semaphore_mem>>) {add = true}
        %dma_wait3A_142 = arith.constant 0 : i32
        %dma_wait3A_143 = tpu.memref_slice %arg7[%add3A_126, %dma_wait3A_142] : memref<40x128xi32, #tpu.memory_space<vmem>> -> memref<1x128xi32, #tpu.memory_space<vmem>>
        %dma_wait3A_144 = tpu.memref_squeeze %dma_wait3A_143 : memref<1x128xi32, #tpu.memory_space<vmem>> -> memref<128xi32, #tpu.memory_space<vmem>>
        %dma_wait3A_145 = arith.constant 0 : i32
        %dma_wait3A_146 = arith.constant 0 : i32
        %dma_wait3A_147 = tpu.memref_slice %arg10[%dma_wait3A_145, %dma_wait3A_146] : memref<10240x128xf32, #tpu.memory_space<vmem_shared>> -> memref<10240x128xf32, #tpu.memory_space<vmem_shared>>
        tpu.wait_indirect_dma semaphore(%run_scoped3A_135 : memref<!tpu.dma_semaphore, #tpu.memory_space<semaphore_mem>>) src(%arg9 : memref<128x128xf32, #tpu.memory_space<vmem>>) dst(%dma_wait3A_147 : memref<10240x128xf32, #tpu.memory_space<vmem_shared>>)
        tpu.yield
      }) : () -> ()
      %add3A_127 = arith.constant 3 : i32
      %add3A_128 = arith.addi %mul3A_102, %add3A_127 : i32
      %dma_start3A_129 = arith.constant 0 : i32
      %dma_start3A_130 = tpu.memref_slice %arg6[%add3A_128, %dma_start3A_129] : memref<40x128xi32, #tpu.memory_space<vmem>> -> memref<1x128xi32, #tpu.memory_space<vmem>>
      %dma_start3A_131 = tpu.memref_squeeze %dma_start3A_130 : memref<1x128xi32, #tpu.memory_space<vmem>> -> memref<128xi32, #tpu.memory_space<vmem>>
      %dma_start3A_132 = arith.constant 0 : i32
      %dma_start3A_133 = arith.constant 0 : i32
      %dma_start3A_134 = tpu.memref_slice %arg2[%dma_start3A_132, %dma_start3A_133] : memref<10000x128xf32, #tpu.memory_space<hbm>> -> memref<10000x128xf32, #tpu.memory_space<hbm>>
      tpu.enqueue_indirect_dma source(%dma_start3A_134 : memref<10000x128xf32, #tpu.memory_space<hbm>>) target(%arg9 : memref<128x128xf32, #tpu.memory_space<vmem>>) offsets(%dma_start3A_131 : memref<128xi32, #tpu.memory_space<vmem>>) semaphore(%arg12 : memref<!tpu.dma_semaphore, #tpu.memory_space<semaphore_mem>>)
    }
    %scan3A_40 = arith.constant 19 : i32
    %dma_wait3A = arith.constant 0 : i32
    %dma_wait3A_41 = arith.constant 0 : i32
    %dma_wait3A_42 = tpu.memref_slice %arg6[%dma_wait3A, %dma_wait3A_41] : memref<40x128xi32, #tpu.memory_space<vmem>> -> memref<1x128xi32, #tpu.memory_space<vmem>>
    %dma_wait3A_43 = tpu.memref_squeeze %dma_wait3A_42 : memref<1x128xi32, #tpu.memory_space<vmem>> -> memref<128xi32, #tpu.memory_space<vmem>>
    %dma_wait3A_44 = arith.constant 0 : i32
    %dma_wait3A_45 = arith.constant 0 : i32
    %dma_wait3A_46 = tpu.memref_slice %arg2[%dma_wait3A_44, %dma_wait3A_45] : memref<10000x128xf32, #tpu.memory_space<hbm>> -> memref<10000x128xf32, #tpu.memory_space<hbm>>
    tpu.wait_indirect_dma semaphore(%arg11 : memref<!tpu.dma_semaphore, #tpu.memory_space<semaphore_mem>>) src(%dma_wait3A_46 : memref<10000x128xf32, #tpu.memory_space<hbm>>) dst(%arg8 : memref<128x128xf32, #tpu.memory_space<vmem>>)
    %run_scoped3A = arith.constant 38 : i32
    "tpu.region"() ({
      %run_scoped3A_100 = tpu.sem_alloc : memref<!tpu.dma_semaphore, #tpu.memory_space<semaphore_mem>>
      %dma_start3A_101 = arith.constant 0 : i32
      %dma_start3A_102 = tpu.memref_slice %arg7[%run_scoped3A, %dma_start3A_101] : memref<40x128xi32, #tpu.memory_space<vmem>> -> memref<1x128xi32, #tpu.memory_space<vmem>>
      %dma_start3A_103 = tpu.memref_squeeze %dma_start3A_102 : memref<1x128xi32, #tpu.memory_space<vmem>> -> memref<128xi32, #tpu.memory_space<vmem>>
      %dma_start3A_104 = arith.constant 0 : i32
      %dma_start3A_105 = arith.constant 0 : i32
      %dma_start3A_106 = tpu.memref_slice %arg10[%dma_start3A_104, %dma_start3A_105] : memref<10240x128xf32, #tpu.memory_space<vmem_shared>> -> memref<10240x128xf32, #tpu.memory_space<vmem_shared>>
      tpu.enqueue_indirect_dma source(%arg8 : memref<128x128xf32, #tpu.memory_space<vmem>>) target(%dma_start3A_106 : memref<10240x128xf32, #tpu.memory_space<vmem_shared>>) offsets(%dma_start3A_103 : memref<128xi32, #tpu.memory_space<vmem>>) semaphore(%run_scoped3A_100 : memref<!tpu.dma_semaphore, #tpu.memory_space<semaphore_mem>>) {add = true}
      %dma_wait3A_107 = arith.constant 0 : i32
      %dma_wait3A_108 = tpu.memref_slice %arg7[%run_scoped3A, %dma_wait3A_107] : memref<40x128xi32, #tpu.memory_space<vmem>> -> memref<1x128xi32, #tpu.memory_space<vmem>>
      %dma_wait3A_109 = tpu.memref_squeeze %dma_wait3A_108 : memref<1x128xi32, #tpu.memory_space<vmem>> -> memref<128xi32, #tpu.memory_space<vmem>>
      %dma_wait3A_110 = arith.constant 0 : i32
      %dma_wait3A_111 = arith.constant 0 : i32
      %dma_wait3A_112 = tpu.memref_slice %arg10[%dma_wait3A_110, %dma_wait3A_111] : memref<10240x128xf32, #tpu.memory_space<vmem_shared>> -> memref<10240x128xf32, #tpu.memory_space<vmem_shared>>
      tpu.wait_indirect_dma semaphore(%run_scoped3A_100 : memref<!tpu.dma_semaphore, #tpu.memory_space<semaphore_mem>>) src(%arg8 : memref<128x128xf32, #tpu.memory_space<vmem>>) dst(%dma_wait3A_112 : memref<10240x128xf32, #tpu.memory_space<vmem_shared>>)
      tpu.yield
    }) : () -> ()
    %dma_wait3A_47 = arith.constant 0 : i32
    %dma_wait3A_48 = arith.constant 0 : i32
    %dma_wait3A_49 = tpu.memref_slice %arg6[%dma_wait3A_47, %dma_wait3A_48] : memref<40x128xi32, #tpu.memory_space<vmem>> -> memref<1x128xi32, #tpu.memory_space<vmem>>
    %dma_wait3A_50 = tpu.memref_squeeze %dma_wait3A_49 : memref<1x128xi32, #tpu.memory_space<vmem>> -> memref<128xi32, #tpu.memory_space<vmem>>
    %dma_wait3A_51 = arith.constant 0 : i32
    %dma_wait3A_52 = arith.constant 0 : i32
    %dma_wait3A_53 = tpu.memref_slice %arg2[%dma_wait3A_51, %dma_wait3A_52] : memref<10000x128xf32, #tpu.memory_space<hbm>> -> memref<10000x128xf32, #tpu.memory_space<hbm>>
    tpu.wait_indirect_dma semaphore(%arg12 : memref<!tpu.dma_semaphore, #tpu.memory_space<semaphore_mem>>) src(%dma_wait3A_53 : memref<10000x128xf32, #tpu.memory_space<hbm>>) dst(%arg9 : memref<128x128xf32, #tpu.memory_space<vmem>>)
    %run_scoped3A_54 = arith.constant 39 : i32
    "tpu.region"() ({
      %run_scoped3A_100 = tpu.sem_alloc : memref<!tpu.dma_semaphore, #tpu.memory_space<semaphore_mem>>
      %dma_start3A_101 = arith.constant 0 : i32
      %dma_start3A_102 = tpu.memref_slice %arg7[%run_scoped3A_54, %dma_start3A_101] : memref<40x128xi32, #tpu.memory_space<vmem>> -> memref<1x128xi32, #tpu.memory_space<vmem>>
      %dma_start3A_103 = tpu.memref_squeeze %dma_start3A_102 : memref<1x128xi32, #tpu.memory_space<vmem>> -> memref<128xi32, #tpu.memory_space<vmem>>
      %dma_start3A_104 = arith.constant 0 : i32
      %dma_start3A_105 = arith.constant 0 : i32
      %dma_start3A_106 = tpu.memref_slice %arg10[%dma_start3A_104, %dma_start3A_105] : memref<10240x128xf32, #tpu.memory_space<vmem_shared>> -> memref<10240x128xf32, #tpu.memory_space<vmem_shared>>
      tpu.enqueue_indirect_dma source(%arg9 : memref<128x128xf32, #tpu.memory_space<vmem>>) target(%dma_start3A_106 : memref<10240x128xf32, #tpu.memory_space<vmem_shared>>) offsets(%dma_start3A_103 : memref<128xi32, #tpu.memory_space<vmem>>) semaphore(%run_scoped3A_100 : memref<!tpu.dma_semaphore, #tpu.memory_space<semaphore_mem>>) {add = true}
      %dma_wait3A_107 = arith.constant 0 : i32
      %dma_wait3A_108 = tpu.memref_slice %arg7[%run_scoped3A_54, %dma_wait3A_107] : memref<40x128xi32, #tpu.memory_space<vmem>> -> memref<1x128xi32, #tpu.memory_space<vmem>>
      %dma_wait3A_109 = tpu.memref_squeeze %dma_wait3A_108 : memref<1x128xi32, #tpu.memory_space<vmem>> -> memref<128xi32, #tpu.memory_space<vmem>>
      %dma_wait3A_110 = arith.constant 0 : i32
      %dma_wait3A_111 = arith.constant 0 : i32
      %dma_wait3A_112 = tpu.memref_slice %arg10[%dma_wait3A_110, %dma_wait3A_111] : memref<10240x128xf32, #tpu.memory_space<vmem_shared>> -> memref<10240x128xf32, #tpu.memory_space<vmem_shared>>
      tpu.wait_indirect_dma semaphore(%run_scoped3A_100 : memref<!tpu.dma_semaphore, #tpu.memory_space<semaphore_mem>>) src(%arg9 : memref<128x128xf32, #tpu.memory_space<vmem>>) dst(%dma_wait3A_112 : memref<10240x128xf32, #tpu.memory_space<vmem_shared>>)
      tpu.yield
    }) : () -> ()
    %mul3A_55 = arith.constant 80 : i32
    %mul3A_56 = arith.muli %add3A, %mul3A_55 : i32
    %add3A_57 = arith.constant 40 : i32
    %add3A_58 = arith.addi %mul3A_56, %add3A_57 : i32
    "tpu.region"() ({
      %run_scoped3A_100 = tpu.sem_alloc : memref<!tpu.dma_semaphore, #tpu.memory_space<semaphore_mem>>
      %dma_start3A_101 = arith.constant 0 : i32
      %dma_start3A_102 = tpu.memref_slice %arg3[%add3A_58, %dma_start3A_101] : memref<2560x128xi32, #tpu.memory_space<hbm>> -> memref<40x128xi32, #tpu.memory_space<hbm>>
      %dma_start3A_103 = arith.constant 0 : i32
      %dma_start3A_104 = tpu.memref_slice %arg3[%add3A_58, %dma_start3A_103] : memref<2560x128xi32, #tpu.memory_space<hbm>> -> memref<40x128xi32, #tpu.memory_space<hbm>>
      tpu.enqueue_dma source(%dma_start3A_104 : memref<40x128xi32, #tpu.memory_space<hbm>>) target(%arg6 : memref<40x128xi32, #tpu.memory_space<vmem>>) target_semaphore(%run_scoped3A_100 : memref<!tpu.dma_semaphore, #tpu.memory_space<semaphore_mem>>)
      %dma_wait3A_105 = arith.constant 0 : i32
      %dma_wait3A_106 = tpu.memref_slice %arg3[%add3A_58, %dma_wait3A_105] : memref<2560x128xi32, #tpu.memory_space<hbm>> -> memref<40x128xi32, #tpu.memory_space<hbm>>
      %dma_wait3A_107 = arith.constant 0 : i32
      %dma_wait3A_108 = tpu.memref_slice %arg3[%add3A_58, %dma_wait3A_107] : memref<2560x128xi32, #tpu.memory_space<hbm>> -> memref<40x128xi32, #tpu.memory_space<hbm>>
      tpu.wait_dma2 semaphore(%run_scoped3A_100 : memref<!tpu.dma_semaphore, #tpu.memory_space<semaphore_mem>>) src(%dma_wait3A_108 : memref<40x128xi32, #tpu.memory_space<hbm>>) dst(%arg6 : memref<40x128xi32, #tpu.memory_space<vmem>>)
      tpu.yield
    }) : () -> ()
    %mul3A_59 = arith.constant 80 : i32
    %mul3A_60 = arith.muli %add3A, %mul3A_59 : i32
    %add3A_61 = arith.constant 40 : i32
    %add3A_62 = arith.addi %mul3A_60, %add3A_61 : i32
    "tpu.region"() ({
      %run_scoped3A_100 = tpu.sem_alloc : memref<!tpu.dma_semaphore, #tpu.memory_space<semaphore_mem>>
      %dma_start3A_101 = arith.constant 0 : i32
      %dma_start3A_102 = tpu.memref_slice %arg4[%add3A_62, %dma_start3A_101] : memref<2560x128xi32, #tpu.memory_space<hbm>> -> memref<40x128xi32, #tpu.memory_space<hbm>>
      %dma_start3A_103 = arith.constant 0 : i32
      %dma_start3A_104 = tpu.memref_slice %arg4[%add3A_62, %dma_start3A_103] : memref<2560x128xi32, #tpu.memory_space<hbm>> -> memref<40x128xi32, #tpu.memory_space<hbm>>
      tpu.enqueue_dma source(%dma_start3A_104 : memref<40x128xi32, #tpu.memory_space<hbm>>) target(%arg7 : memref<40x128xi32, #tpu.memory_space<vmem>>) target_semaphore(%run_scoped3A_100 : memref<!tpu.dma_semaphore, #tpu.memory_space<semaphore_mem>>)
      %dma_wait3A_105 = arith.constant 0 : i32
      %dma_wait3A_106 = tpu.memref_slice %arg4[%add3A_62, %dma_wait3A_105] : memref<2560x128xi32, #tpu.memory_space<hbm>> -> memref<40x128xi32, #tpu.memory_space<hbm>>
      %dma_wait3A_107 = arith.constant 0 : i32
      %dma_wait3A_108 = tpu.memref_slice %arg4[%add3A_62, %dma_wait3A_107] : memref<2560x128xi32, #tpu.memory_space<hbm>> -> memref<40x128xi32, #tpu.memory_space<hbm>>
      tpu.wait_dma2 semaphore(%run_scoped3A_100 : memref<!tpu.dma_semaphore, #tpu.memory_space<semaphore_mem>>) src(%dma_wait3A_108 : memref<40x128xi32, #tpu.memory_space<hbm>>) dst(%arg7 : memref<40x128xi32, #tpu.memory_space<vmem>>)
      tpu.yield
    }) : () -> ()
    %dma_start3A_63 = arith.constant 0 : i32
    %dma_start3A_64 = arith.constant 0 : i32
    %dma_start3A_65 = tpu.memref_slice %arg6[%dma_start3A_63, %dma_start3A_64] : memref<40x128xi32, #tpu.memory_space<vmem>> -> memref<1x128xi32, #tpu.memory_space<vmem>>
    %dma_start3A_66 = tpu.memref_squeeze %dma_start3A_65 : memref<1x128xi32, #tpu.memory_space<vmem>> -> memref<128xi32, #tpu.memory_space<vmem>>
    %dma_start3A_67 = arith.constant 0 : i32
    %dma_start3A_68 = arith.constant 0 : i32
    %dma_start3A_69 = tpu.memref_slice %arg2[%dma_start3A_67, %dma_start3A_68] : memref<10000x128xf32, #tpu.memory_space<hbm>> -> memref<10000x128xf32, #tpu.memory_space<hbm>>
    tpu.enqueue_indirect_dma source(%dma_start3A_69 : memref<10000x128xf32, #tpu.memory_space<hbm>>) target(%arg8 : memref<128x128xf32, #tpu.memory_space<vmem>>) offsets(%dma_start3A_66 : memref<128xi32, #tpu.memory_space<vmem>>) semaphore(%arg11 : memref<!tpu.dma_semaphore, #tpu.memory_space<semaphore_mem>>)
    %dma_start3A_70 = arith.constant 1 : i32
    %dma_start3A_71 = arith.constant 0 : i32
    %dma_start3A_72 = tpu.memref_slice %arg6[%dma_start3A_70, %dma_start3A_71] : memref<40x128xi32, #tpu.memory_space<vmem>> -> memref<1x128xi32, #tpu.memory_space<vmem>>
    %dma_start3A_73 = tpu.memref_squeeze %dma_start3A_72 : memref<1x128xi32, #tpu.memory_space<vmem>> -> memref<128xi32, #tpu.memory_space<vmem>>
    %dma_start3A_74 = arith.constant 0 : i32
    %dma_start3A_75 = arith.constant 0 : i32
    %dma_start3A_76 = tpu.memref_slice %arg2[%dma_start3A_74, %dma_start3A_75] : memref<10000x128xf32, #tpu.memory_space<hbm>> -> memref<10000x128xf32, #tpu.memory_space<hbm>>
    tpu.enqueue_indirect_dma source(%dma_start3A_76 : memref<10000x128xf32, #tpu.memory_space<hbm>>) target(%arg9 : memref<128x128xf32, #tpu.memory_space<vmem>>) offsets(%dma_start3A_73 : memref<128xi32, #tpu.memory_space<vmem>>) semaphore(%arg12 : memref<!tpu.dma_semaphore, #tpu.memory_space<semaphore_mem>>)
    %scan3A_77 = arith.constant 0 : i32
    %scan3A_78 = arith.constant 0 : i32
    %scan3A_79 = arith.constant 19 : i32
    %scan3A_80 = arith.addi %scan3A_78, %scan3A_79 : i32
    %scan3A_81 = arith.constant 1 : i32
    scf.for %scan3A_100 = %scan3A_78 to %scan3A_80 step %scan3A_81  : i32 {
      %mul3A_101 = arith.constant 2 : i32
      %mul3A_102 = arith.muli %mul3A_101, %scan3A_100 : i32
      %dma_wait3A_103 = arith.constant 0 : i32
      %dma_wait3A_104 = arith.constant 0 : i32
      %dma_wait3A_105 = tpu.memref_slice %arg6[%dma_wait3A_103, %dma_wait3A_104] : memref<40x128xi32, #tpu.memory_space<vmem>> -> memref<1x128xi32, #tpu.memory_space<vmem>>
      %dma_wait3A_106 = tpu.memref_squeeze %dma_wait3A_105 : memref<1x128xi32, #tpu.memory_space<vmem>> -> memref<128xi32, #tpu.memory_space<vmem>>
      %dma_wait3A_107 = arith.constant 0 : i32
      %dma_wait3A_108 = arith.constant 0 : i32
      %dma_wait3A_109 = tpu.memref_slice %arg2[%dma_wait3A_107, %dma_wait3A_108] : memref<10000x128xf32, #tpu.memory_space<hbm>> -> memref<10000x128xf32, #tpu.memory_space<hbm>>
      tpu.wait_indirect_dma semaphore(%arg11 : memref<!tpu.dma_semaphore, #tpu.memory_space<semaphore_mem>>) src(%dma_wait3A_109 : memref<10000x128xf32, #tpu.memory_space<hbm>>) dst(%arg8 : memref<128x128xf32, #tpu.memory_space<vmem>>)
      "tpu.region"() ({
        %run_scoped3A_135 = tpu.sem_alloc : memref<!tpu.dma_semaphore, #tpu.memory_space<semaphore_mem>>
        %dma_start3A_136 = arith.constant 0 : i32
        %dma_start3A_137 = tpu.memref_slice %arg7[%mul3A_102, %dma_start3A_136] : memref<40x128xi32, #tpu.memory_space<vmem>> -> memref<1x128xi32, #tpu.memory_space<vmem>>
        %dma_start3A_138 = tpu.memref_squeeze %dma_start3A_137 : memref<1x128xi32, #tpu.memory_space<vmem>> -> memref<128xi32, #tpu.memory_space<vmem>>
        %dma_start3A_139 = arith.constant 0 : i32
        %dma_start3A_140 = arith.constant 0 : i32
        %dma_start3A_141 = tpu.memref_slice %arg10[%dma_start3A_139, %dma_start3A_140] : memref<10240x128xf32, #tpu.memory_space<vmem_shared>> -> memref<10240x128xf32, #tpu.memory_space<vmem_shared>>
        tpu.enqueue_indirect_dma source(%arg8 : memref<128x128xf32, #tpu.memory_space<vmem>>) target(%dma_start3A_141 : memref<10240x128xf32, #tpu.memory_space<vmem_shared>>) offsets(%dma_start3A_138 : memref<128xi32, #tpu.memory_space<vmem>>) semaphore(%run_scoped3A_135 : memref<!tpu.dma_semaphore, #tpu.memory_space<semaphore_mem>>) {add = true}
        %dma_wait3A_142 = arith.constant 0 : i32
        %dma_wait3A_143 = tpu.memref_slice %arg7[%mul3A_102, %dma_wait3A_142] : memref<40x128xi32, #tpu.memory_space<vmem>> -> memref<1x128xi32, #tpu.memory_space<vmem>>
        %dma_wait3A_144 = tpu.memref_squeeze %dma_wait3A_143 : memref<1x128xi32, #tpu.memory_space<vmem>> -> memref<128xi32, #tpu.memory_space<vmem>>
        %dma_wait3A_145 = arith.constant 0 : i32
        %dma_wait3A_146 = arith.constant 0 : i32
        %dma_wait3A_147 = tpu.memref_slice %arg10[%dma_wait3A_145, %dma_wait3A_146] : memref<10240x128xf32, #tpu.memory_space<vmem_shared>> -> memref<10240x128xf32, #tpu.memory_space<vmem_shared>>
        tpu.wait_indirect_dma semaphore(%run_scoped3A_135 : memref<!tpu.dma_semaphore, #tpu.memory_space<semaphore_mem>>) src(%arg8 : memref<128x128xf32, #tpu.memory_space<vmem>>) dst(%dma_wait3A_147 : memref<10240x128xf32, #tpu.memory_space<vmem_shared>>)
        tpu.yield
      }) : () -> ()
      %add3A_110 = arith.constant 2 : i32
      %add3A_111 = arith.addi %mul3A_102, %add3A_110 : i32
      %dma_start3A_112 = arith.constant 0 : i32
      %dma_start3A_113 = tpu.memref_slice %arg6[%add3A_111, %dma_start3A_112] : memref<40x128xi32, #tpu.memory_space<vmem>> -> memref<1x128xi32, #tpu.memory_space<vmem>>
      %dma_start3A_114 = tpu.memref_squeeze %dma_start3A_113 : memref<1x128xi32, #tpu.memory_space<vmem>> -> memref<128xi32, #tpu.memory_space<vmem>>
      %dma_start3A_115 = arith.constant 0 : i32
      %dma_start3A_116 = arith.constant 0 : i32
      %dma_start3A_117 = tpu.memref_slice %arg2[%dma_start3A_115, %dma_start3A_116] : memref<10000x128xf32, #tpu.memory_space<hbm>> -> memref<10000x128xf32, #tpu.memory_space<hbm>>
      tpu.enqueue_indirect_dma source(%dma_start3A_117 : memref<10000x128xf32, #tpu.memory_space<hbm>>) target(%arg8 : memref<128x128xf32, #tpu.memory_space<vmem>>) offsets(%dma_start3A_114 : memref<128xi32, #tpu.memory_space<vmem>>) semaphore(%arg11 : memref<!tpu.dma_semaphore, #tpu.memory_space<semaphore_mem>>)
      %dma_wait3A_118 = arith.constant 0 : i32
      %dma_wait3A_119 = arith.constant 0 : i32
      %dma_wait3A_120 = tpu.memref_slice %arg6[%dma_wait3A_118, %dma_wait3A_119] : memref<40x128xi32, #tpu.memory_space<vmem>> -> memref<1x128xi32, #tpu.memory_space<vmem>>
      %dma_wait3A_121 = tpu.memref_squeeze %dma_wait3A_120 : memref<1x128xi32, #tpu.memory_space<vmem>> -> memref<128xi32, #tpu.memory_space<vmem>>
      %dma_wait3A_122 = arith.constant 0 : i32
      %dma_wait3A_123 = arith.constant 0 : i32
      %dma_wait3A_124 = tpu.memref_slice %arg2[%dma_wait3A_122, %dma_wait3A_123] : memref<10000x128xf32, #tpu.memory_space<hbm>> -> memref<10000x128xf32, #tpu.memory_space<hbm>>
      tpu.wait_indirect_dma semaphore(%arg12 : memref<!tpu.dma_semaphore, #tpu.memory_space<semaphore_mem>>) src(%dma_wait3A_124 : memref<10000x128xf32, #tpu.memory_space<hbm>>) dst(%arg9 : memref<128x128xf32, #tpu.memory_space<vmem>>)
      %add3A_125 = arith.constant 1 : i32
      %add3A_126 = arith.addi %mul3A_102, %add3A_125 : i32
      "tpu.region"() ({
        %run_scoped3A_135 = tpu.sem_alloc : memref<!tpu.dma_semaphore, #tpu.memory_space<semaphore_mem>>
        %dma_start3A_136 = arith.constant 0 : i32
        %dma_start3A_137 = tpu.memref_slice %arg7[%add3A_126, %dma_start3A_136] : memref<40x128xi32, #tpu.memory_space<vmem>> -> memref<1x128xi32, #tpu.memory_space<vmem>>
        %dma_start3A_138 = tpu.memref_squeeze %dma_start3A_137 : memref<1x128xi32, #tpu.memory_space<vmem>> -> memref<128xi32, #tpu.memory_space<vmem>>
        %dma_start3A_139 = arith.constant 0 : i32
        %dma_start3A_140 = arith.constant 0 : i32
        %dma_start3A_141 = tpu.memref_slice %arg10[%dma_start3A_139, %dma_start3A_140] : memref<10240x128xf32, #tpu.memory_space<vmem_shared>> -> memref<10240x128xf32, #tpu.memory_space<vmem_shared>>
        tpu.enqueue_indirect_dma source(%arg9 : memref<128x128xf32, #tpu.memory_space<vmem>>) target(%dma_start3A_141 : memref<10240x128xf32, #tpu.memory_space<vmem_shared>>) offsets(%dma_start3A_138 : memref<128xi32, #tpu.memory_space<vmem>>) semaphore(%run_scoped3A_135 : memref<!tpu.dma_semaphore, #tpu.memory_space<semaphore_mem>>) {add = true}
        %dma_wait3A_142 = arith.constant 0 : i32
        %dma_wait3A_143 = tpu.memref_slice %arg7[%add3A_126, %dma_wait3A_142] : memref<40x128xi32, #tpu.memory_space<vmem>> -> memref<1x128xi32, #tpu.memory_space<vmem>>
        %dma_wait3A_144 = tpu.memref_squeeze %dma_wait3A_143 : memref<1x128xi32, #tpu.memory_space<vmem>> -> memref<128xi32, #tpu.memory_space<vmem>>
        %dma_wait3A_145 = arith.constant 0 : i32
        %dma_wait3A_146 = arith.constant 0 : i32
        %dma_wait3A_147 = tpu.memref_slice %arg10[%dma_wait3A_145, %dma_wait3A_146] : memref<10240x128xf32, #tpu.memory_space<vmem_shared>> -> memref<10240x128xf32, #tpu.memory_space<vmem_shared>>
        tpu.wait_indirect_dma semaphore(%run_scoped3A_135 : memref<!tpu.dma_semaphore, #tpu.memory_space<semaphore_mem>>) src(%arg9 : memref<128x128xf32, #tpu.memory_space<vmem>>) dst(%dma_wait3A_147 : memref<10240x128xf32, #tpu.memory_space<vmem_shared>>)
        tpu.yield
      }) : () -> ()
      %add3A_127 = arith.constant 3 : i32
      %add3A_128 = arith.addi %mul3A_102, %add3A_127 : i32
      %dma_start3A_129 = arith.constant 0 : i32
      %dma_start3A_130 = tpu.memref_slice %arg6[%add3A_128, %dma_start3A_129] : memref<40x128xi32, #tpu.memory_space<vmem>> -> memref<1x128xi32, #tpu.memory_space<vmem>>
      %dma_start3A_131 = tpu.memref_squeeze %dma_start3A_130 : memref<1x128xi32, #tpu.memory_space<vmem>> -> memref<128xi32, #tpu.memory_space<vmem>>
      %dma_start3A_132 = arith.constant 0 : i32
      %dma_start3A_133 = arith.constant 0 : i32
      %dma_start3A_134 = tpu.memref_slice %arg2[%dma_start3A_132, %dma_start3A_133] : memref<10000x128xf32, #tpu.memory_space<hbm>> -> memref<10000x128xf32, #tpu.memory_space<hbm>>
      tpu.enqueue_indirect_dma source(%dma_start3A_134 : memref<10000x128xf32, #tpu.memory_space<hbm>>) target(%arg9 : memref<128x128xf32, #tpu.memory_space<vmem>>) offsets(%dma_start3A_131 : memref<128xi32, #tpu.memory_space<vmem>>) semaphore(%arg12 : memref<!tpu.dma_semaphore, #tpu.memory_space<semaphore_mem>>)
    }
    %scan3A_82 = arith.constant 19 : i32
    %dma_wait3A_83 = arith.constant 0 : i32
    %dma_wait3A_84 = arith.constant 0 : i32
    %dma_wait3A_85 = tpu.memref_slice %arg6[%dma_wait3A_83, %dma_wait3A_84] : memref<40x128xi32, #tpu.memory_space<vmem>> -> memref<1x128xi32, #tpu.memory_space<vmem>>
    %dma_wait3A_86 = tpu.memref_squeeze %dma_wait3A_85 : memref<1x128xi32, #tpu.memory_space<vmem>> -> memref<128xi32, #tpu.memory_space<vmem>>
    %dma_wait3A_87 = arith.constant 0 : i32
    %dma_wait3A_88 = arith.constant 0 : i32
    %dma_wait3A_89 = tpu.memref_slice %arg2[%dma_wait3A_87, %dma_wait3A_88] : memref<10000x128xf32, #tpu.memory_space<hbm>> -> memref<10000x128xf32, #tpu.memory_space<hbm>>
    tpu.wait_indirect_dma semaphore(%arg11 : memref<!tpu.dma_semaphore, #tpu.memory_space<semaphore_mem>>) src(%dma_wait3A_89 : memref<10000x128xf32, #tpu.memory_space<hbm>>) dst(%arg8 : memref<128x128xf32, #tpu.memory_space<vmem>>)
    %run_scoped3A_90 = arith.constant 38 : i32
    "tpu.region"() ({
      %run_scoped3A_100 = tpu.sem_alloc : memref<!tpu.dma_semaphore, #tpu.memory_space<semaphore_mem>>
      %dma_start3A_101 = arith.constant 0 : i32
      %dma_start3A_102 = tpu.memref_slice %arg7[%run_scoped3A_90, %dma_start3A_101] : memref<40x128xi32, #tpu.memory_space<vmem>> -> memref<1x128xi32, #tpu.memory_space<vmem>>
      %dma_start3A_103 = tpu.memref_squeeze %dma_start3A_102 : memref<1x128xi32, #tpu.memory_space<vmem>> -> memref<128xi32, #tpu.memory_space<vmem>>
      %dma_start3A_104 = arith.constant 0 : i32
      %dma_start3A_105 = arith.constant 0 : i32
      %dma_start3A_106 = tpu.memref_slice %arg10[%dma_start3A_104, %dma_start3A_105] : memref<10240x128xf32, #tpu.memory_space<vmem_shared>> -> memref<10240x128xf32, #tpu.memory_space<vmem_shared>>
      tpu.enqueue_indirect_dma source(%arg8 : memref<128x128xf32, #tpu.memory_space<vmem>>) target(%dma_start3A_106 : memref<10240x128xf32, #tpu.memory_space<vmem_shared>>) offsets(%dma_start3A_103 : memref<128xi32, #tpu.memory_space<vmem>>) semaphore(%run_scoped3A_100 : memref<!tpu.dma_semaphore, #tpu.memory_space<semaphore_mem>>) {add = true}
      %dma_wait3A_107 = arith.constant 0 : i32
      %dma_wait3A_108 = tpu.memref_slice %arg7[%run_scoped3A_90, %dma_wait3A_107] : memref<40x128xi32, #tpu.memory_space<vmem>> -> memref<1x128xi32, #tpu.memory_space<vmem>>
      %dma_wait3A_109 = tpu.memref_squeeze %dma_wait3A_108 : memref<1x128xi32, #tpu.memory_space<vmem>> -> memref<128xi32, #tpu.memory_space<vmem>>
      %dma_wait3A_110 = arith.constant 0 : i32
      %dma_wait3A_111 = arith.constant 0 : i32
      %dma_wait3A_112 = tpu.memref_slice %arg10[%dma_wait3A_110, %dma_wait3A_111] : memref<10240x128xf32, #tpu.memory_space<vmem_shared>> -> memref<10240x128xf32, #tpu.memory_space<vmem_shared>>
      tpu.wait_indirect_dma semaphore(%run_scoped3A_100 : memref<!tpu.dma_semaphore, #tpu.memory_space<semaphore_mem>>) src(%arg8 : memref<128x128xf32, #tpu.memory_space<vmem>>) dst(%dma_wait3A_112 : memref<10240x128xf32, #tpu.memory_space<vmem_shared>>)
      tpu.yield
    }) : () -> ()
    %dma_wait3A_91 = arith.constant 0 : i32
    %dma_wait3A_92 = arith.constant 0 : i32
    %dma_wait3A_93 = tpu.memref_slice %arg6[%dma_wait3A_91, %dma_wait3A_92] : memref<40x128xi32, #tpu.memory_space<vmem>> -> memref<1x128xi32, #tpu.memory_space<vmem>>
    %dma_wait3A_94 = tpu.memref_squeeze %dma_wait3A_93 : memref<1x128xi32, #tpu.memory_space<vmem>> -> memref<128xi32, #tpu.memory_space<vmem>>
    %dma_wait3A_95 = arith.constant 0 : i32
    %dma_wait3A_96 = arith.constant 0 : i32
    %dma_wait3A_97 = tpu.memref_slice %arg2[%dma_wait3A_95, %dma_wait3A_96] : memref<10000x128xf32, #tpu.memory_space<hbm>> -> memref<10000x128xf32, #tpu.memory_space<hbm>>
    tpu.wait_indirect_dma semaphore(%arg12 : memref<!tpu.dma_semaphore, #tpu.memory_space<semaphore_mem>>) src(%dma_wait3A_97 : memref<10000x128xf32, #tpu.memory_space<hbm>>) dst(%arg9 : memref<128x128xf32, #tpu.memory_space<vmem>>)
    %run_scoped3A_98 = arith.constant 39 : i32
    "tpu.region"() ({
      %run_scoped3A_100 = tpu.sem_alloc : memref<!tpu.dma_semaphore, #tpu.memory_space<semaphore_mem>>
      %dma_start3A_101 = arith.constant 0 : i32
      %dma_start3A_102 = tpu.memref_slice %arg7[%run_scoped3A_98, %dma_start3A_101] : memref<40x128xi32, #tpu.memory_space<vmem>> -> memref<1x128xi32, #tpu.memory_space<vmem>>
      %dma_start3A_103 = tpu.memref_squeeze %dma_start3A_102 : memref<1x128xi32, #tpu.memory_space<vmem>> -> memref<128xi32, #tpu.memory_space<vmem>>
      %dma_start3A_104 = arith.constant 0 : i32
      %dma_start3A_105 = arith.constant 0 : i32
      %dma_start3A_106 = tpu.memref_slice %arg10[%dma_start3A_104, %dma_start3A_105] : memref<10240x128xf32, #tpu.memory_space<vmem_shared>> -> memref<10240x128xf32, #tpu.memory_space<vmem_shared>>
      tpu.enqueue_indirect_dma source(%arg9 : memref<128x128xf32, #tpu.memory_space<vmem>>) target(%dma_start3A_106 : memref<10240x128xf32, #tpu.memory_space<vmem_shared>>) offsets(%dma_start3A_103 : memref<128xi32, #tpu.memory_space<vmem>>) semaphore(%run_scoped3A_100 : memref<!tpu.dma_semaphore, #tpu.memory_space<semaphore_mem>>) {add = true}
      %dma_wait3A_107 = arith.constant 0 : i32
      %dma_wait3A_108 = tpu.memref_slice %arg7[%run_scoped3A_98, %dma_wait3A_107] : memref<40x128xi32, #tpu.memory_space<vmem>> -> memref<1x128xi32, #tpu.memory_space<vmem>>
      %dma_wait3A_109 = tpu.memref_squeeze %dma_wait3A_108 : memref<1x128xi32, #tpu.memory_space<vmem>> -> memref<128xi32, #tpu.memory_space<vmem>>
      %dma_wait3A_110 = arith.constant 0 : i32
      %dma_wait3A_111 = arith.constant 0 : i32
      %dma_wait3A_112 = tpu.memref_slice %arg10[%dma_wait3A_110, %dma_wait3A_111] : memref<10240x128xf32, #tpu.memory_space<vmem_shared>> -> memref<10240x128xf32, #tpu.memory_space<vmem_shared>>
      tpu.wait_indirect_dma semaphore(%run_scoped3A_100 : memref<!tpu.dma_semaphore, #tpu.memory_space<semaphore_mem>>) src(%arg9 : memref<128x128xf32, #tpu.memory_space<vmem>>) dst(%dma_wait3A_112 : memref<10240x128xf32, #tpu.memory_space<vmem_shared>>)
      tpu.yield
    }) : () -> ()
    %barrier3A_99 = arith.constant 0 : index
    tpu.barrier barrier_id(%barrier3A_99)
    "tpu.region"() ({
      %run_scoped3A_100 = tpu.sem_alloc : memref<!tpu.dma_semaphore, #tpu.memory_space<semaphore_mem>>
      %dma_start3A_101 = arith.constant 0 : i32
      %dma_start3A_102 = tpu.memref_slice %arg5[%arg0, %mul3A_7, %dma_start3A_101] : memref<2x10240x128xf32, #tpu.memory_space<hbm>> -> memref<1x640x128xf32, #tpu.memory_space<hbm>>
      %dma_start3A_103 = tpu.memref_squeeze %dma_start3A_102 : memref<1x640x128xf32, #tpu.memory_space<hbm>> -> memref<640x128xf32, #tpu.memory_space<hbm>>
      %dma_start3A_104 = arith.constant 0 : i32
      %dma_start3A_105 = tpu.memref_slice %arg10[%mul3A_7, %dma_start3A_104] : memref<10240x128xf32, #tpu.memory_space<vmem_shared>> -> memref<640x128xf32, #tpu.memory_space<vmem_shared>>
      tpu.enqueue_dma source(%dma_start3A_105 : memref<640x128xf32, #tpu.memory_space<vmem_shared>>) target(%dma_start3A_103 : memref<640x128xf32, #tpu.memory_space<hbm>>) target_semaphore(%run_scoped3A_100 : memref<!tpu.dma_semaphore, #tpu.memory_space<semaphore_mem>>)
      %dma_wait3A_106 = arith.constant 0 : i32
      %dma_wait3A_107 = tpu.memref_slice %arg5[%arg0, %mul3A_7, %dma_wait3A_106] : memref<2x10240x128xf32, #tpu.memory_space<hbm>> -> memref<1x640x128xf32, #tpu.memory_space<hbm>>
      %dma_wait3A_108 = tpu.memref_squeeze %dma_wait3A_107 : memref<1x640x128xf32, #tpu.memory_space<hbm>> -> memref<640x128xf32, #tpu.memory_space<hbm>>
      %dma_wait3A_109 = arith.constant 0 : i32
      %dma_wait3A_110 = tpu.memref_slice %arg10[%mul3A_7, %dma_wait3A_109] : memref<10240x128xf32, #tpu.memory_space<vmem_shared>> -> memref<640x128xf32, #tpu.memory_space<vmem_shared>>
      tpu.wait_dma2 semaphore(%run_scoped3A_100 : memref<!tpu.dma_semaphore, #tpu.memory_space<semaphore_mem>>) src(%dma_wait3A_110 : memref<640x128xf32, #tpu.memory_space<vmem_shared>>) dst(%dma_wait3A_108 : memref<640x128xf32, #tpu.memory_space<hbm>>)
      tpu.yield
    }) : () -> ()
    return
  }
}

#map = affine_map<(d0, d1) -> (0, 0)>
#map1 = affine_map<(d0, d1) -> (0, 0, 0)>
module attributes {stable_mosaic.version = 14 : i64} {
  func.func @_spmm_body(%arg0: i32, %arg1: i32, %arg2: memref<10000x128xf32, #tpu.memory_space<hbm>>, %arg3: memref<2560x128xi32, #tpu.memory_space<hbm>>, %arg4: memref<2560x128xi32, #tpu.memory_space<hbm>>, %arg5: memref<2x10240x128xf32, #tpu.memory_space<hbm>>, %arg6: memref<40x128xi32, #tpu.memory_space<vmem>>, %arg7: memref<40x128xi32, #tpu.memory_space<vmem>>, %arg8: memref<128x128xf32, #tpu.memory_space<vmem>>, %arg9: memref<128x128xf32, #tpu.memory_space<vmem>>, %arg10: memref<10240x128xf32, #tpu.memory_space<vmem_shared>>, %arg11: memref<!tpu.dma_semaphore, #tpu.memory_space<semaphore_mem>>, %arg12: memref<!tpu.dma_semaphore, #tpu.memory_space<semaphore_mem>>) attributes {dimension_semantics = [#tpu.dimension_semantics<core_parallel>, #tpu.dimension_semantics<subcore_parallel>], iteration_bounds = array<i64: 2, 16>, scalar_prefetch = 0 : i64, scratch_operands = 7 : i64, tpu.core_type = #tpu.core_type<sc_vector_subcore>, window_params = [{transform_indices = #map}, {transform_indices = #map}, {transform_indices = #map}, {transform_indices = #map1}]} {
    %mul3A = arith.constant 2 : i32
    %mul3A_0 = arith.muli %arg1, %mul3A : i32
    %add3A = arith.addi %mul3A_0, %arg0 : i32
    %scan3A = arith.constant 0 : i32
    %scan3A_1 = arith.constant 0 : i32
    %scan3A_2 = arith.constant 1024 : i32
    %scan3A_3 = arith.addi %scan3A_1, %scan3A_2 : i32
    %scan3A_4 = arith.constant 1 : i32
    scf.for %scan3A_100 = %scan3A_1 to %scan3A_3 step %scan3A_4  : i32 {
      %jit3A = arith.constant 8 : i32
      %div3A = arith.divsi %scan3A_100, %jit3A : i32
      %sign3A = arith.constant 0 : i32
      %sign3A_101 = arith.cmpi sgt, %scan3A_100, %sign3A : i32
      %sign3A_102 = arith.extui %sign3A_101 : i1 to i32
      %sign3A_103 = arith.constant 0 : i32
      %sign3A_104 = arith.cmpi slt, %scan3A_100, %sign3A_103 : i32
      %sign3A_105 = arith.extui %sign3A_104 : i1 to i32
      %sign3A_106 = arith.subi %sign3A_102, %sign3A_105 : i32
      %sign3A_107 = arith.constant 0 : i32
      %sign3A_108 = arith.cmpi sgt, %jit3A, %sign3A_107 : i32
      %sign3A_109 = arith.extui %sign3A_108 : i1 to i32
      %sign3A_110 = arith.constant 0 : i32
      %sign3A_111 = arith.cmpi slt, %jit3A, %sign3A_110 : i32
      %sign3A_112 = arith.extui %sign3A_111 : i1 to i32
      %sign3A_113 = arith.subi %sign3A_109, %sign3A_112 : i32
      %ne3A = arith.cmpi ne, %sign3A_106, %sign3A_113 : i32
      %rem3A = arith.remsi %scan3A_100, %jit3A : i32
      %ne3A_114 = arith.constant 0 : i32
      %ne3A_115 = arith.cmpi ne, %rem3A, %ne3A_114 : i32
      %and3A = arith.andi %ne3A, %ne3A_115 : i1
      %sub3A = arith.constant 1 : i32
      %sub3A_116 = arith.subi %div3A, %sub3A : i32
      %select_n3A = arith.select %and3A, %sub3A_116, %div3A : i32
      %jit3A_117 = arith.constant 8 : i32
      %eq3A = arith.constant 0 : i32
      %eq3A_118 = arith.cmpi eq, %jit3A_117, %eq3A : i32
      %jit3A_119 = arith.constant 1 : i32
      %select_n3A_120 = arith.select %eq3A_118, %jit3A_119, %jit3A_117 : i32
      %rem3A_121 = arith.remsi %scan3A_100, %select_n3A_120 : i32
      %ne3A_122 = arith.constant 0 : i32
      %ne3A_123 = arith.cmpi ne, %rem3A_121, %ne3A_122 : i32
      %lt3A = arith.constant 0 : i32
      %lt3A_124 = arith.cmpi slt, %rem3A_121, %lt3A : i32
      %lt3A_125 = arith.constant 0 : i32
      %lt3A_126 = arith.cmpi slt, %select_n3A_120, %lt3A_125 : i32
      %ne3A_127 = arith.xori %lt3A_124, %lt3A_126 : i1
      %and3A_128 = arith.andi %ne3A_127, %ne3A_123 : i1
      %add3A_129 = arith.addi %rem3A_121, %select_n3A_120 : i32
      %select_n3A_130 = arith.select %and3A_128, %add3A_129, %rem3A_121 : i32
      %mul3A_131 = arith.constant 16 : i32
      %mul3A_132 = arith.muli %select_n3A_130, %mul3A_131 : i32
      %broadcast_in_dim3A = arith.constant 0.000000e+00 : f32
      %broadcast_in_dim3A_133 = vector.broadcast %broadcast_in_dim3A : f32 to vector<16xf32>
      %swap3A = arith.index_cast %select_n3A : i32 to index
      %swap3A_134 = arith.index_cast %mul3A_132 : i32 to index
      %swap3A_135 = tpu.vector_load %arg8[%swap3A, %swap3A_134] {strides = array<i32>} : memref<128x128xf32, #tpu.memory_space<vmem>>, vector<1x16xf32>,
      %swap3A_136 = vector.shape_cast %swap3A_135 : vector<1x16xf32> to vector<16xf32>
      %swap3A_137 = vector.shape_cast %broadcast_in_dim3A_133 : vector<16xf32> to vector<1x16xf32>
      tpu.vector_store %arg8[%swap3A, %swap3A_134], %swap3A_137 {strides = array<i32>} : memref<128x128xf32, #tpu.memory_space<vmem>>, vector<1x16xf32>,
    }
    %scan3A_5 = arith.constant 1024 : i32
    %mul3A_6 = arith.constant 640 : i32
    %mul3A_7 = arith.muli %arg1, %mul3A_6 : i32
    %scan3A_8 = arith.constant 0 : i32
    %scan3A_9 = arith.constant 0 : i32
    %scan3A_10 = arith.constant 5 : i32
    %scan3A_11 = arith.addi %scan3A_9, %scan3A_10 : i32
    %scan3A_12 = arith.constant 1 : i32
    scf.for %scan3A_100 = %scan3A_9 to %scan3A_11 step %scan3A_12  : i32 {
      %mul3A_101 = arith.constant 128 : i32
      %mul3A_102 = arith.muli %scan3A_100, %mul3A_101 : i32
      %add3A_103 = arith.addi %mul3A_7, %mul3A_102 : i32
      "tpu.region"() ({
        %run_scoped3A_104 = tpu.sem_alloc : memref<!tpu.dma_semaphore, #tpu.memory_space<semaphore_mem>>
        %dma_start3A_105 = arith.constant 0 : i32
        %dma_start3A_106 = tpu.memref_slice %arg10[%add3A_103, %dma_start3A_105] : memref<10240x128xf32, #tpu.memory_space<vmem_shared>> -> memref<128x128xf32, #tpu.memory_space<vmem_shared>>
        %dma_start3A_107 = arith.constant 0 : i32
        %dma_start3A_108 = tpu.memref_slice %arg10[%add3A_103, %dma_start3A_107] : memref<10240x128xf32, #tpu.memory_space<vmem_shared>> -> memref<128x128xf32, #tpu.memory_space<vmem_shared>>
        tpu.enqueue_dma source(%arg8 : memref<128x128xf32, #tpu.memory_space<vmem>>) target(%dma_start3A_108 : memref<128x128xf32, #tpu.memory_space<vmem_shared>>) target_semaphore(%run_scoped3A_104 : memref<!tpu.dma_semaphore, #tpu.memory_space<semaphore_mem>>)
        %dma_wait3A_109 = arith.constant 0 : i32
        %dma_wait3A_110 = tpu.memref_slice %arg10[%add3A_103, %dma_wait3A_109] : memref<10240x128xf32, #tpu.memory_space<vmem_shared>> -> memref<128x128xf32, #tpu.memory_space<vmem_shared>>
        %dma_wait3A_111 = arith.constant 0 : i32
        %dma_wait3A_112 = tpu.memref_slice %arg10[%add3A_103, %dma_wait3A_111] : memref<10240x128xf32, #tpu.memory_space<vmem_shared>> -> memref<128x128xf32, #tpu.memory_space<vmem_shared>>
        tpu.wait_dma2 semaphore(%run_scoped3A_104 : memref<!tpu.dma_semaphore, #tpu.memory_space<semaphore_mem>>) src(%arg8 : memref<128x128xf32, #tpu.memory_space<vmem>>) dst(%dma_wait3A_112 : memref<128x128xf32, #tpu.memory_space<vmem_shared>>)
        tpu.yield
      }) : () -> ()
    }
    %scan3A_13 = arith.constant 5 : i32
    %barrier3A = arith.constant 0 : index
    tpu.barrier barrier_id(%barrier3A)
    %mul3A_14 = arith.constant 80 : i32
    %mul3A_15 = arith.muli %add3A, %mul3A_14 : i32
    %add3A_16 = arith.constant 0 : i32
    %add3A_17 = arith.addi %mul3A_15, %add3A_16 : i32
    "tpu.region"() ({
      %run_scoped3A_100 = tpu.sem_alloc : memref<!tpu.dma_semaphore, #tpu.memory_space<semaphore_mem>>
      %dma_start3A_101 = arith.constant 0 : i32
      %dma_start3A_102 = tpu.memref_slice %arg3[%add3A_17, %dma_start3A_101] : memref<2560x128xi32, #tpu.memory_space<hbm>> -> memref<40x128xi32, #tpu.memory_space<hbm>>
      %dma_start3A_103 = arith.constant 0 : i32
      %dma_start3A_104 = tpu.memref_slice %arg3[%add3A_17, %dma_start3A_103] : memref<2560x128xi32, #tpu.memory_space<hbm>> -> memref<40x128xi32, #tpu.memory_space<hbm>>
      tpu.enqueue_dma source(%dma_start3A_104 : memref<40x128xi32, #tpu.memory_space<hbm>>) target(%arg6 : memref<40x128xi32, #tpu.memory_space<vmem>>) target_semaphore(%run_scoped3A_100 : memref<!tpu.dma_semaphore, #tpu.memory_space<semaphore_mem>>)
      %dma_wait3A_105 = arith.constant 0 : i32
      %dma_wait3A_106 = tpu.memref_slice %arg3[%add3A_17, %dma_wait3A_105] : memref<2560x128xi32, #tpu.memory_space<hbm>> -> memref<40x128xi32, #tpu.memory_space<hbm>>
      %dma_wait3A_107 = arith.constant 0 : i32
      %dma_wait3A_108 = tpu.memref_slice %arg3[%add3A_17, %dma_wait3A_107] : memref<2560x128xi32, #tpu.memory_space<hbm>> -> memref<40x128xi32, #tpu.memory_space<hbm>>
      tpu.wait_dma2 semaphore(%run_scoped3A_100 : memref<!tpu.dma_semaphore, #tpu.memory_space<semaphore_mem>>) src(%dma_wait3A_108 : memref<40x128xi32, #tpu.memory_space<hbm>>) dst(%arg6 : memref<40x128xi32, #tpu.memory_space<vmem>>)
      tpu.yield
    }) : () -> ()
    %mul3A_18 = arith.constant 80 : i32
    %mul3A_19 = arith.muli %add3A, %mul3A_18 : i32
    %add3A_20 = arith.constant 0 : i32
    %add3A_21 = arith.addi %mul3A_19, %add3A_20 : i32
    "tpu.region"() ({
      %run_scoped3A_100 = tpu.sem_alloc : memref<!tpu.dma_semaphore, #tpu.memory_space<semaphore_mem>>
      %dma_start3A_101 = arith.constant 0 : i32
      %dma_start3A_102 = tpu.memref_slice %arg4[%add3A_21, %dma_start3A_101] : memref<2560x128xi32, #tpu.memory_space<hbm>> -> memref<40x128xi32, #tpu.memory_space<hbm>>
      %dma_start3A_103 = arith.constant 0 : i32
      %dma_start3A_104 = tpu.memref_slice %arg4[%add3A_21, %dma_start3A_103] : memref<2560x128xi32, #tpu.memory_space<hbm>> -> memref<40x128xi32, #tpu.memory_space<hbm>>
      tpu.enqueue_dma source(%dma_start3A_104 : memref<40x128xi32, #tpu.memory_space<hbm>>) target(%arg7 : memref<40x128xi32, #tpu.memory_space<vmem>>) target_semaphore(%run_scoped3A_100 : memref<!tpu.dma_semaphore, #tpu.memory_space<semaphore_mem>>)
      %dma_wait3A_105 = arith.constant 0 : i32
      %dma_wait3A_106 = tpu.memref_slice %arg4[%add3A_21, %dma_wait3A_105] : memref<2560x128xi32, #tpu.memory_space<hbm>> -> memref<40x128xi32, #tpu.memory_space<hbm>>
      %dma_wait3A_107 = arith.constant 0 : i32
      %dma_wait3A_108 = tpu.memref_slice %arg4[%add3A_21, %dma_wait3A_107] : memref<2560x128xi32, #tpu.memory_space<hbm>> -> memref<40x128xi32, #tpu.memory_space<hbm>>
      tpu.wait_dma2 semaphore(%run_scoped3A_100 : memref<!tpu.dma_semaphore, #tpu.memory_space<semaphore_mem>>) src(%dma_wait3A_108 : memref<40x128xi32, #tpu.memory_space<hbm>>) dst(%arg7 : memref<40x128xi32, #tpu.memory_space<vmem>>)
      tpu.yield
    }) : () -> ()
    %dma_start3A = arith.constant 0 : i32
    %dma_start3A_22 = arith.constant 0 : i32
    %dma_start3A_23 = tpu.memref_slice %arg6[%dma_start3A, %dma_start3A_22] : memref<40x128xi32, #tpu.memory_space<vmem>> -> memref<1x128xi32, #tpu.memory_space<vmem>>
    %dma_start3A_24 = tpu.memref_squeeze %dma_start3A_23 : memref<1x128xi32, #tpu.memory_space<vmem>> -> memref<128xi32, #tpu.memory_space<vmem>>
    %dma_start3A_25 = arith.constant 0 : i32
    %dma_start3A_26 = arith.constant 0 : i32
    %dma_start3A_27 = tpu.memref_slice %arg2[%dma_start3A_25, %dma_start3A_26] : memref<10000x128xf32, #tpu.memory_space<hbm>> -> memref<10000x128xf32, #tpu.memory_space<hbm>>
    tpu.enqueue_indirect_dma source(%dma_start3A_27 : memref<10000x128xf32, #tpu.memory_space<hbm>>) target(%arg8 : memref<128x128xf32, #tpu.memory_space<vmem>>) offsets(%dma_start3A_24 : memref<128xi32, #tpu.memory_space<vmem>>) semaphore(%arg11 : memref<!tpu.dma_semaphore, #tpu.memory_space<semaphore_mem>>)
    %dma_start3A_28 = arith.constant 1 : i32
    %dma_start3A_29 = arith.constant 0 : i32
    %dma_start3A_30 = tpu.memref_slice %arg6[%dma_start3A_28, %dma_start3A_29] : memref<40x128xi32, #tpu.memory_space<vmem>> -> memref<1x128xi32, #tpu.memory_space<vmem>>
    %dma_start3A_31 = tpu.memref_squeeze %dma_start3A_30 : memref<1x128xi32, #tpu.memory_space<vmem>> -> memref<128xi32, #tpu.memory_space<vmem>>
    %dma_start3A_32 = arith.constant 0 : i32
    %dma_start3A_33 = arith.constant 0 : i32
    %dma_start3A_34 = tpu.memref_slice %arg2[%dma_start3A_32, %dma_start3A_33] : memref<10000x128xf32, #tpu.memory_space<hbm>> -> memref<10000x128xf32, #tpu.memory_space<hbm>>
    tpu.enqueue_indirect_dma source(%dma_start3A_34 : memref<10000x128xf32, #tpu.memory_space<hbm>>) target(%arg9 : memref<128x128xf32, #tpu.memory_space<vmem>>) offsets(%dma_start3A_31 : memref<128xi32, #tpu.memory_space<vmem>>) semaphore(%arg12 : memref<!tpu.dma_semaphore, #tpu.memory_space<semaphore_mem>>)
    %scan3A_35 = arith.constant 0 : i32
    %scan3A_36 = arith.constant 0 : i32
    %scan3A_37 = arith.constant 19 : i32
    %scan3A_38 = arith.addi %scan3A_36, %scan3A_37 : i32
    %scan3A_39 = arith.constant 1 : i32
    scf.for %scan3A_100 = %scan3A_36 to %scan3A_38 step %scan3A_39  : i32 {
      %mul3A_101 = arith.constant 2 : i32
      %mul3A_102 = arith.muli %mul3A_101, %scan3A_100 : i32
      %dma_wait3A_103 = arith.constant 0 : i32
      %dma_wait3A_104 = arith.constant 0 : i32
      %dma_wait3A_105 = tpu.memref_slice %arg6[%dma_wait3A_103, %dma_wait3A_104] : memref<40x128xi32, #tpu.memory_space<vmem>> -> memref<1x128xi32, #tpu.memory_space<vmem>>
      %dma_wait3A_106 = tpu.memref_squeeze %dma_wait3A_105 : memref<1x128xi32, #tpu.memory_space<vmem>> -> memref<128xi32, #tpu.memory_space<vmem>>
      %dma_wait3A_107 = arith.constant 0 : i32
      %dma_wait3A_108 = arith.constant 0 : i32
      %dma_wait3A_109 = tpu.memref_slice %arg2[%dma_wait3A_107, %dma_wait3A_108] : memref<10000x128xf32, #tpu.memory_space<hbm>> -> memref<10000x128xf32, #tpu.memory_space<hbm>>
      tpu.wait_indirect_dma semaphore(%arg11 : memref<!tpu.dma_semaphore, #tpu.memory_space<semaphore_mem>>) src(%dma_wait3A_109 : memref<10000x128xf32, #tpu.memory_space<hbm>>) dst(%arg8 : memref<128x128xf32, #tpu.memory_space<vmem>>)
      "tpu.region"() ({
        %run_scoped3A_135 = tpu.sem_alloc : memref<!tpu.dma_semaphore, #tpu.memory_space<semaphore_mem>>
        %dma_start3A_136 = arith.constant 0 : i32
        %dma_start3A_137 = tpu.memref_slice %arg7[%mul3A_102, %dma_start3A_136] : memref<40x128xi32, #tpu.memory_space<vmem>> -> memref<1x128xi32, #tpu.memory_space<vmem>>
        %dma_start3A_138 = tpu.memref_squeeze %dma_start3A_137 : memref<1x128xi32, #tpu.memory_space<vmem>> -> memref<128xi32, #tpu.memory_space<vmem>>
        %dma_start3A_139 = arith.constant 0 : i32
        %dma_start3A_140 = arith.constant 0 : i32
        %dma_start3A_141 = tpu.memref_slice %arg10[%dma_start3A_139, %dma_start3A_140] : memref<10240x128xf32, #tpu.memory_space<vmem_shared>> -> memref<10240x128xf32, #tpu.memory_space<vmem_shared>>
        tpu.enqueue_indirect_dma source(%arg8 : memref<128x128xf32, #tpu.memory_space<vmem>>) target(%dma_start3A_141 : memref<10240x128xf32, #tpu.memory_space<vmem_shared>>) offsets(%dma_start3A_138 : memref<128xi32, #tpu.memory_space<vmem>>) semaphore(%run_scoped3A_135 : memref<!tpu.dma_semaphore, #tpu.memory_space<semaphore_mem>>) {add = true}
        %dma_wait3A_142 = arith.constant 0 : i32
        %dma_wait3A_143 = tpu.memref_slice %arg7[%mul3A_102, %dma_wait3A_142] : memref<40x128xi32, #tpu.memory_space<vmem>> -> memref<1x128xi32, #tpu.memory_space<vmem>>
        %dma_wait3A_144 = tpu.memref_squeeze %dma_wait3A_143 : memref<1x128xi32, #tpu.memory_space<vmem>> -> memref<128xi32, #tpu.memory_space<vmem>>
        %dma_wait3A_145 = arith.constant 0 : i32
        %dma_wait3A_146 = arith.constant 0 : i32
        %dma_wait3A_147 = tpu.memref_slice %arg10[%dma_wait3A_145, %dma_wait3A_146] : memref<10240x128xf32, #tpu.memory_space<vmem_shared>> -> memref<10240x128xf32, #tpu.memory_space<vmem_shared>>
        tpu.wait_indirect_dma semaphore(%run_scoped3A_135 : memref<!tpu.dma_semaphore, #tpu.memory_space<semaphore_mem>>) src(%arg8 : memref<128x128xf32, #tpu.memory_space<vmem>>) dst(%dma_wait3A_147 : memref<10240x128xf32, #tpu.memory_space<vmem_shared>>)
        tpu.yield
      }) : () -> ()
      %add3A_110 = arith.constant 2 : i32
      %add3A_111 = arith.addi %mul3A_102, %add3A_110 : i32
      %dma_start3A_112 = arith.constant 0 : i32
      %dma_start3A_113 = tpu.memref_slice %arg6[%add3A_111, %dma_start3A_112] : memref<40x128xi32, #tpu.memory_space<vmem>> -> memref<1x128xi32, #tpu.memory_space<vmem>>
      %dma_start3A_114 = tpu.memref_squeeze %dma_start3A_113 : memref<1x128xi32, #tpu.memory_space<vmem>> -> memref<128xi32, #tpu.memory_space<vmem>>
      %dma_start3A_115 = arith.constant 0 : i32
      %dma_start3A_116 = arith.constant 0 : i32
      %dma_start3A_117 = tpu.memref_slice %arg2[%dma_start3A_115, %dma_start3A_116] : memref<10000x128xf32, #tpu.memory_space<hbm>> -> memref<10000x128xf32, #tpu.memory_space<hbm>>
      tpu.enqueue_indirect_dma source(%dma_start3A_117 : memref<10000x128xf32, #tpu.memory_space<hbm>>) target(%arg8 : memref<128x128xf32, #tpu.memory_space<vmem>>) offsets(%dma_start3A_114 : memref<128xi32, #tpu.memory_space<vmem>>) semaphore(%arg11 : memref<!tpu.dma_semaphore, #tpu.memory_space<semaphore_mem>>)
      %dma_wait3A_118 = arith.constant 0 : i32
      %dma_wait3A_119 = arith.constant 0 : i32
      %dma_wait3A_120 = tpu.memref_slice %arg6[%dma_wait3A_118, %dma_wait3A_119] : memref<40x128xi32, #tpu.memory_space<vmem>> -> memref<1x128xi32, #tpu.memory_space<vmem>>
      %dma_wait3A_121 = tpu.memref_squeeze %dma_wait3A_120 : memref<1x128xi32, #tpu.memory_space<vmem>> -> memref<128xi32, #tpu.memory_space<vmem>>
      %dma_wait3A_122 = arith.constant 0 : i32
      %dma_wait3A_123 = arith.constant 0 : i32
      %dma_wait3A_124 = tpu.memref_slice %arg2[%dma_wait3A_122, %dma_wait3A_123] : memref<10000x128xf32, #tpu.memory_space<hbm>> -> memref<10000x128xf32, #tpu.memory_space<hbm>>
      tpu.wait_indirect_dma semaphore(%arg12 : memref<!tpu.dma_semaphore, #tpu.memory_space<semaphore_mem>>) src(%dma_wait3A_124 : memref<10000x128xf32, #tpu.memory_space<hbm>>) dst(%arg9 : memref<128x128xf32, #tpu.memory_space<vmem>>)
      %add3A_125 = arith.constant 1 : i32
      %add3A_126 = arith.addi %mul3A_102, %add3A_125 : i32
      "tpu.region"() ({
        %run_scoped3A_135 = tpu.sem_alloc : memref<!tpu.dma_semaphore, #tpu.memory_space<semaphore_mem>>
        %dma_start3A_136 = arith.constant 0 : i32
        %dma_start3A_137 = tpu.memref_slice %arg7[%add3A_126, %dma_start3A_136] : memref<40x128xi32, #tpu.memory_space<vmem>> -> memref<1x128xi32, #tpu.memory_space<vmem>>
        %dma_start3A_138 = tpu.memref_squeeze %dma_start3A_137 : memref<1x128xi32, #tpu.memory_space<vmem>> -> memref<128xi32, #tpu.memory_space<vmem>>
        %dma_start3A_139 = arith.constant 0 : i32
        %dma_start3A_140 = arith.constant 0 : i32
        %dma_start3A_141 = tpu.memref_slice %arg10[%dma_start3A_139, %dma_start3A_140] : memref<10240x128xf32, #tpu.memory_space<vmem_shared>> -> memref<10240x128xf32, #tpu.memory_space<vmem_shared>>
        tpu.enqueue_indirect_dma source(%arg9 : memref<128x128xf32, #tpu.memory_space<vmem>>) target(%dma_start3A_141 : memref<10240x128xf32, #tpu.memory_space<vmem_shared>>) offsets(%dma_start3A_138 : memref<128xi32, #tpu.memory_space<vmem>>) semaphore(%run_scoped3A_135 : memref<!tpu.dma_semaphore, #tpu.memory_space<semaphore_mem>>) {add = true}
        %dma_wait3A_142 = arith.constant 0 : i32
        %dma_wait3A_143 = tpu.memref_slice %arg7[%add3A_126, %dma_wait3A_142] : memref<40x128xi32, #tpu.memory_space<vmem>> -> memref<1x128xi32, #tpu.memory_space<vmem>>
        %dma_wait3A_144 = tpu.memref_squeeze %dma_wait3A_143 : memref<1x128xi32, #tpu.memory_space<vmem>> -> memref<128xi32, #tpu.memory_space<vmem>>
        %dma_wait3A_145 = arith.constant 0 : i32
        %dma_wait3A_146 = arith.constant 0 : i32
        %dma_wait3A_147 = tpu.memref_slice %arg10[%dma_wait3A_145, %dma_wait3A_146] : memref<10240x128xf32, #tpu.memory_space<vmem_shared>> -> memref<10240x128xf32, #tpu.memory_space<vmem_shared>>
        tpu.wait_indirect_dma semaphore(%run_scoped3A_135 : memref<!tpu.dma_semaphore, #tpu.memory_space<semaphore_mem>>) src(%arg9 : memref<128x128xf32, #tpu.memory_space<vmem>>) dst(%dma_wait3A_147 : memref<10240x128xf32, #tpu.memory_space<vmem_shared>>)
        tpu.yield
      }) : () -> ()
      %add3A_127 = arith.constant 3 : i32
      %add3A_128 = arith.addi %mul3A_102, %add3A_127 : i32
      %dma_start3A_129 = arith.constant 0 : i32
      %dma_start3A_130 = tpu.memref_slice %arg6[%add3A_128, %dma_start3A_129] : memref<40x128xi32, #tpu.memory_space<vmem>> -> memref<1x128xi32, #tpu.memory_space<vmem>>
      %dma_start3A_131 = tpu.memref_squeeze %dma_start3A_130 : memref<1x128xi32, #tpu.memory_space<vmem>> -> memref<128xi32, #tpu.memory_space<vmem>>
      %dma_start3A_132 = arith.constant 0 : i32
      %dma_start3A_133 = arith.constant 0 : i32
      %dma_start3A_134 = tpu.memref_slice %arg2[%dma_start3A_132, %dma_start3A_133] : memref<10000x128xf32, #tpu.memory_space<hbm>> -> memref<10000x128xf32, #tpu.memory_space<hbm>>
      tpu.enqueue_indirect_dma source(%dma_start3A_134 : memref<10000x128xf32, #tpu.memory_space<hbm>>) target(%arg9 : memref<128x128xf32, #tpu.memory_space<vmem>>) offsets(%dma_start3A_131 : memref<128xi32, #tpu.memory_space<vmem>>) semaphore(%arg12 : memref<!tpu.dma_semaphore, #tpu.memory_space<semaphore_mem>>)
    }
    %scan3A_40 = arith.constant 19 : i32
    %dma_wait3A = arith.constant 0 : i32
    %dma_wait3A_41 = arith.constant 0 : i32
    %dma_wait3A_42 = tpu.memref_slice %arg6[%dma_wait3A, %dma_wait3A_41] : memref<40x128xi32, #tpu.memory_space<vmem>> -> memref<1x128xi32, #tpu.memory_space<vmem>>
    %dma_wait3A_43 = tpu.memref_squeeze %dma_wait3A_42 : memref<1x128xi32, #tpu.memory_space<vmem>> -> memref<128xi32, #tpu.memory_space<vmem>>
    %dma_wait3A_44 = arith.constant 0 : i32
    %dma_wait3A_45 = arith.constant 0 : i32
    %dma_wait3A_46 = tpu.memref_slice %arg2[%dma_wait3A_44, %dma_wait3A_45] : memref<10000x128xf32, #tpu.memory_space<hbm>> -> memref<10000x128xf32, #tpu.memory_space<hbm>>
    tpu.wait_indirect_dma semaphore(%arg11 : memref<!tpu.dma_semaphore, #tpu.memory_space<semaphore_mem>>) src(%dma_wait3A_46 : memref<10000x128xf32, #tpu.memory_space<hbm>>) dst(%arg8 : memref<128x128xf32, #tpu.memory_space<vmem>>)
    %run_scoped3A = arith.constant 38 : i32
    "tpu.region"() ({
      %run_scoped3A_100 = tpu.sem_alloc : memref<!tpu.dma_semaphore, #tpu.memory_space<semaphore_mem>>
      %dma_start3A_101 = arith.constant 0 : i32
      %dma_start3A_102 = tpu.memref_slice %arg7[%run_scoped3A, %dma_start3A_101] : memref<40x128xi32, #tpu.memory_space<vmem>> -> memref<1x128xi32, #tpu.memory_space<vmem>>
      %dma_start3A_103 = tpu.memref_squeeze %dma_start3A_102 : memref<1x128xi32, #tpu.memory_space<vmem>> -> memref<128xi32, #tpu.memory_space<vmem>>
      %dma_start3A_104 = arith.constant 0 : i32
      %dma_start3A_105 = arith.constant 0 : i32
      %dma_start3A_106 = tpu.memref_slice %arg10[%dma_start3A_104, %dma_start3A_105] : memref<10240x128xf32, #tpu.memory_space<vmem_shared>> -> memref<10240x128xf32, #tpu.memory_space<vmem_shared>>
      tpu.enqueue_indirect_dma source(%arg8 : memref<128x128xf32, #tpu.memory_space<vmem>>) target(%dma_start3A_106 : memref<10240x128xf32, #tpu.memory_space<vmem_shared>>) offsets(%dma_start3A_103 : memref<128xi32, #tpu.memory_space<vmem>>) semaphore(%run_scoped3A_100 : memref<!tpu.dma_semaphore, #tpu.memory_space<semaphore_mem>>) {add = true}
      %dma_wait3A_107 = arith.constant 0 : i32
      %dma_wait3A_108 = tpu.memref_slice %arg7[%run_scoped3A, %dma_wait3A_107] : memref<40x128xi32, #tpu.memory_space<vmem>> -> memref<1x128xi32, #tpu.memory_space<vmem>>
      %dma_wait3A_109 = tpu.memref_squeeze %dma_wait3A_108 : memref<1x128xi32, #tpu.memory_space<vmem>> -> memref<128xi32, #tpu.memory_space<vmem>>
      %dma_wait3A_110 = arith.constant 0 : i32
      %dma_wait3A_111 = arith.constant 0 : i32
      %dma_wait3A_112 = tpu.memref_slice %arg10[%dma_wait3A_110, %dma_wait3A_111] : memref<10240x128xf32, #tpu.memory_space<vmem_shared>> -> memref<10240x128xf32, #tpu.memory_space<vmem_shared>>
      tpu.wait_indirect_dma semaphore(%run_scoped3A_100 : memref<!tpu.dma_semaphore, #tpu.memory_space<semaphore_mem>>) src(%arg8 : memref<128x128xf32, #tpu.memory_space<vmem>>) dst(%dma_wait3A_112 : memref<10240x128xf32, #tpu.memory_space<vmem_shared>>)
      tpu.yield
    }) : () -> ()
    %dma_wait3A_47 = arith.constant 0 : i32
    %dma_wait3A_48 = arith.constant 0 : i32
    %dma_wait3A_49 = tpu.memref_slice %arg6[%dma_wait3A_47, %dma_wait3A_48] : memref<40x128xi32, #tpu.memory_space<vmem>> -> memref<1x128xi32, #tpu.memory_space<vmem>>
    %dma_wait3A_50 = tpu.memref_squeeze %dma_wait3A_49 : memref<1x128xi32, #tpu.memory_space<vmem>> -> memref<128xi32, #tpu.memory_space<vmem>>
    %dma_wait3A_51 = arith.constant 0 : i32
    %dma_wait3A_52 = arith.constant 0 : i32
    %dma_wait3A_53 = tpu.memref_slice %arg2[%dma_wait3A_51, %dma_wait3A_52] : memref<10000x128xf32, #tpu.memory_space<hbm>> -> memref<10000x128xf32, #tpu.memory_space<hbm>>
    tpu.wait_indirect_dma semaphore(%arg12 : memref<!tpu.dma_semaphore, #tpu.memory_space<semaphore_mem>>) src(%dma_wait3A_53 : memref<10000x128xf32, #tpu.memory_space<hbm>>) dst(%arg9 : memref<128x128xf32, #tpu.memory_space<vmem>>)
    %run_scoped3A_54 = arith.constant 39 : i32
    "tpu.region"() ({
      %run_scoped3A_100 = tpu.sem_alloc : memref<!tpu.dma_semaphore, #tpu.memory_space<semaphore_mem>>
      %dma_start3A_101 = arith.constant 0 : i32
      %dma_start3A_102 = tpu.memref_slice %arg7[%run_scoped3A_54, %dma_start3A_101] : memref<40x128xi32, #tpu.memory_space<vmem>> -> memref<1x128xi32, #tpu.memory_space<vmem>>
      %dma_start3A_103 = tpu.memref_squeeze %dma_start3A_102 : memref<1x128xi32, #tpu.memory_space<vmem>> -> memref<128xi32, #tpu.memory_space<vmem>>
      %dma_start3A_104 = arith.constant 0 : i32
      %dma_start3A_105 = arith.constant 0 : i32
      %dma_start3A_106 = tpu.memref_slice %arg10[%dma_start3A_104, %dma_start3A_105] : memref<10240x128xf32, #tpu.memory_space<vmem_shared>> -> memref<10240x128xf32, #tpu.memory_space<vmem_shared>>
      tpu.enqueue_indirect_dma source(%arg9 : memref<128x128xf32, #tpu.memory_space<vmem>>) target(%dma_start3A_106 : memref<10240x128xf32, #tpu.memory_space<vmem_shared>>) offsets(%dma_start3A_103 : memref<128xi32, #tpu.memory_space<vmem>>) semaphore(%run_scoped3A_100 : memref<!tpu.dma_semaphore, #tpu.memory_space<semaphore_mem>>) {add = true}
      %dma_wait3A_107 = arith.constant 0 : i32
      %dma_wait3A_108 = tpu.memref_slice %arg7[%run_scoped3A_54, %dma_wait3A_107] : memref<40x128xi32, #tpu.memory_space<vmem>> -> memref<1x128xi32, #tpu.memory_space<vmem>>
      %dma_wait3A_109 = tpu.memref_squeeze %dma_wait3A_108 : memref<1x128xi32, #tpu.memory_space<vmem>> -> memref<128xi32, #tpu.memory_space<vmem>>
      %dma_wait3A_110 = arith.constant 0 : i32
      %dma_wait3A_111 = arith.constant 0 : i32
      %dma_wait3A_112 = tpu.memref_slice %arg10[%dma_wait3A_110, %dma_wait3A_111] : memref<10240x128xf32, #tpu.memory_space<vmem_shared>> -> memref<10240x128xf32, #tpu.memory_space<vmem_shared>>
      tpu.wait_indirect_dma semaphore(%run_scoped3A_100 : memref<!tpu.dma_semaphore, #tpu.memory_space<semaphore_mem>>) src(%arg9 : memref<128x128xf32, #tpu.memory_space<vmem>>) dst(%dma_wait3A_112 : memref<10240x128xf32, #tpu.memory_space<vmem_shared>>)
      tpu.yield
    }) : () -> ()
    %mul3A_55 = arith.constant 80 : i32
    %mul3A_56 = arith.muli %add3A, %mul3A_55 : i32
    %add3A_57 = arith.constant 40 : i32
    %add3A_58 = arith.addi %mul3A_56, %add3A_57 : i32
    "tpu.region"() ({
      %run_scoped3A_100 = tpu.sem_alloc : memref<!tpu.dma_semaphore, #tpu.memory_space<semaphore_mem>>
      %dma_start3A_101 = arith.constant 0 : i32
      %dma_start3A_102 = tpu.memref_slice %arg3[%add3A_58, %dma_start3A_101] : memref<2560x128xi32, #tpu.memory_space<hbm>> -> memref<40x128xi32, #tpu.memory_space<hbm>>
      %dma_start3A_103 = arith.constant 0 : i32
      %dma_start3A_104 = tpu.memref_slice %arg3[%add3A_58, %dma_start3A_103] : memref<2560x128xi32, #tpu.memory_space<hbm>> -> memref<40x128xi32, #tpu.memory_space<hbm>>
      tpu.enqueue_dma source(%dma_start3A_104 : memref<40x128xi32, #tpu.memory_space<hbm>>) target(%arg6 : memref<40x128xi32, #tpu.memory_space<vmem>>) target_semaphore(%run_scoped3A_100 : memref<!tpu.dma_semaphore, #tpu.memory_space<semaphore_mem>>)
      %dma_wait3A_105 = arith.constant 0 : i32
      %dma_wait3A_106 = tpu.memref_slice %arg3[%add3A_58, %dma_wait3A_105] : memref<2560x128xi32, #tpu.memory_space<hbm>> -> memref<40x128xi32, #tpu.memory_space<hbm>>
      %dma_wait3A_107 = arith.constant 0 : i32
      %dma_wait3A_108 = tpu.memref_slice %arg3[%add3A_58, %dma_wait3A_107] : memref<2560x128xi32, #tpu.memory_space<hbm>> -> memref<40x128xi32, #tpu.memory_space<hbm>>
      tpu.wait_dma2 semaphore(%run_scoped3A_100 : memref<!tpu.dma_semaphore, #tpu.memory_space<semaphore_mem>>) src(%dma_wait3A_108 : memref<40x128xi32, #tpu.memory_space<hbm>>) dst(%arg6 : memref<40x128xi32, #tpu.memory_space<vmem>>)
      tpu.yield
    }) : () -> ()
    %mul3A_59 = arith.constant 80 : i32
    %mul3A_60 = arith.muli %add3A, %mul3A_59 : i32
    %add3A_61 = arith.constant 40 : i32
    %add3A_62 = arith.addi %mul3A_60, %add3A_61 : i32
    "tpu.region"() ({
      %run_scoped3A_100 = tpu.sem_alloc : memref<!tpu.dma_semaphore, #tpu.memory_space<semaphore_mem>>
      %dma_start3A_101 = arith.constant 0 : i32
      %dma_start3A_102 = tpu.memref_slice %arg4[%add3A_62, %dma_start3A_101] : memref<2560x128xi32, #tpu.memory_space<hbm>> -> memref<40x128xi32, #tpu.memory_space<hbm>>
      %dma_start3A_103 = arith.constant 0 : i32
      %dma_start3A_104 = tpu.memref_slice %arg4[%add3A_62, %dma_start3A_103] : memref<2560x128xi32, #tpu.memory_space<hbm>> -> memref<40x128xi32, #tpu.memory_space<hbm>>
      tpu.enqueue_dma source(%dma_start3A_104 : memref<40x128xi32, #tpu.memory_space<hbm>>) target(%arg7 : memref<40x128xi32, #tpu.memory_space<vmem>>) target_semaphore(%run_scoped3A_100 : memref<!tpu.dma_semaphore, #tpu.memory_space<semaphore_mem>>)
      %dma_wait3A_105 = arith.constant 0 : i32
      %dma_wait3A_106 = tpu.memref_slice %arg4[%add3A_62, %dma_wait3A_105] : memref<2560x128xi32, #tpu.memory_space<hbm>> -> memref<40x128xi32, #tpu.memory_space<hbm>>
      %dma_wait3A_107 = arith.constant 0 : i32
      %dma_wait3A_108 = tpu.memref_slice %arg4[%add3A_62, %dma_wait3A_107] : memref<2560x128xi32, #tpu.memory_space<hbm>> -> memref<40x128xi32, #tpu.memory_space<hbm>>
      tpu.wait_dma2 semaphore(%run_scoped3A_100 : memref<!tpu.dma_semaphore, #tpu.memory_space<semaphore_mem>>) src(%dma_wait3A_108 : memref<40x128xi32, #tpu.memory_space<hbm>>) dst(%arg7 : memref<40x128xi32, #tpu.memory_space<vmem>>)
      tpu.yield
    }) : () -> ()
    %dma_start3A_63 = arith.constant 0 : i32
    %dma_start3A_64 = arith.constant 0 : i32
    %dma_start3A_65 = tpu.memref_slice %arg6[%dma_start3A_63, %dma_start3A_64] : memref<40x128xi32, #tpu.memory_space<vmem>> -> memref<1x128xi32, #tpu.memory_space<vmem>>
    %dma_start3A_66 = tpu.memref_squeeze %dma_start3A_65 : memref<1x128xi32, #tpu.memory_space<vmem>> -> memref<128xi32, #tpu.memory_space<vmem>>
    %dma_start3A_67 = arith.constant 0 : i32
    %dma_start3A_68 = arith.constant 0 : i32
    %dma_start3A_69 = tpu.memref_slice %arg2[%dma_start3A_67, %dma_start3A_68] : memref<10000x128xf32, #tpu.memory_space<hbm>> -> memref<10000x128xf32, #tpu.memory_space<hbm>>
    tpu.enqueue_indirect_dma source(%dma_start3A_69 : memref<10000x128xf32, #tpu.memory_space<hbm>>) target(%arg8 : memref<128x128xf32, #tpu.memory_space<vmem>>) offsets(%dma_start3A_66 : memref<128xi32, #tpu.memory_space<vmem>>) semaphore(%arg11 : memref<!tpu.dma_semaphore, #tpu.memory_space<semaphore_mem>>)
    %dma_start3A_70 = arith.constant 1 : i32
    %dma_start3A_71 = arith.constant 0 : i32
    %dma_start3A_72 = tpu.memref_slice %arg6[%dma_start3A_70, %dma_start3A_71] : memref<40x128xi32, #tpu.memory_space<vmem>> -> memref<1x128xi32, #tpu.memory_space<vmem>>
    %dma_start3A_73 = tpu.memref_squeeze %dma_start3A_72 : memref<1x128xi32, #tpu.memory_space<vmem>> -> memref<128xi32, #tpu.memory_space<vmem>>
    %dma_start3A_74 = arith.constant 0 : i32
    %dma_start3A_75 = arith.constant 0 : i32
    %dma_start3A_76 = tpu.memref_slice %arg2[%dma_start3A_74, %dma_start3A_75] : memref<10000x128xf32, #tpu.memory_space<hbm>> -> memref<10000x128xf32, #tpu.memory_space<hbm>>
    tpu.enqueue_indirect_dma source(%dma_start3A_76 : memref<10000x128xf32, #tpu.memory_space<hbm>>) target(%arg9 : memref<128x128xf32, #tpu.memory_space<vmem>>) offsets(%dma_start3A_73 : memref<128xi32, #tpu.memory_space<vmem>>) semaphore(%arg12 : memref<!tpu.dma_semaphore, #tpu.memory_space<semaphore_mem>>)
    %scan3A_77 = arith.constant 0 : i32
    %scan3A_78 = arith.constant 0 : i32
    %scan3A_79 = arith.constant 19 : i32
    %scan3A_80 = arith.addi %scan3A_78, %scan3A_79 : i32
    %scan3A_81 = arith.constant 1 : i32
    scf.for %scan3A_100 = %scan3A_78 to %scan3A_80 step %scan3A_81  : i32 {
      %mul3A_101 = arith.constant 2 : i32
      %mul3A_102 = arith.muli %mul3A_101, %scan3A_100 : i32
      %dma_wait3A_103 = arith.constant 0 : i32
      %dma_wait3A_104 = arith.constant 0 : i32
      %dma_wait3A_105 = tpu.memref_slice %arg6[%dma_wait3A_103, %dma_wait3A_104] : memref<40x128xi32, #tpu.memory_space<vmem>> -> memref<1x128xi32, #tpu.memory_space<vmem>>
      %dma_wait3A_106 = tpu.memref_squeeze %dma_wait3A_105 : memref<1x128xi32, #tpu.memory_space<vmem>> -> memref<128xi32, #tpu.memory_space<vmem>>
      %dma_wait3A_107 = arith.constant 0 : i32
      %dma_wait3A_108 = arith.constant 0 : i32
      %dma_wait3A_109 = tpu.memref_slice %arg2[%dma_wait3A_107, %dma_wait3A_108] : memref<10000x128xf32, #tpu.memory_space<hbm>> -> memref<10000x128xf32, #tpu.memory_space<hbm>>
      tpu.wait_indirect_dma semaphore(%arg11 : memref<!tpu.dma_semaphore, #tpu.memory_space<semaphore_mem>>) src(%dma_wait3A_109 : memref<10000x128xf32, #tpu.memory_space<hbm>>) dst(%arg8 : memref<128x128xf32, #tpu.memory_space<vmem>>)
      "tpu.region"() ({
        %run_scoped3A_135 = tpu.sem_alloc : memref<!tpu.dma_semaphore, #tpu.memory_space<semaphore_mem>>
        %dma_start3A_136 = arith.constant 0 : i32
        %dma_start3A_137 = tpu.memref_slice %arg7[%mul3A_102, %dma_start3A_136] : memref<40x128xi32, #tpu.memory_space<vmem>> -> memref<1x128xi32, #tpu.memory_space<vmem>>
        %dma_start3A_138 = tpu.memref_squeeze %dma_start3A_137 : memref<1x128xi32, #tpu.memory_space<vmem>> -> memref<128xi32, #tpu.memory_space<vmem>>
        %dma_start3A_139 = arith.constant 0 : i32
        %dma_start3A_140 = arith.constant 0 : i32
        %dma_start3A_141 = tpu.memref_slice %arg10[%dma_start3A_139, %dma_start3A_140] : memref<10240x128xf32, #tpu.memory_space<vmem_shared>> -> memref<10240x128xf32, #tpu.memory_space<vmem_shared>>
        tpu.enqueue_indirect_dma source(%arg8 : memref<128x128xf32, #tpu.memory_space<vmem>>) target(%dma_start3A_141 : memref<10240x128xf32, #tpu.memory_space<vmem_shared>>) offsets(%dma_start3A_138 : memref<128xi32, #tpu.memory_space<vmem>>) semaphore(%run_scoped3A_135 : memref<!tpu.dma_semaphore, #tpu.memory_space<semaphore_mem>>) {add = true}
        %dma_wait3A_142 = arith.constant 0 : i32
        %dma_wait3A_143 = tpu.memref_slice %arg7[%mul3A_102, %dma_wait3A_142] : memref<40x128xi32, #tpu.memory_space<vmem>> -> memref<1x128xi32, #tpu.memory_space<vmem>>
        %dma_wait3A_144 = tpu.memref_squeeze %dma_wait3A_143 : memref<1x128xi32, #tpu.memory_space<vmem>> -> memref<128xi32, #tpu.memory_space<vmem>>
        %dma_wait3A_145 = arith.constant 0 : i32
        %dma_wait3A_146 = arith.constant 0 : i32
        %dma_wait3A_147 = tpu.memref_slice %arg10[%dma_wait3A_145, %dma_wait3A_146] : memref<10240x128xf32, #tpu.memory_space<vmem_shared>> -> memref<10240x128xf32, #tpu.memory_space<vmem_shared>>
        tpu.wait_indirect_dma semaphore(%run_scoped3A_135 : memref<!tpu.dma_semaphore, #tpu.memory_space<semaphore_mem>>) src(%arg8 : memref<128x128xf32, #tpu.memory_space<vmem>>) dst(%dma_wait3A_147 : memref<10240x128xf32, #tpu.memory_space<vmem_shared>>)
        tpu.yield
      }) : () -> ()
      %add3A_110 = arith.constant 2 : i32
      %add3A_111 = arith.addi %mul3A_102, %add3A_110 : i32
      %dma_start3A_112 = arith.constant 0 : i32
      %dma_start3A_113 = tpu.memref_slice %arg6[%add3A_111, %dma_start3A_112] : memref<40x128xi32, #tpu.memory_space<vmem>> -> memref<1x128xi32, #tpu.memory_space<vmem>>
      %dma_start3A_114 = tpu.memref_squeeze %dma_start3A_113 : memref<1x128xi32, #tpu.memory_space<vmem>> -> memref<128xi32, #tpu.memory_space<vmem>>
      %dma_start3A_115 = arith.constant 0 : i32
      %dma_start3A_116 = arith.constant 0 : i32
      %dma_start3A_117 = tpu.memref_slice %arg2[%dma_start3A_115, %dma_start3A_116] : memref<10000x128xf32, #tpu.memory_space<hbm>> -> memref<10000x128xf32, #tpu.memory_space<hbm>>
      tpu.enqueue_indirect_dma source(%dma_start3A_117 : memref<10000x128xf32, #tpu.memory_space<hbm>>) target(%arg8 : memref<128x128xf32, #tpu.memory_space<vmem>>) offsets(%dma_start3A_114 : memref<128xi32, #tpu.memory_space<vmem>>) semaphore(%arg11 : memref<!tpu.dma_semaphore, #tpu.memory_space<semaphore_mem>>)
      %dma_wait3A_118 = arith.constant 0 : i32
      %dma_wait3A_119 = arith.constant 0 : i32
      %dma_wait3A_120 = tpu.memref_slice %arg6[%dma_wait3A_118, %dma_wait3A_119] : memref<40x128xi32, #tpu.memory_space<vmem>> -> memref<1x128xi32, #tpu.memory_space<vmem>>
      %dma_wait3A_121 = tpu.memref_squeeze %dma_wait3A_120 : memref<1x128xi32, #tpu.memory_space<vmem>> -> memref<128xi32, #tpu.memory_space<vmem>>
      %dma_wait3A_122 = arith.constant 0 : i32
      %dma_wait3A_123 = arith.constant 0 : i32
      %dma_wait3A_124 = tpu.memref_slice %arg2[%dma_wait3A_122, %dma_wait3A_123] : memref<10000x128xf32, #tpu.memory_space<hbm>> -> memref<10000x128xf32, #tpu.memory_space<hbm>>
      tpu.wait_indirect_dma semaphore(%arg12 : memref<!tpu.dma_semaphore, #tpu.memory_space<semaphore_mem>>) src(%dma_wait3A_124 : memref<10000x128xf32, #tpu.memory_space<hbm>>) dst(%arg9 : memref<128x128xf32, #tpu.memory_space<vmem>>)
      %add3A_125 = arith.constant 1 : i32
      %add3A_126 = arith.addi %mul3A_102, %add3A_125 : i32
      "tpu.region"() ({
        %run_scoped3A_135 = tpu.sem_alloc : memref<!tpu.dma_semaphore, #tpu.memory_space<semaphore_mem>>
        %dma_start3A_136 = arith.constant 0 : i32
        %dma_start3A_137 = tpu.memref_slice %arg7[%add3A_126, %dma_start3A_136] : memref<40x128xi32, #tpu.memory_space<vmem>> -> memref<1x128xi32, #tpu.memory_space<vmem>>
        %dma_start3A_138 = tpu.memref_squeeze %dma_start3A_137 : memref<1x128xi32, #tpu.memory_space<vmem>> -> memref<128xi32, #tpu.memory_space<vmem>>
        %dma_start3A_139 = arith.constant 0 : i32
        %dma_start3A_140 = arith.constant 0 : i32
        %dma_start3A_141 = tpu.memref_slice %arg10[%dma_start3A_139, %dma_start3A_140] : memref<10240x128xf32, #tpu.memory_space<vmem_shared>> -> memref<10240x128xf32, #tpu.memory_space<vmem_shared>>
        tpu.enqueue_indirect_dma source(%arg9 : memref<128x128xf32, #tpu.memory_space<vmem>>) target(%dma_start3A_141 : memref<10240x128xf32, #tpu.memory_space<vmem_shared>>) offsets(%dma_start3A_138 : memref<128xi32, #tpu.memory_space<vmem>>) semaphore(%run_scoped3A_135 : memref<!tpu.dma_semaphore, #tpu.memory_space<semaphore_mem>>) {add = true}
        %dma_wait3A_142 = arith.constant 0 : i32
        %dma_wait3A_143 = tpu.memref_slice %arg7[%add3A_126, %dma_wait3A_142] : memref<40x128xi32, #tpu.memory_space<vmem>> -> memref<1x128xi32, #tpu.memory_space<vmem>>
        %dma_wait3A_144 = tpu.memref_squeeze %dma_wait3A_143 : memref<1x128xi32, #tpu.memory_space<vmem>> -> memref<128xi32, #tpu.memory_space<vmem>>
        %dma_wait3A_145 = arith.constant 0 : i32
        %dma_wait3A_146 = arith.constant 0 : i32
        %dma_wait3A_147 = tpu.memref_slice %arg10[%dma_wait3A_145, %dma_wait3A_146] : memref<10240x128xf32, #tpu.memory_space<vmem_shared>> -> memref<10240x128xf32, #tpu.memory_space<vmem_shared>>
        tpu.wait_indirect_dma semaphore(%run_scoped3A_135 : memref<!tpu.dma_semaphore, #tpu.memory_space<semaphore_mem>>) src(%arg9 : memref<128x128xf32, #tpu.memory_space<vmem>>) dst(%dma_wait3A_147 : memref<10240x128xf32, #tpu.memory_space<vmem_shared>>)
        tpu.yield
      }) : () -> ()
      %add3A_127 = arith.constant 3 : i32
      %add3A_128 = arith.addi %mul3A_102, %add3A_127 : i32
      %dma_start3A_129 = arith.constant 0 : i32
      %dma_start3A_130 = tpu.memref_slice %arg6[%add3A_128, %dma_start3A_129] : memref<40x128xi32, #tpu.memory_space<vmem>> -> memref<1x128xi32, #tpu.memory_space<vmem>>
      %dma_start3A_131 = tpu.memref_squeeze %dma_start3A_130 : memref<1x128xi32, #tpu.memory_space<vmem>> -> memref<128xi32, #tpu.memory_space<vmem>>
      %dma_start3A_132 = arith.constant 0 : i32
      %dma_start3A_133 = arith.constant 0 : i32
      %dma_start3A_134 = tpu.memref_slice %arg2[%dma_start3A_132, %dma_start3A_133] : memref<10000x128xf32, #tpu.memory_space<hbm>> -> memref<10000x128xf32, #tpu.memory_space<hbm>>
      tpu.enqueue_indirect_dma source(%dma_start3A_134 : memref<10000x128xf32, #tpu.memory_space<hbm>>) target(%arg9 : memref<128x128xf32, #tpu.memory_space<vmem>>) offsets(%dma_start3A_131 : memref<128xi32, #tpu.memory_space<vmem>>) semaphore(%arg12 : memref<!tpu.dma_semaphore, #tpu.memory_space<semaphore_mem>>)
    }
    %scan3A_82 = arith.constant 19 : i32
    %dma_wait3A_83 = arith.constant 0 : i32
    %dma_wait3A_84 = arith.constant 0 : i32
    %dma_wait3A_85 = tpu.memref_slice %arg6[%dma_wait3A_83, %dma_wait3A_84] : memref<40x128xi32, #tpu.memory_space<vmem>> -> memref<1x128xi32, #tpu.memory_space<vmem>>
    %dma_wait3A_86 = tpu.memref_squeeze %dma_wait3A_85 : memref<1x128xi32, #tpu.memory_space<vmem>> -> memref<128xi32, #tpu.memory_space<vmem>>
    %dma_wait3A_87 = arith.constant 0 : i32
    %dma_wait3A_88 = arith.constant 0 : i32
    %dma_wait3A_89 = tpu.memref_slice %arg2[%dma_wait3A_87, %dma_wait3A_88] : memref<10000x128xf32, #tpu.memory_space<hbm>> -> memref<10000x128xf32, #tpu.memory_space<hbm>>
    tpu.wait_indirect_dma semaphore(%arg11 : memref<!tpu.dma_semaphore, #tpu.memory_space<semaphore_mem>>) src(%dma_wait3A_89 : memref<10000x128xf32, #tpu.memory_space<hbm>>) dst(%arg8 : memref<128x128xf32, #tpu.memory_space<vmem>>)
    %run_scoped3A_90 = arith.constant 38 : i32
    "tpu.region"() ({
      %run_scoped3A_100 = tpu.sem_alloc : memref<!tpu.dma_semaphore, #tpu.memory_space<semaphore_mem>>
      %dma_start3A_101 = arith.constant 0 : i32
      %dma_start3A_102 = tpu.memref_slice %arg7[%run_scoped3A_90, %dma_start3A_101] : memref<40x128xi32, #tpu.memory_space<vmem>> -> memref<1x128xi32, #tpu.memory_space<vmem>>
      %dma_start3A_103 = tpu.memref_squeeze %dma_start3A_102 : memref<1x128xi32, #tpu.memory_space<vmem>> -> memref<128xi32, #tpu.memory_space<vmem>>
      %dma_start3A_104 = arith.constant 0 : i32
      %dma_start3A_105 = arith.constant 0 : i32
      %dma_start3A_106 = tpu.memref_slice %arg10[%dma_start3A_104, %dma_start3A_105] : memref<10240x128xf32, #tpu.memory_space<vmem_shared>> -> memref<10240x128xf32, #tpu.memory_space<vmem_shared>>
      tpu.enqueue_indirect_dma source(%arg8 : memref<128x128xf32, #tpu.memory_space<vmem>>) target(%dma_start3A_106 : memref<10240x128xf32, #tpu.memory_space<vmem_shared>>) offsets(%dma_start3A_103 : memref<128xi32, #tpu.memory_space<vmem>>) semaphore(%run_scoped3A_100 : memref<!tpu.dma_semaphore, #tpu.memory_space<semaphore_mem>>) {add = true}
      %dma_wait3A_107 = arith.constant 0 : i32
      %dma_wait3A_108 = tpu.memref_slice %arg7[%run_scoped3A_90, %dma_wait3A_107] : memref<40x128xi32, #tpu.memory_space<vmem>> -> memref<1x128xi32, #tpu.memory_space<vmem>>
      %dma_wait3A_109 = tpu.memref_squeeze %dma_wait3A_108 : memref<1x128xi32, #tpu.memory_space<vmem>> -> memref<128xi32, #tpu.memory_space<vmem>>
      %dma_wait3A_110 = arith.constant 0 : i32
      %dma_wait3A_111 = arith.constant 0 : i32
      %dma_wait3A_112 = tpu.memref_slice %arg10[%dma_wait3A_110, %dma_wait3A_111] : memref<10240x128xf32, #tpu.memory_space<vmem_shared>> -> memref<10240x128xf32, #tpu.memory_space<vmem_shared>>
      tpu.wait_indirect_dma semaphore(%run_scoped3A_100 : memref<!tpu.dma_semaphore, #tpu.memory_space<semaphore_mem>>) src(%arg8 : memref<128x128xf32, #tpu.memory_space<vmem>>) dst(%dma_wait3A_112 : memref<10240x128xf32, #tpu.memory_space<vmem_shared>>)
      tpu.yield
    }) : () -> ()
    %dma_wait3A_91 = arith.constant 0 : i32
    %dma_wait3A_92 = arith.constant 0 : i32
    %dma_wait3A_93 = tpu.memref_slice %arg6[%dma_wait3A_91, %dma_wait3A_92] : memref<40x128xi32, #tpu.memory_space<vmem>> -> memref<1x128xi32, #tpu.memory_space<vmem>>
    %dma_wait3A_94 = tpu.memref_squeeze %dma_wait3A_93 : memref<1x128xi32, #tpu.memory_space<vmem>> -> memref<128xi32, #tpu.memory_space<vmem>>
    %dma_wait3A_95 = arith.constant 0 : i32
    %dma_wait3A_96 = arith.constant 0 : i32
    %dma_wait3A_97 = tpu.memref_slice %arg2[%dma_wait3A_95, %dma_wait3A_96] : memref<10000x128xf32, #tpu.memory_space<hbm>> -> memref<10000x128xf32, #tpu.memory_space<hbm>>
    tpu.wait_indirect_dma semaphore(%arg12 : memref<!tpu.dma_semaphore, #tpu.memory_space<semaphore_mem>>) src(%dma_wait3A_97 : memref<10000x128xf32, #tpu.memory_space<hbm>>) dst(%arg9 : memref<128x128xf32, #tpu.memory_space<vmem>>)
    %run_scoped3A_98 = arith.constant 39 : i32
    "tpu.region"() ({
      %run_scoped3A_100 = tpu.sem_alloc : memref<!tpu.dma_semaphore, #tpu.memory_space<semaphore_mem>>
      %dma_start3A_101 = arith.constant 0 : i32
      %dma_start3A_102 = tpu.memref_slice %arg7[%run_scoped3A_98, %dma_start3A_101] : memref<40x128xi32, #tpu.memory_space<vmem>> -> memref<1x128xi32, #tpu.memory_space<vmem>>
      %dma_start3A_103 = tpu.memref_squeeze %dma_start3A_102 : memref<1x128xi32, #tpu.memory_space<vmem>> -> memref<128xi32, #tpu.memory_space<vmem>>
      %dma_start3A_104 = arith.constant 0 : i32
      %dma_start3A_105 = arith.constant 0 : i32
      %dma_start3A_106 = tpu.memref_slice %arg10[%dma_start3A_104, %dma_start3A_105] : memref<10240x128xf32, #tpu.memory_space<vmem_shared>> -> memref<10240x128xf32, #tpu.memory_space<vmem_shared>>
      tpu.enqueue_indirect_dma source(%arg9 : memref<128x128xf32, #tpu.memory_space<vmem>>) target(%dma_start3A_106 : memref<10240x128xf32, #tpu.memory_space<vmem_shared>>) offsets(%dma_start3A_103 : memref<128xi32, #tpu.memory_space<vmem>>) semaphore(%run_scoped3A_100 : memref<!tpu.dma_semaphore, #tpu.memory_space<semaphore_mem>>) {add = true}
      %dma_wait3A_107 = arith.constant 0 : i32
      %dma_wait3A_108 = tpu.memref_slice %arg7[%run_scoped3A_98, %dma_wait3A_107] : memref<40x128xi32, #tpu.memory_space<vmem>> -> memref<1x128xi32, #tpu.memory_space<vmem>>
      %dma_wait3A_109 = tpu.memref_squeeze %dma_wait3A_108 : memref<1x128xi32, #tpu.memory_space<vmem>> -> memref<128xi32, #tpu.memory_space<vmem>>
      %dma_wait3A_110 = arith.constant 0 : i32
      %dma_wait3A_111 = arith.constant 0 : i32
      %dma_wait3A_112 = tpu.memref_slice %arg10[%dma_wait3A_110, %dma_wait3A_111] : memref<10240x128xf32, #tpu.memory_space<vmem_shared>> -> memref<10240x128xf32, #tpu.memory_space<vmem_shared>>
      tpu.wait_indirect_dma semaphore(%run_scoped3A_100 : memref<!tpu.dma_semaphore, #tpu.memory_space<semaphore_mem>>) src(%arg9 : memref<128x128xf32, #tpu.memory_space<vmem>>) dst(%dma_wait3A_112 : memref<10240x128xf32, #tpu.memory_space<vmem_shared>>)
      tpu.yield
    }) : () -> ()
    %barrier3A_99 = arith.constant 0 : index
    tpu.barrier barrier_id(%barrier3A_99)
    "tpu.region"() ({
      %run_scoped3A_100 = tpu.sem_alloc : memref<!tpu.dma_semaphore, #tpu.memory_space<semaphore_mem>>
      %dma_start3A_101 = arith.constant 0 : i32
      %dma_start3A_102 = tpu.memref_slice %arg5[%arg0, %mul3A_7, %dma_start3A_101] : memref<2x10240x128xf32, #tpu.memory_space<hbm>> -> memref<1x640x128xf32, #tpu.memory_space<hbm>>
      %dma_start3A_103 = tpu.memref_squeeze %dma_start3A_102 : memref<1x640x128xf32, #tpu.memory_space<hbm>> -> memref<640x128xf32, #tpu.memory_space<hbm>>
      %dma_start3A_104 = arith.constant 0 : i32
      %dma_start3A_105 = tpu.memref_slice %arg10[%mul3A_7, %dma_start3A_104] : memref<10240x128xf32, #tpu.memory_space<vmem_shared>> -> memref<640x128xf32, #tpu.memory_space<vmem_shared>>
      tpu.enqueue_dma source(%dma_start3A_105 : memref<640x128xf32, #tpu.memory_space<vmem_shared>>) target(%dma_start3A_103 : memref<640x128xf32, #tpu.memory_space<hbm>>) target_semaphore(%run_scoped3A_100 : memref<!tpu.dma_semaphore, #tpu.memory_space<semaphore_mem>>)
      %dma_wait3A_106 = arith.constant 0 : i32
      %dma_wait3A_107 = tpu.memref_slice %arg5[%arg0, %mul3A_7, %dma_wait3A_106] : memref<2x10240x128xf32, #tpu.memory_space<hbm>> -> memref<1x640x128xf32, #tpu.memory_space<hbm>>
      %dma_wait3A_108 = tpu.memref_squeeze %dma_wait3A_107 : memref<1x640x128xf32, #tpu.memory_space<hbm>> -> memref<640x128xf32, #tpu.memory_space<hbm>>
      %dma_wait3A_109 = arith.constant 0 : i32
      %dma_wait3A_110 = tpu.memref_slice %arg10[%mul3A_7, %dma_wait3A_109] : memref<10240x128xf32, #tpu.memory_space<vmem_shared>> -> memref<640x128xf32, #tpu.memory_space<vmem_shared>>
      tpu.wait_dma2 semaphore(%run_scoped3A_100 : memref<!tpu.dma_semaphore, #tpu.memory_space<semaphore_mem>>) src(%dma_wait3A_110 : memref<640x128xf32, #tpu.memory_space<vmem_shared>>) dst(%dma_wait3A_108 : memref<640x128xf32, #tpu.memory_space<hbm>>)
      tpu.yield
    }) : () -> ()
    return
  }
}

module attributes {stable_mosaic.version = 14 : i64} {
  func.func @_gate_mm_body(%arg0: i32, %arg1: memref<1x1000x128xf32, #tpu.memory_space<vmem>>, %arg2: memref<1x1000x128xf32, #tpu.memory_space<vmem>>, %arg3: memref<128x128xf32, #tpu.memory_space<vmem>>, %arg4: memref<1x128xf32, #tpu.memory_space<vmem>>, %arg5: memref<1000x128xf32, #tpu.memory_space<vmem>>, %arg6: memref<128x128xf32, #tpu.memory_space<vmem>>, %arg7: memref<1x128xf32, #tpu.memory_space<vmem>>, %arg8: memref<128x128xf32, #tpu.memory_space<vmem>>, %arg9: memref<1x128xf32, #tpu.memory_space<vmem>>, %arg10: memref<1000x128xf32, #tpu.memory_space<vmem>>) attributes {dimension_semantics = [#tpu.dimension_semantics<arbitrary>], iteration_bounds = array<i64: 10>, scalar_prefetch = 0 : i64, scratch_operands = 0 : i64, tpu.core_type = #tpu.core_type<tc>, window_params = [{transform_indices = @transform_0, window_bounds = array<i64: 1, 1000, 128>}, {transform_indices = @transform_1, window_bounds = array<i64: 1, 1000, 128>}, {pipeline_mode = #tpu.pipeline_mode<synchronous>, transform_indices = @transform_2, window_bounds = array<i64: 128, 128>}, {pipeline_mode = #tpu.pipeline_mode<synchronous>, transform_indices = @transform_3, window_bounds = array<i64: 1, 128>}, {transform_indices = @transform_4, window_bounds = array<i64: 1000, 128>}, {pipeline_mode = #tpu.pipeline_mode<synchronous>, transform_indices = @transform_5, window_bounds = array<i64: 128, 128>}, {pipeline_mode = #tpu.pipeline_mode<synchronous>, transform_indices = @transform_6, window_bounds = array<i64: 1, 128>}, {pipeline_mode = #tpu.pipeline_mode<synchronous>, transform_indices = @transform_7, window_bounds = array<i64: 128, 128>}, {pipeline_mode = #tpu.pipeline_mode<synchronous>, transform_indices = @transform_8, window_bounds = array<i64: 1, 128>}, {transform_indices = @transform_9, window_bounds = array<i64: 1000, 128>}]} {
    %get3A = arith.constant 0 : index
    %get3A_0 = arith.constant 0 : index
    %get3A_1 = arith.constant 0 : index
    %get3A_2 = vector.load %arg1[%get3A, %get3A_0, %get3A_1] : memref<1x1000x128xf32, #tpu.memory_space<vmem>>, vector<1x1000x128xf32>
    %get3A_3 = arith.constant 0 : index
    %get3A_4 = arith.constant 0 : index
    %get3A_5 = arith.constant 0 : index
    %get3A_6 = vector.load %arg2[%get3A_3, %get3A_4, %get3A_5] : memref<1x1000x128xf32, #tpu.memory_space<vmem>>, vector<1x1000x128xf32>
    %get3A_7 = arith.constant 0 : index
    %get3A_8 = arith.constant 0 : index
    %get3A_9 = vector.load %arg3[%get3A_7, %get3A_8] : memref<128x128xf32, #tpu.memory_space<vmem>>, vector<128x128xf32>
    %get3A_10 = arith.constant 0 : index
    %get3A_11 = arith.constant 0 : index
    %get3A_12 = vector.load %arg4[%get3A_10, %get3A_11] : memref<1x128xf32, #tpu.memory_space<vmem>>, vector<1x128xf32>
    %get3A_13 = arith.constant 0 : index
    %get3A_14 = arith.constant 0 : index
    %get3A_15 = vector.load %arg5[%get3A_13, %get3A_14] : memref<1000x128xf32, #tpu.memory_space<vmem>>, vector<1000x128xf32>
    %get3A_16 = arith.constant 0 : index
    %get3A_17 = arith.constant 0 : index
    %get3A_18 = vector.load %arg6[%get3A_16, %get3A_17] : memref<128x128xf32, #tpu.memory_space<vmem>>, vector<128x128xf32>
    %get3A_19 = arith.constant 0 : index
    %get3A_20 = arith.constant 0 : index
    %get3A_21 = vector.load %arg7[%get3A_19, %get3A_20] : memref<1x128xf32, #tpu.memory_space<vmem>>, vector<1x128xf32>
    %get3A_22 = arith.constant 0 : index
    %get3A_23 = arith.constant 0 : index
    %get3A_24 = vector.load %arg8[%get3A_22, %get3A_23] : memref<128x128xf32, #tpu.memory_space<vmem>>, vector<128x128xf32>
    %get3A_25 = arith.constant 0 : index
    %get3A_26 = arith.constant 0 : index
    %get3A_27 = vector.load %arg9[%get3A_25, %get3A_26] : memref<1x128xf32, #tpu.memory_space<vmem>>, vector<1x128xf32>
    %squeeze3A = vector.shape_cast %get3A_2 : vector<1x1000x128xf32> to vector<1000x128xf32>
    %squeeze3A_28 = vector.shape_cast %get3A_6 : vector<1x1000x128xf32> to vector<1000x128xf32>
    %add3A = arith.addf %squeeze3A, %squeeze3A_28 : vector<1000x128xf32>
    %dot_general3A = arith.constant dense<0.000000e+00> : vector<1000x128xf32>
    %dot_general3A_29 = tpu.matmul %add3A, %get3A_9, %dot_general3A {dimension_numbers = #tpu.dot_dimension_numbers<[1], [0], [0], [1], [0, 0, 1, 1], [], []>, transpose_lhs_hint = false} : vector<1000x128xf32>, vector<128x128xf32>, vector<1000x128xf32> -> vector<1000x128xf32>
    %add3A_30 = vector.broadcast %get3A_12 : vector<1x128xf32> to vector<1000x128xf32>
    %add3A_31 = arith.addf %dot_general3A_29, %add3A_30 : vector<1000x128xf32>
    %dot_general3A_32 = arith.constant dense<0.000000e+00> : vector<1000x128xf32>
    %dot_general3A_33 = tpu.matmul %get3A_15, %get3A_18, %dot_general3A_32 {dimension_numbers = #tpu.dot_dimension_numbers<[1], [0], [0], [1], [0, 0, 1, 1], [], []>, transpose_lhs_hint = false} : vector<1000x128xf32>, vector<128x128xf32>, vector<1000x128xf32> -> vector<1000x128xf32>
    %add3A_34 = vector.broadcast %get3A_21 : vector<1x128xf32> to vector<1000x128xf32>
    %add3A_35 = arith.addf %dot_general3A_33, %add3A_34 : vector<1000x128xf32>
    %dot_general3A_36 = arith.constant dense<0.000000e+00> : vector<1000x128xf32>
    %dot_general3A_37 = tpu.matmul %add3A_31, %get3A_24, %dot_general3A_36 {dimension_numbers = #tpu.dot_dimension_numbers<[1], [0], [0], [1], [0, 0, 1, 1], [], []>, transpose_lhs_hint = false} : vector<1000x128xf32>, vector<128x128xf32>, vector<1000x128xf32> -> vector<1000x128xf32>
    %add3A_38 = arith.addf %add3A_35, %dot_general3A_37 : vector<1000x128xf32>
    %add3A_39 = vector.broadcast %get3A_27 : vector<1x128xf32> to vector<1000x128xf32>
    %add3A_40 = arith.addf %add3A_38, %add3A_39 : vector<1000x128xf32>
    %logistic3A = arith.negf %add3A_40 : vector<1000x128xf32>
    %logistic3A_41 = math.exp %logistic3A : vector<1000x128xf32>
    %logistic3A_42 = arith.constant 1.000000e+00 : f32
    %logistic3A_43 = vector.broadcast %logistic3A_42 : f32 to vector<1000x128xf32>
    %logistic3A_44 = arith.addf %logistic3A_43, %logistic3A_41 : vector<1000x128xf32>
    %logistic3A_45 = arith.divf %logistic3A_43, %logistic3A_44 : vector<1000x128xf32>
    %mul3A = arith.mulf %logistic3A_45, %add3A_31 : vector<1000x128xf32>
    %sub3A = arith.constant 1.000000e+00 : f32
    %sub3A_46 = vector.broadcast %sub3A : f32 to vector<1000x128xf32>
    %sub3A_47 = arith.subf %sub3A_46, %logistic3A_45 : vector<1000x128xf32>
    %mul3A_48 = arith.mulf %sub3A_47, %get3A_15 : vector<1000x128xf32>
    %add3A_49 = arith.addf %mul3A, %mul3A_48 : vector<1000x128xf32>
    %max3A = arith.constant 0.000000e+00 : f32
    %max3A_50 = vector.broadcast %max3A : f32 to vector<1000x128xf32>
    %max3A_51 = arith.maximumf %add3A_49, %max3A_50 : vector<1000x128xf32>
    %swap3A = arith.constant 0 : index
    %swap3A_52 = arith.constant 0 : index
    %swap3A_53 = vector.load %arg10[%swap3A, %swap3A_52] : memref<1000x128xf32, #tpu.memory_space<vmem>>, vector<1000x128xf32>
    tpu.vector_store %arg10[%swap3A, %swap3A_52], %max3A_51 {strides = array<i32>} : memref<1000x128xf32, #tpu.memory_space<vmem>>, vector<1000x128xf32>,
    return
  }
  func.func @transform_0(%arg0: i32) -> (i32, i32, i32) {
    %c0_i32 = arith.constant 0 : i32
    %c0_i32_0 = arith.constant 0 : i32
    %c0_i32_1 = arith.constant 0 : i32
    return %c0_i32, %arg0, %c0_i32_0 : i32, i32, i32
  }
  func.func @transform_1(%arg0: i32) -> (i32, i32, i32) {
    %c1_i32 = arith.constant 1 : i32
    %c0_i32 = arith.constant 0 : i32
    %c0_i32_0 = arith.constant 0 : i32
    return %c1_i32, %arg0, %c0_i32 : i32, i32, i32
  }
  func.func @transform_2(%arg0: i32) -> (i32, i32) {
    %c0_i32 = arith.constant 0 : i32
    %c0_i32_0 = arith.constant 0 : i32
    %c0_i32_1 = arith.constant 0 : i32
    return %c0_i32, %c0_i32_0 : i32, i32
  }
  func.func @transform_3(%arg0: i32) -> (i32, i32) {
    %c0_i32 = arith.constant 0 : i32
    %c0_i32_0 = arith.constant 0 : i32
    %c0_i32_1 = arith.constant 0 : i32
    return %c0_i32, %c0_i32_0 : i32, i32
  }
  func.func @transform_4(%arg0: i32) -> (i32, i32) {
    %c0_i32 = arith.constant 0 : i32
    %c0_i32_0 = arith.constant 0 : i32
    return %arg0, %c0_i32 : i32, i32
  }
  func.func @transform_5(%arg0: i32) -> (i32, i32) {
    %c0_i32 = arith.constant 0 : i32
    %c0_i32_0 = arith.constant 0 : i32
    %c0_i32_1 = arith.constant 0 : i32
    return %c0_i32, %c0_i32_0 : i32, i32
  }
  func.func @transform_6(%arg0: i32) -> (i32, i32) {
    %c0_i32 = arith.constant 0 : i32
    %c0_i32_0 = arith.constant 0 : i32
    %c0_i32_1 = arith.constant 0 : i32
    return %c0_i32, %c0_i32_0 : i32, i32
  }
  func.func @transform_7(%arg0: i32) -> (i32, i32) {
    %c0_i32 = arith.constant 0 : i32
    %c0_i32_0 = arith.constant 0 : i32
    %c0_i32_1 = arith.constant 0 : i32
    return %c0_i32, %c0_i32_0 : i32, i32
  }
  func.func @transform_8(%arg0: i32) -> (i32, i32) {
    %c0_i32 = arith.constant 0 : i32
    %c0_i32_0 = arith.constant 0 : i32
    %c0_i32_1 = arith.constant 0 : i32
    return %c0_i32, %c0_i32_0 : i32, i32
  }
  func.func @transform_9(%arg0: i32) -> (i32, i32) {
    %c0_i32 = arith.constant 0 : i32
    %c0_i32_0 = arith.constant 0 : i32
    return %arg0, %c0_i32 : i32, i32
  }
}

module attributes {stable_mosaic.version = 14 : i64} {
  func.func @_gate_final_body(%arg0: i32, %arg1: memref<1x1000x128xf32, #tpu.memory_space<vmem>>, %arg2: memref<1x1000x128xf32, #tpu.memory_space<vmem>>, %arg3: memref<128x128xf32, #tpu.memory_space<vmem>>, %arg4: memref<1x128xf32, #tpu.memory_space<vmem>>, %arg5: memref<1000x128xf32, #tpu.memory_space<vmem>>, %arg6: memref<128x128xf32, #tpu.memory_space<vmem>>, %arg7: memref<1x128xf32, #tpu.memory_space<vmem>>, %arg8: memref<128x128xf32, #tpu.memory_space<vmem>>, %arg9: memref<1x128xf32, #tpu.memory_space<vmem>>, %arg10: memref<128x64xf32, #tpu.memory_space<vmem>>, %arg11: memref<1x64xf32, #tpu.memory_space<vmem>>, %arg12: memref<1000x64xf32, #tpu.memory_space<vmem>>) attributes {dimension_semantics = [#tpu.dimension_semantics<arbitrary>], iteration_bounds = array<i64: 10>, scalar_prefetch = 0 : i64, scratch_operands = 0 : i64, tpu.core_type = #tpu.core_type<tc>, window_params = [{transform_indices = @transform_0, window_bounds = array<i64: 1, 1000, 128>}, {transform_indices = @transform_1, window_bounds = array<i64: 1, 1000, 128>}, {pipeline_mode = #tpu.pipeline_mode<synchronous>, transform_indices = @transform_2, window_bounds = array<i64: 128, 128>}, {pipeline_mode = #tpu.pipeline_mode<synchronous>, transform_indices = @transform_3, window_bounds = array<i64: 1, 128>}, {transform_indices = @transform_4, window_bounds = array<i64: 1000, 128>}, {pipeline_mode = #tpu.pipeline_mode<synchronous>, transform_indices = @transform_5, window_bounds = array<i64: 128, 128>}, {pipeline_mode = #tpu.pipeline_mode<synchronous>, transform_indices = @transform_6, window_bounds = array<i64: 1, 128>}, {pipeline_mode = #tpu.pipeline_mode<synchronous>, transform_indices = @transform_7, window_bounds = array<i64: 128, 128>}, {pipeline_mode = #tpu.pipeline_mode<synchronous>, transform_indices = @transform_8, window_bounds = array<i64: 1, 128>}, {pipeline_mode = #tpu.pipeline_mode<synchronous>, transform_indices = @transform_9, window_bounds = array<i64: 128, 64>}, {pipeline_mode = #tpu.pipeline_mode<synchronous>, transform_indices = @transform_10, window_bounds = array<i64: 1, 64>}, {transform_indices = @transform_11, window_bounds = array<i64: 1000, 64>}]} {
    %get3A = arith.constant 0 : index
    %get3A_0 = arith.constant 0 : index
    %get3A_1 = arith.constant 0 : index
    %get3A_2 = vector.load %arg1[%get3A, %get3A_0, %get3A_1] : memref<1x1000x128xf32, #tpu.memory_space<vmem>>, vector<1x1000x128xf32>
    %get3A_3 = arith.constant 0 : index
    %get3A_4 = arith.constant 0 : index
    %get3A_5 = arith.constant 0 : index
    %get3A_6 = vector.load %arg2[%get3A_3, %get3A_4, %get3A_5] : memref<1x1000x128xf32, #tpu.memory_space<vmem>>, vector<1x1000x128xf32>
    %get3A_7 = arith.constant 0 : index
    %get3A_8 = arith.constant 0 : index
    %get3A_9 = vector.load %arg3[%get3A_7, %get3A_8] : memref<128x128xf32, #tpu.memory_space<vmem>>, vector<128x128xf32>
    %get3A_10 = arith.constant 0 : index
    %get3A_11 = arith.constant 0 : index
    %get3A_12 = vector.load %arg4[%get3A_10, %get3A_11] : memref<1x128xf32, #tpu.memory_space<vmem>>, vector<1x128xf32>
    %get3A_13 = arith.constant 0 : index
    %get3A_14 = arith.constant 0 : index
    %get3A_15 = vector.load %arg5[%get3A_13, %get3A_14] : memref<1000x128xf32, #tpu.memory_space<vmem>>, vector<1000x128xf32>
    %get3A_16 = arith.constant 0 : index
    %get3A_17 = arith.constant 0 : index
    %get3A_18 = vector.load %arg6[%get3A_16, %get3A_17] : memref<128x128xf32, #tpu.memory_space<vmem>>, vector<128x128xf32>
    %get3A_19 = arith.constant 0 : index
    %get3A_20 = arith.constant 0 : index
    %get3A_21 = vector.load %arg7[%get3A_19, %get3A_20] : memref<1x128xf32, #tpu.memory_space<vmem>>, vector<1x128xf32>
    %get3A_22 = arith.constant 0 : index
    %get3A_23 = arith.constant 0 : index
    %get3A_24 = vector.load %arg8[%get3A_22, %get3A_23] : memref<128x128xf32, #tpu.memory_space<vmem>>, vector<128x128xf32>
    %get3A_25 = arith.constant 0 : index
    %get3A_26 = arith.constant 0 : index
    %get3A_27 = vector.load %arg9[%get3A_25, %get3A_26] : memref<1x128xf32, #tpu.memory_space<vmem>>, vector<1x128xf32>
    %squeeze3A = vector.shape_cast %get3A_2 : vector<1x1000x128xf32> to vector<1000x128xf32>
    %squeeze3A_28 = vector.shape_cast %get3A_6 : vector<1x1000x128xf32> to vector<1000x128xf32>
    %add3A = arith.addf %squeeze3A, %squeeze3A_28 : vector<1000x128xf32>
    %dot_general3A = arith.constant dense<0.000000e+00> : vector<1000x128xf32>
    %dot_general3A_29 = tpu.matmul %add3A, %get3A_9, %dot_general3A {dimension_numbers = #tpu.dot_dimension_numbers<[1], [0], [0], [1], [0, 0, 1, 1], [], []>, transpose_lhs_hint = false} : vector<1000x128xf32>, vector<128x128xf32>, vector<1000x128xf32> -> vector<1000x128xf32>
    %add3A_30 = vector.broadcast %get3A_12 : vector<1x128xf32> to vector<1000x128xf32>
    %add3A_31 = arith.addf %dot_general3A_29, %add3A_30 : vector<1000x128xf32>
    %dot_general3A_32 = arith.constant dense<0.000000e+00> : vector<1000x128xf32>
    %dot_general3A_33 = tpu.matmul %get3A_15, %get3A_18, %dot_general3A_32 {dimension_numbers = #tpu.dot_dimension_numbers<[1], [0], [0], [1], [0, 0, 1, 1], [], []>, transpose_lhs_hint = false} : vector<1000x128xf32>, vector<128x128xf32>, vector<1000x128xf32> -> vector<1000x128xf32>
    %add3A_34 = vector.broadcast %get3A_21 : vector<1x128xf32> to vector<1000x128xf32>
    %add3A_35 = arith.addf %dot_general3A_33, %add3A_34 : vector<1000x128xf32>
    %dot_general3A_36 = arith.constant dense<0.000000e+00> : vector<1000x128xf32>
    %dot_general3A_37 = tpu.matmul %add3A_31, %get3A_24, %dot_general3A_36 {dimension_numbers = #tpu.dot_dimension_numbers<[1], [0], [0], [1], [0, 0, 1, 1], [], []>, transpose_lhs_hint = false} : vector<1000x128xf32>, vector<128x128xf32>, vector<1000x128xf32> -> vector<1000x128xf32>
    %add3A_38 = arith.addf %add3A_35, %dot_general3A_37 : vector<1000x128xf32>
    %add3A_39 = vector.broadcast %get3A_27 : vector<1x128xf32> to vector<1000x128xf32>
    %add3A_40 = arith.addf %add3A_38, %add3A_39 : vector<1000x128xf32>
    %logistic3A = arith.negf %add3A_40 : vector<1000x128xf32>
    %logistic3A_41 = math.exp %logistic3A : vector<1000x128xf32>
    %logistic3A_42 = arith.constant 1.000000e+00 : f32
    %logistic3A_43 = vector.broadcast %logistic3A_42 : f32 to vector<1000x128xf32>
    %logistic3A_44 = arith.addf %logistic3A_43, %logistic3A_41 : vector<1000x128xf32>
    %logistic3A_45 = arith.divf %logistic3A_43, %logistic3A_44 : vector<1000x128xf32>
    %mul3A = arith.mulf %logistic3A_45, %add3A_31 : vector<1000x128xf32>
    %sub3A = arith.constant 1.000000e+00 : f32
    %sub3A_46 = vector.broadcast %sub3A : f32 to vector<1000x128xf32>
    %sub3A_47 = arith.subf %sub3A_46, %logistic3A_45 : vector<1000x128xf32>
    %mul3A_48 = arith.mulf %sub3A_47, %get3A_15 : vector<1000x128xf32>
    %add3A_49 = arith.addf %mul3A, %mul3A_48 : vector<1000x128xf32>
    %get3A_50 = arith.constant 0 : index
    %get3A_51 = arith.constant 0 : index
    %get3A_52 = vector.load %arg10[%get3A_50, %get3A_51] : memref<128x64xf32, #tpu.memory_space<vmem>>, vector<128x64xf32>
    %dot_general3A_53 = arith.constant dense<0.000000e+00> : vector<1000x64xf32>
    %dot_general3A_54 = tpu.matmul %add3A_49, %get3A_52, %dot_general3A_53 {dimension_numbers = #tpu.dot_dimension_numbers<[1], [0], [0], [1], [0, 0, 1, 1], [], []>, transpose_lhs_hint = false} : vector<1000x128xf32>, vector<128x64xf32>, vector<1000x64xf32> -> vector<1000x64xf32>
    %get3A_55 = arith.constant 0 : index
    %get3A_56 = arith.constant 0 : index
    %get3A_57 = vector.load %arg11[%get3A_55, %get3A_56] : memref<1x64xf32, #tpu.memory_space<vmem>>, vector<1x64xf32>
    %add3A_58 = vector.broadcast %get3A_57 : vector<1x64xf32> to vector<1000x64xf32>
    %add3A_59 = arith.addf %dot_general3A_54, %add3A_58 : vector<1000x64xf32>
    %swap3A = arith.constant 0 : index
    %swap3A_60 = arith.constant 0 : index
    %swap3A_61 = vector.load %arg12[%swap3A, %swap3A_60] : memref<1000x64xf32, #tpu.memory_space<vmem>>, vector<1000x64xf32>
    tpu.vector_store %arg12[%swap3A, %swap3A_60], %add3A_59 {strides = array<i32>} : memref<1000x64xf32, #tpu.memory_space<vmem>>, vector<1000x64xf32>,
    return
  }
  func.func @transform_0(%arg0: i32) -> (i32, i32, i32) {
    %c0_i32 = arith.constant 0 : i32
    %c0_i32_0 = arith.constant 0 : i32
    %c0_i32_1 = arith.constant 0 : i32
    return %c0_i32, %arg0, %c0_i32_0 : i32, i32, i32
  }
  func.func @transform_1(%arg0: i32) -> (i32, i32, i32) {
    %c1_i32 = arith.constant 1 : i32
    %c0_i32 = arith.constant 0 : i32
    %c0_i32_0 = arith.constant 0 : i32
    return %c1_i32, %arg0, %c0_i32 : i32, i32, i32
  }
  func.func @transform_2(%arg0: i32) -> (i32, i32) {
    %c0_i32 = arith.constant 0 : i32
    %c0_i32_0 = arith.constant 0 : i32
    %c0_i32_1 = arith.constant 0 : i32
    return %c0_i32, %c0_i32_0 : i32, i32
  }
  func.func @transform_3(%arg0: i32) -> (i32, i32) {
    %c0_i32 = arith.constant 0 : i32
    %c0_i32_0 = arith.constant 0 : i32
    %c0_i32_1 = arith.constant 0 : i32
    return %c0_i32, %c0_i32_0 : i32, i32
  }
  func.func @transform_4(%arg0: i32) -> (i32, i32) {
    %c0_i32 = arith.constant 0 : i32
    %c0_i32_0 = arith.constant 0 : i32
    return %arg0, %c0_i32 : i32, i32
  }
  func.func @transform_5(%arg0: i32) -> (i32, i32) {
    %c0_i32 = arith.constant 0 : i32
    %c0_i32_0 = arith.constant 0 : i32
    %c0_i32_1 = arith.constant 0 : i32
    return %c0_i32, %c0_i32_0 : i32, i32
  }
  func.func @transform_6(%arg0: i32) -> (i32, i32) {
    %c0_i32 = arith.constant 0 : i32
    %c0_i32_0 = arith.constant 0 : i32
    %c0_i32_1 = arith.constant 0 : i32
    return %c0_i32, %c0_i32_0 : i32, i32
  }
  func.func @transform_7(%arg0: i32) -> (i32, i32) {
    %c0_i32 = arith.constant 0 : i32
    %c0_i32_0 = arith.constant 0 : i32
    %c0_i32_1 = arith.constant 0 : i32
    return %c0_i32, %c0_i32_0 : i32, i32
  }
  func.func @transform_8(%arg0: i32) -> (i32, i32) {
    %c0_i32 = arith.constant 0 : i32
    %c0_i32_0 = arith.constant 0 : i32
    %c0_i32_1 = arith.constant 0 : i32
    return %c0_i32, %c0_i32_0 : i32, i32
  }
  func.func @transform_9(%arg0: i32) -> (i32, i32) {
    %c0_i32 = arith.constant 0 : i32
    %c0_i32_0 = arith.constant 0 : i32
    %c0_i32_1 = arith.constant 0 : i32
    return %c0_i32, %c0_i32_0 : i32, i32
  }
  func.func @transform_10(%arg0: i32) -> (i32, i32) {
    %c0_i32 = arith.constant 0 : i32
    %c0_i32_0 = arith.constant 0 : i32
    %c0_i32_1 = arith.constant 0 : i32
    return %c0_i32, %c0_i32_0 : i32, i32
  }
  func.func @transform_11(%arg0: i32) -> (i32, i32) {
    %c0_i32 = arith.constant 0 : i32
    %c0_i32_0 = arith.constant 0 : i32
    return %arg0, %c0_i32 : i32, i32
  }
}

</mosaic_0001>

<sc_bundles>
// kernel: kernel.11.cloned.1.call-start
scs
__scs_entry_jumppad:
0x0: {  	(pc) =	sbr.rel $0x88, $3  }
0x1: {  	(tag) =	ssettag $0x0;
	lr =	simm.s32 $0x1  }
0x2: {  	[smem:$0x3F93] =	sst lr;
	_ =	strace $0xD0000000  }
0x3: {  	_ = 	snop  }
0x4: {  	_ = 	snop  }
0x5: {  	_ = 	snop  }
0x6: {  	_ = 	snop  }
0x7: {  	_ = 	snop  }
__scs_overlays_trampoline_lowered:
0x8: {  	[smem:$0x3FA2] =	sst s0  }
0x9: {  	[smem:$0x3FA3] =	sst s1  }
0xa: {  	[smem:$0x3FA4] =	sst s2  }
0xb: {  	[smem:$0x3FA5] =	sst s3  }
0xc: {  	[smem:$0x3FA6] =	sst s4  }
0xd: {  	[smem:$0x3FA7] =	sst s5  }
0xe: {  	[smem:$0x3FA8] =	sst s6  }
0xf: {  	[smem:$0x3FA9] =	sst s7  }
0x10: {  	[smem:$0x3FAA] =	sst s8  }
0x11: {  	[smem:$0x3FAB] =	sst s9;
	s0 =	simm.s32 @!p0 $0x0  }
0x12: {  	s1 =	sld [smem:$0x3F91];
	s0 =	simm.s32 @p0 $0x1  }
0x13: {  	[smem:$0x3FAC] =	sst s0;
	s0 =	simm.s32 @!p1 $0x0  }
0x14: {  	s2 =	sld [smem:$0x3F90];
	s0 =	simm.s32 @p1 $0x1  }
0x15: {  	[smem:$0x3FAD] =	sst s0;
	s0 =	simm.s32 @!p2 $0x0  }
0x16: {  	s3 =	sld [smem:$0x3FDB];
	s0 =	simm.s32 @p2 $0x1  }
0x17: {  	s4 =	simm.s32 $0x1BF5;
	[smem:$0x3FAF] =	sst s0  }
0x18: {  	s0 =	sld [smem:$0x3F92];
	_ =	swait.ge [sflag:s4], $0x0  }
0x19: {  	s7 =	sld [smem:$0x3F93]  }
0x1a: {  	s8 =	sadd.s32 $0xFFFFE003, lr  }
0x1b: {  	s9 =	sadd.s32 $0xFFFFFEF7, lr;
	s5 =	simm.s32 $0xFFFFFFFF;
	p2 =	slt.u32 s8, $0xFFFFF086  }
0x1c: {  	p1 =	slt.u32 s9, $0xF7A;
	s5 =	simm.s32 @!p2 $0x0  }
0x1d: {  	s5 =	simm.s32 @p1 $0x1;
	p0 =	seq.s32 s7, s2  }
0x1e: {  	s7 =	smul.u32 @!p0 $0xF7A, s2;
	p2 =	seq.s32 @!p0 s5, $0x0  }
0x1f: {  	s9 =	smul.u32 $0xF7A, s1;
	s8 =	simm.s32 @!p0 $0x1BF5;
	p2 =	por !p2, p0  }
0x20: {  	[sflag:s8] =	ssyncset.s32 @!p0 $0xFFFFF086;
	s6 =	sadd.s32 @!p0 s3, s7;
	s7 =	simm.s32 @!p0 $0x108  }
0x21: {  	s3 =	sadd.s32 s3, s9;
	s6 =	sadd.s32 @!p0 $0x88, s6;
	s7 =	simm.s32 @p2 $0x1082  }
0x22: {  	[simem:s7], [sflag:s8] =	dma.local @!p0 [hbm:s6], $0xF7A  }
0x23: {  	s9 =	sor.u32 $0xD0000000, s2;
	s6 =	simm.s32 $0x108;
	_ =	swait.ge @!p0 [sflag:s8], $0x0  }
0x24: {  	s3 =	sadd.s32 $0x88, s3;
	s6 =	simm.s32 @!p1 $0x1082;
	[sflag:s4] =	ssyncset.s32 $0xFFFFF086  }
0x25: {  	[simem:s6], [sflag:s4] =	dma.local [hbm:s3], $0xF7A  }
0x26: {  	[smem:$0x3F93] =	sst s1;
	(tag) =	ssettag s2;
	_ =	strace s9  }
0x27: {  	s1 =	sld [smem:$0x3FA3]  }
0x28: {  	s2 =	sld [smem:$0x3FA4]  }
0x29: {  	s4 =	sld [smem:$0x3FA6]  }
0x2a: {  	p0 =	seq.s32 s5, $0x0;
	s5 =	sld [smem:$0x3FA7]  }
0x2b: {  	s6 =	sld [smem:$0x3FA8]  }
0x2c: {  	s7 =	sld [smem:$0x3FA9]  }
0x2d: {  	s3 =	simm.s32 $0x108;
	s8 =	sld [smem:$0x3FAA]  }
0x2e: {  	s3 =	simm.s32 @!p0 $0x1082;
	s9 =	sld [smem:$0x3FAB]  }
0x2f: {  	lr =	sadd.s32 s0, s3;
	s0 =	sld [smem:$0x3FA2]  }
0x30: {  	s3 =	sld [smem:$0x3FA5]  }
0x31: {  	[smem:$0x3FAE] =	sst s10  }
0x32: {  	s10 =	sld [smem:$0x3FAC];
	_ =	sdelay $0x3  }
0x33: {  	p0 =	seq.s32 s10, $0x1;
	s10 =	sld [smem:$0x3FAE];
	_ =	sdelay $0x3  }
0x34: {  	[smem:$0x3FAE] =	sst s10  }
0x35: {  	s10 =	sld [smem:$0x3FAD];
	_ =	sdelay $0x3  }
0x36: {  	p1 =	seq.s32 s10, $0x1;
	s10 =	sld [smem:$0x3FAE];
	_ =	sdelay $0x3  }
0x37: {  	[smem:$0x3FAE] =	sst s10  }
0x38: {  	s10 =	sld [smem:$0x3FAF]  }
0x39: {  	_ = 	snop;
	(pc) =	sbr.ind lr, $3  }
0x3a: {  	_ = 	snop  }
0x3b: {  	_ = 	snop  }
0x3c: {  	p2 =	seq.s32 s10, $0x1;
	s10 =	sld [smem:$0x3FAE]  }
0x3d: {  	_ =	shalt  }
0x3e: {  	_ =	shalt  }
0x3f: {  	_ =	shalt  }
0x40: {  	_ =	shalt  }
0x41: {  	_ =	shalt  }
0x42: {  	_ =	shalt  }
0x43: {  	_ =	shalt  }
0x44: {  	_ =	shalt  }
0x45: {  	_ =	shalt  }
0x46: {  	_ =	shalt  }
0x47: {  	_ =	shalt  }
0x48: {  	_ =	shalt  }
0x49: {  	_ =	shalt  }
0x4a: {  	_ =	shalt  }
0x4b: {  	_ =	shalt  }
0x4c: {  	_ =	shalt  }
0x4d: {  	_ =	shalt  }
0x4e: {  	_ =	shalt  }
0x4f: {  	_ =	shalt  }
0x50: {  	_ =	shalt  }
0x51: {  	_ =	shalt  }
0x52: {  	_ =	shalt  }
0x53: {  	_ =	shalt  }
0x54: {  	_ =	shalt  }
0x55: {  	_ =	shalt  }
0x56: {  	_ =	shalt  }
0x57: {  	_ =	shalt  }
0x58: {  	_ =	shalt  }
0x59: {  	_ =	shalt  }
0x5a: {  	_ =	shalt  }
0x5b: {  	_ =	shalt  }
0x5c: {  	_ =	shalt  }
0x5d: {  	_ =	shalt  }
0x5e: {  	_ =	shalt  }
0x5f: {  	_ =	shalt  }
0x60: {  	_ =	shalt  }
0x61: {  	_ =	shalt  }
0x62: {  	_ =	shalt  }
0x63: {  	_ =	shalt  }
0x64: {  	_ =	shalt  }
0x65: {  	_ =	shalt  }
0x66: {  	_ =	shalt  }
0x67: {  	_ =	shalt  }
0x68: {  	_ =	shalt  }
0x69: {  	_ =	shalt  }
0x6a: {  	_ =	shalt  }
0x6b: {  	_ =	shalt  }
0x6c: {  	_ =	shalt  }
0x6d: {  	_ =	shalt  }
0x6e: {  	_ =	shalt  }
0x6f: {  	_ =	shalt  }
0x70: {  	_ =	shalt  }
0x71: {  	_ =	shalt  }
0x72: {  	_ =	shalt  }
0x73: {  	_ =	shalt  }
0x74: {  	_ =	shalt  }
0x75: {  	_ =	shalt  }
0x76: {  	_ =	shalt  }
0x77: {  	_ =	shalt  }
0x78: {  	_ =	shalt  }
0x79: {  	_ =	shalt  }
0x7a: {  	_ =	shalt  }
0x7b: {  	_ =	shalt  }
0x7c: {  	_ =	shalt  }
0x7d: {  	_ =	shalt  }
0x7e: {  	_ =	shalt  }
0x7f: {  	_ =	shalt  }
0x80: {  	_ =	shalt  }
0x81: {  	_ =	shalt  }
0x82: {  	_ =	shalt  }
0x83: {  	_ =	shalt  }
0x84: {  	_ =	shalt  }
0x85: {  	_ =	shalt  }
0x86: {  	_ =	shalt  }
0x87: {  	_ =	shalt  }
.Lfunc_end0:
.L_simem_size_0:
called_computation.1_lowered:
.L_overlay_start_0:
0x88: {  	s2 =	sld [smem:$0x3FD9]  }
0x89: {  	s3 =	sld [smem:$0x3FFE];
	_ =	sdelay $0x1  }
0x8a: {  	s1 =	srdreg.scid  }
0x8b: {  	s0 =	sand.u32 $0x1, s1  }
0x8c: {  	s17 =	sshll.u32 s0, $0xA;
	s2 =	sadd.s32 s3, s2  }
0x8d: {  	s2 =	sadd.s32 s2, s17  }
0x8e: {  	[smem:$0x3FBA] =	sst s2  }
0x8f: {  	_ = 	snop  }
0x90: {  	s2 =	sld [smem:$0x3FD0];
	(tm) =	ssettm $0x1  }
0x91: {  	s18 =	sld [smem:$0x3FFB];
	_ =	sdelay $0x3  }
0x92: {  	_ =	strace s18  }
0x93: {  	s3 =	sld [smem:$0x3FFC];
	_ =	sdelay $0x3  }
0x94: {  	_ =	strace s3  }
0x95: {  	s3 =	sld [smem:$0x3FFD];
	_ =	sdelay $0x3  }
0x96: {  	_ =	strace s3  }
0x97: {  	_ =	strace $0x8FFFFFFF  }
0x98: {  	s19 =	sld [smem:$0x3FDB];
	_ =	sdelay $0x1  }
0x99: {  	s4 =	simm.s32 $_scs_section_size  }
0x9a: {  	s5 =	simm.s32 $_size__tile_overlayer_lowered;
	s6 =	simm.s32 $_tile_overlayer_lowered  }
0x9b: {  	s22 =	simm.s32 $0x1BFF;
	s21 =	sshll.u32 s6, $0x1;
	s3 =	sadd.s32 s4, s19  }
0x9c: {  	s7 =	simm.s32 $0x0;
	s20 =	sshll.u32 s5, $0x1;
	s5 =	sadd.s32 s21, s3  }
0x9d: {  	[timem:s7], [sflag:s22] =	dma.local [hbm:s5], s20  }
0x9e: {  	_ =	swait.ge [sflag:s22], s20  }
0x9f: {  	s4 =	ssub.s32 $0x0, s20;
	[sflag:s22] =	ssyncset.done $0x0  }
0xa0: {  	[sflag:s22] =	ssyncadd.s32 s4;
	_ =	sdelay $0x1  }
0xa1: {  	s23 =	simm.s32 $0x1B8B  }
0xa2: {  	_ =	swait.ge [sflag:s23], $0x1  }
0xa3: {  	[sflag:s23] =	ssyncset.done $0x0  }
0xa4: {  	s25 =	simm.s32 $0x1B8E;
	s24 =	sld [smem:$0x3FFE];
	[sflag:s23] =	ssyncadd.s32 $0xFFFFFFFF  }
0xa5: {  	s26 =	simm.s32 $execute0_lowered;
	[smem:$0x3FD2] =	sst s25  }
0xa6: {  	s5 =	sshll.u32 s26, $0x1;
	_ =	strace $0x80000049;
	[dreg:$0x1] =	wrdreg $0xFFFFFFFF  }
0xa7: {  	s28 =	simm.s32 $_size_execute0_lowered;
	s3 =	sadd.s32 s3, s5;
	[dreg:$0x0] =	wrdreg $0x0  }
0xa8: {  	s5 =	sshll.u32 s28, $0x1;
	[dreg:$0x2] =	wrdreg s3  }
0xa9: {  	[dreg:$0x3] =	wrdreg s5  }
0xaa: {  	[dreg:$0x4] =	wrdreg $0xC0  }
0xab: {  	_ =	task [dreg:s7], $0x5FFFF  }
0xac: {  	[dreg:$0x1] =	wrdreg $0xFFFFFFFF  }
0xad: {  	[dreg:$0x0] =	wrdreg $0x60  }
0xae: {  	[dreg:$0x2] =	wrdreg s24  }
0xaf: {  	[dreg:$0x3] =	wrdreg s2  }
0xb0: {  	[dreg:$0x4] =	wrdreg $0xA8000  }
0xb1: {  	[dreg:$0x5] =	wrdreg $0x9  }
0xb2: {  	_ =	task.clear_ibuf [dreg:s7], $0x6FFFF;
	_ =	strace $0x90000049  }
0xb3: {  	s29 =	simm.s32 $0x9;
	_ =	strace $0x8000004B  }
0xb4: {  	_ =	swait.ge [sflag:s29], $0x1  }
0xb5: {  	[sflag:s29] =	ssyncadd.s32 $0xFFFFFFFF  }
0xb6: {  	_ =	strace $0x9000004B  }
0xb7: {  	_ =	sfence  }
0xb8: {  	s30 =	sld [smem:$0x0];
	_ =	sdelay $0x2  }
0xb9: {  	s31 =	sshll.u32 s1, $0xD;
	s1 =	sshrl.u32 s1, $0x2  }
0xba: {  	s3 =	sand.u32 $0x4000, s31;
	s1 =	sadd.s32 s1, s30  }
0xbb: {  	s0 =	sor.u32 s3, s0;
	s1 =	sshll.u32 s1, $0x11  }
0xbc: {  	s0 =	sor.u32 s1, s0  }
0xbd: {  	s0 =	sadd.s32 $0x8F2B, s0  }
0xbe: {  	[sflag:s0] =	ssyncadd.remote.s32 $0x1  }
0xbf: {  	_ =	sfence.sel $0xFFFF  }
0xc0: {  	[dreg:$0x0] =	wrdreg $0xFFFFFFFF;
	(pc) =	sbr.abs _section_cstart, $3  }
0xc1: {  	[dreg:$0x1] =	wrdreg $0xFFFFFFFF  }
0xc2: {  	_ =	task.clear_ibuf [dreg:s7], $0x2FFFF;
	_ =	strace $0x9FFFFFFF  }
0xc3: {  	(tm) =	ssettm $0x7FFFFFFF  }
tec
execute0_lowered:
.L_overlay_start_1:
0x0: {  	(tag) =	ssettag $0x1  }
0x1: {  	s5 =	rddreg [dreg:$0x0]  }
0x2: {  	s8 =	rddreg [dreg:$0x1]  }
0x3: {  	s1 =	rddreg [dreg:$0x2];
	s2 =	srdreg.scid  }
0x4: {  	s0 =	rddreg [dreg:$0x3];
	s3 =	simm.s32 $0x0;
	s16 =	simm.s32 $0x2800  }
0x5: {  	s17 =	simm.s32 $0x3;
	s18 =	simm.s32 $0x1400;
	s19 =	simm.s32 $0x80  }
0x6: {  	s20 =	simm.s32 $0x6800;
	s21 =	simm.s32 $0x1;
	s22 =	simm.s32 $0x2  }
0x7: {  	s23 =	simm.s32 $0x2700;
	s6 =	sand.u32 $0x1, s2;
	s2 =	stileid.u32  }
0x8: {  	s24 =	simm.s32 $0x2780;
	[smem:$0x7FF] =	sst s3;
	s7 =	smul.u32 $0x140000, s6  }
0x9: {  	s4 =	sadd.s32 $0xD000, s5;
	s10 =	sadd.s32 $0x3000, s5;
	s9 =	smul.u32 $0x14000, s2  }
0xa: {  	_ =	strace $0x8000004A;
	s25 =	sshll.u32 s2, $0x1;
	s11 =	smul.u32 $0x50000, s2  }
0xb: {  	s26 =	ssub.s32 $0x2, s6;
	s7 =	sadd.s32 s9, s7;
	s9 =	sor.u32 s6, s25  }
0xc: {  	s29 =	sshrl.u32 s26, $0x1;
	s11 =	sshrl.u32 s11, $0x2;
	s28 =	smul.u32 $0x2800, s9  }
0xd: {  	s13 =	ssub.s32 s26, s29;
	s7 =	sshrl.u32 s7, $0x3;
	s9 =	smul.u32 $0x500, s9  }
0xe: {  	s25 =	simm.s32 $0x0;
	s12 =	sadd.s32 s7, s5;
	s5 =	sadd.s32 s11, s1  }
0xf: {  	s11 =	smax.u32 s13, $0x1;
	s30 =	sshrl.u32 s28, $0x3;
	s6 =	sadd.s32 s8, s9  }
0x10: {  	s7 =	sadd.s32 s10, s9;
	s13 =	sadd.s32 $0x8000, s5;
	s31 =	sadd.s32 $0x280, s30  }
0x11: {  	s14 =	sadd.s32 $0xC000, s5;
	s15 =	sadd.s32 $0x10000, s5;
	s8 =	sadd.s32 s8, s31  }
0x12: {  	v0 =	vimm.f32 $0.0e+00;
	s9 =	sadd.s32 s10, s31;
	s10 =	sadd.s32 $0x34200, s12;
	s12 =	sadd.s32 $0x4000, s5  }
.LBB2_1:
0x13: {  	s26 =	sand.u32 $0xFE00, s3  }
0x14: {  	s28 =	sand.u32 $0x70, s3;
	s29 =	sshrl.u32 s26, $0x2  }
0x15: {  	s26 =	simm.s32 $0x40;
	s29 =	sor.u32 s28, s29;
	s28 =	simm.s32 $0x0  }
.LBB2_2:
0x16: {  	p0 =	sne.s32 s26, $0xFFC0  }
0x17: {  	[tilespmem:s29+$0x2800] =	vst v0;
	s28 =	sadd.s32 $0x10, s28;
	s29 =	smov.u32 s26;
	s26 =	sadd.s32 $0x40, s26  }
.Ltmp0:
0x18: {  	(pc) =	sbr.rel @p0 .LBB2_2-.Ltmp0, $4  }
0x19: {  	_ = 	snop  }
0x1a: {  	s29 =	sand.u32 $0xFE00, s29  }
0x1b: {  	s30 =	sand.u32 $0x70, s28;
	s29 =	sshrl.u32 s29, $0x2  }
0x1c: {  	s29 =	sor.u32 s30, s29  }
0x1d: {  	[tilespmem:s29+$0x2800] =	vst v0  }
0x1e: {  	[spmem:s5] =	stream.linear.scatter [tilespmem:s16], [sflag:$0x3], $0x4000, $0x38;
	[tilespmem:$0x1E800] =	vst v63  }
0x1f: {  	_ =	swait.ge [sflag:s17], $0x4000  }
0x20: {  	[sflag:s17] =	ssyncset.done $0x0  }
0x21: {  	[sflag:s17] =	ssyncadd.s32 $0xFFFFC000  }
0x22: {  	[spmem:s12] =	stream.linear.scatter [tilespmem:s16], [sflag:$0x3], $0x4000, $0x38;
	[tilespmem:$0x1E800] =	vst v63  }
0x23: {  	_ =	swait.ge [sflag:s17], $0x4000  }
0x24: {  	[sflag:s17] =	ssyncset.done $0x0  }
0x25: {  	[sflag:s17] =	ssyncadd.s32 $0xFFFFC000  }
0x26: {  	[spmem:s13] =	stream.linear.scatter [tilespmem:s16], [sflag:$0x3], $0x4000, $0x38;
	[tilespmem:$0x1E800] =	vst v63  }
0x27: {  	_ =	swait.ge [sflag:s17], $0x4000  }
0x28: {  	[sflag:s17] =	ssyncset.done $0x0  }
0x29: {  	[sflag:s17] =	ssyncadd.s32 $0xFFFFC000  }
0x2a: {  	[spmem:s14] =	stream.linear.scatter [tilespmem:s16], [sflag:$0x3], $0x4000, $0x38;
	[tilespmem:$0x1E800] =	vst v63  }
0x2b: {  	_ =	swait.ge [sflag:s17], $0x4000  }
0x2c: {  	[sflag:s17] =	ssyncset.done $0x0  }
0x2d: {  	[sflag:s17] =	ssyncadd.s32 $0xFFFFC000  }
0x2e: {  	[spmem:s15] =	stream.linear.scatter [tilespmem:s16], [sflag:$0x3], $0x4000, $0x38;
	[tilespmem:$0x1E800] =	vst v63  }
0x2f: {  	_ =	swait.ge [sflag:s17], $0x4000  }
0x30: {  	[sflag:s17] =	ssyncset.done $0x0  }
0x31: {  	[sflag:s17] =	ssyncadd.s32 $0xFFFFC000  }
0x32: {  	s26 =	simm.s32 $0x0;
	[bflag:$0x0] =	sbarrier.arrive $0xFFFF  }
0x33: {  	[tilespmem:s26], [sflag:$0x3] =	stream.linear.gather [hbm4b:s6+s26], $0x1400, $0x38;
	[tilespmem:$0x1E800] =	vst v63  }
0x34: {  	_ =	swait.ge [sflag:s17], $0x1400  }
0x35: {  	[sflag:s17] =	ssyncset.done $0x0  }
0x36: {  	[sflag:s17] =	ssyncadd.s32 $0xFFFFEC00  }
0x37: {  	[tilespmem:s18], [sflag:$0x3] =	stream.linear.gather [hbm4b:s7+s26], $0x1400, $0x38;
	[tilespmem:$0x1E800] =	vst v63  }
0x38: {  	_ =	swait.ge [sflag:s17], $0x1400  }
0x39: {  	[sflag:s17] =	ssyncset.done $0x0  }
0x3a: {  	[sflag:s17] =	ssyncadd.s32 $0xFFFFEC00  }
0x3b: {  	[tilespmem:s16], [sflag:$0x1] =	stream.indirect.gather [hbm4b:s4+s19], $0x80, s26, s19, $0xb8;
	[tilespmem:$0x1E800] =	vst v63  }
0x3c: {  	_ = 	snop  }
0x3d: {  	[tilespmem:s20], [sflag:$0x2] =	stream.indirect.gather [hbm4b:s4+s19], $0x80, s19, s19, $0xb8;
	[tilespmem:$0x1E800] =	vst v63  }
0x3e: {  	_ =	swait.ge [sflag:s21], $0x4000  }
0x3f: {  	[sflag:s21] =	ssyncset.done $0x0  }
0x40: {  	s29 =	simm.s32 $0x1400;
	[sflag:s21] =	ssyncadd.s32 $0xFFFFC000  }
0x41: {  	[spmem:s1] =	stream.indirect.scatter.add.f32 [tilespmem:s16], [sflag:$0x3], $0x80, s29, s19, $0xb8;
	[tilespmem:$0x1E800] =	vst v63  }
0x42: {  	_ =	swait.ge [sflag:s17], $0x4000  }
0x43: {  	[sflag:s17] =	ssyncset.done $0x0  }
0x44: {  	s30 =	simm.s32 $0x100;
	[sflag:s17] =	ssyncadd.s32 $0xFFFFC000  }
0x45: {  	[tilespmem:s16], [sflag:$0x1] =	stream.indirect.gather [hbm4b:s4+s19], $0x80, s30, s19, $0xb8;
	[tilespmem:$0x1E800] =	vst v63  }
0x46: {  	_ =	swait.ge [sflag:s22], $0x4000  }
0x47: {  	[sflag:s22] =	ssyncset.done $0x0  }
0x48: {  	s31 =	simm.s32 $0x1480;
	[sflag:s22] =	ssyncadd.s32 $0xFFFFC000  }
0x49: {  	[spmem:s1] =	stream.indirect.scatter.add.f32 [tilespmem:s20], [sflag:$0x3], $0x80, s31, s19, $0xb8;
	[tilespmem:$0x1E800] =	vst v63  }
0x4a: {  	_ =	swait.ge [sflag:s17], $0x4000  }
0x4b: {  	[sflag:s17] =	ssyncset.done $0x0  }
0x4c: {  	s28 =	simm.s32 $0x180;
	s26 =	simm.s32 $0x400;
	[sflag:s17] =	ssyncadd.s32 $0xFFFFC000  }
.LBB2_4:
0x4d: {  	[tilespmem:s20], [sflag:$0x2] =	stream.indirect.gather [hbm4b:s4+s19], $0x80, s28, s19, $0xb8;
	[tilespmem:$0x1E800] =	vst v63  }
0x4e: {  	s28 =	smov.u32 s26  }
0x4f: {  	p0 =	sne.s32 s26, $0x4800;
	s26 =	sadd.s32 $0x400, s26;
	_ =	swait.ge [sflag:s21], $0x4000  }
0x50: {  	s28 =	sshra.s32 s28, $0x2;
	[sflag:s21] =	ssyncset.done $0x0  }
0x51: {  	s29 =	sadd.s32 $0x1400, s28;
	[sflag:s21] =	ssyncadd.s32 $0xFFFFC000  }
0x52: {  	[spmem:s1] =	stream.indirect.scatter.add.f32 [tilespmem:s16], [sflag:$0x3], $0x80, s29, s19, $0xb8;
	[tilespmem:$0x1E800] =	vst v63  }
0x53: {  	_ =	swait.ge [sflag:s17], $0x4000  }
0x54: {  	[sflag:s17] =	ssyncset.done $0x0  }
0x55: {  	s29 =	sadd.s32 $0x100, s28;
	[sflag:s17] =	ssyncadd.s32 $0xFFFFC000  }
0x56: {  	[tilespmem:s16], [sflag:$0x1] =	stream.indirect.gather [hbm4b:s4+s19], $0x80, s29, s19, $0xb8;
	[tilespmem:$0x1E800] =	vst v63  }
0x57: {  	_ =	swait.ge [sflag:s22], $0x4000  }
0x58: {  	[sflag:s22] =	ssyncset.done $0x0  }
.Ltmp1:
0x59: {  	s29 =	sadd.s32 $0x1480, s28;
	[sflag:s22] =	ssyncadd.s32 $0xFFFFC000;
	(pc) =	sbr.rel @p0 .LBB2_4-.Ltmp1, $4  }
0x5a: {  	[spmem:s1] =	stream.indirect.scatter.add.f32 [tilespmem:s20], [sflag:$0x3], $0x80, s29, s19, $0xb8;
	[tilespmem:$0x1E800] =	vst v63  }
0x5b: {  	_ =	swait.ge [sflag:s17], $0x4000  }
0x5c: {  	[sflag:s17] =	ssyncset.done $0x0  }
0x5d: {  	s28 =	sadd.s32 $0x180, s28;
	[sflag:s17] =	ssyncadd.s32 $0xFFFFC000  }
0x5e: {  	[tilespmem:s20], [sflag:$0x2] =	stream.indirect.gather [hbm4b:s4+s19], $0x80, s28, s19, $0xb8;
	[tilespmem:$0x1E800] =	vst v63  }
0x5f: {  	_ =	swait.ge [sflag:s21], $0x4000  }
0x60: {  	[sflag:s21] =	ssyncset.done $0x0  }
0x61: {  	[sflag:s21] =	ssyncadd.s32 $0xFFFFC000  }
0x62: {  	[spmem:s1] =	stream.indirect.scatter.add.f32 [tilespmem:s16], [sflag:$0x3], $0x80, s23, s19, $0xb8;
	[tilespmem:$0x1E800] =	vst v63  }
0x63: {  	_ =	swait.ge [sflag:s17], $0x4000  }
0x64: {  	[sflag:s17] =	ssyncset.done $0x0  }
0x65: {  	[sflag:s17] =	ssyncadd.s32 $0xFFFFC000  }
0x66: {  	_ =	swait.ge [sflag:s22], $0x4000  }
0x67: {  	[sflag:s22] =	ssyncset.done $0x0  }
0x68: {  	[sflag:s22] =	ssyncadd.s32 $0xFFFFC000  }
0x69: {  	[spmem:s1] =	stream.indirect.scatter.add.f32 [tilespmem:s20], [sflag:$0x3], $0x80, s24, s19, $0xb8;
	[tilespmem:$0x1E800] =	vst v63  }
0x6a: {  	_ =	swait.ge [sflag:s17], $0x4000  }
0x6b: {  	[sflag:s17] =	ssyncset.done $0x0  }
0x6c: {  	s26 =	simm.s32 $0x0;
	[sflag:s17] =	ssyncadd.s32 $0xFFFFC000  }
0x6d: {  	[tilespmem:s26], [sflag:$0x3] =	stream.linear.gather [hbm4b:s8+s26], $0x1400, $0x38;
	[tilespmem:$0x1E800] =	vst v63  }
0x6e: {  	_ =	swait.ge [sflag:s17], $0x1400  }
0x6f: {  	[sflag:s17] =	ssyncset.done $0x0  }
0x70: {  	[sflag:s17] =	ssyncadd.s32 $0xFFFFEC00  }
0x71: {  	[tilespmem:s18], [sflag:$0x3] =	stream.linear.gather [hbm4b:s9+s26], $0x1400, $0x38;
	[tilespmem:$0x1E800] =	vst v63  }
0x72: {  	_ =	swait.ge [sflag:s17], $0x1400  }
0x73: {  	[sflag:s17] =	ssyncset.done $0x0  }
0x74: {  	[sflag:s17] =	ssyncadd.s32 $0xFFFFEC00  }
0x75: {  	[tilespmem:s16], [sflag:$0x1] =	stream.indirect.gather [hbm4b:s4+s19], $0x80, s26, s19, $0xb8;
	[tilespmem:$0x1E800] =	vst v63  }
0x76: {  	_ = 	snop  }
0x77: {  	[tilespmem:s20], [sflag:$0x2] =	stream.indirect.gather [hbm4b:s4+s19], $0x80, s19, s19, $0xb8;
	[tilespmem:$0x1E800] =	vst v63  }
0x78: {  	_ =	swait.ge [sflag:s21], $0x4000  }
0x79: {  	[sflag:s21] =	ssyncset.done $0x0  }
0x7a: {  	s29 =	simm.s32 $0x1400;
	[sflag:s21] =	ssyncadd.s32 $0xFFFFC000  }
0x7b: {  	[spmem:s1] =	stream.indirect.scatter.add.f32 [tilespmem:s16], [sflag:$0x3], $0x80, s29, s19, $0xb8;
	[tilespmem:$0x1E800] =	vst v63  }
0x7c: {  	_ =	swait.ge [sflag:s17], $0x4000  }
0x7d: {  	[sflag:s17] =	ssyncset.done $0x0  }
0x7e: {  	s30 =	simm.s32 $0x100;
	[sflag:s17] =	ssyncadd.s32 $0xFFFFC000  }
0x7f: {  	[tilespmem:s16], [sflag:$0x1] =	stream.indirect.gather [hbm4b:s4+s19], $0x80, s30, s19, $0xb8;
	[tilespmem:$0x1E800] =	vst v63  }
0x80: {  	_ =	swait.ge [sflag:s22], $0x4000  }
0x81: {  	[sflag:s22] =	ssyncset.done $0x0  }
0x82: {  	s31 =	simm.s32 $0x1480;
	[sflag:s22] =	ssyncadd.s32 $0xFFFFC000  }
0x83: {  	[spmem:s1] =	stream.indirect.scatter.add.f32 [tilespmem:s20], [sflag:$0x3], $0x80, s31, s19, $0xb8;
	[tilespmem:$0x1E800] =	vst v63  }
0x84: {  	_ =	swait.ge [sflag:s17], $0x4000  }
0x85: {  	[sflag:s17] =	ssyncset.done $0x0  }
0x86: {  	s28 =	simm.s32 $0x180;
	s26 =	simm.s32 $0x400;
	[sflag:s17] =	ssyncadd.s32 $0xFFFFC000  }
.LBB2_6:
0x87: {  	[tilespmem:s20], [sflag:$0x2] =	stream.indirect.gather [hbm4b:s4+s19], $0x80, s28, s19, $0xb8;
	[tilespmem:$0x1E800] =	vst v63  }
0x88: {  	s28 =	smov.u32 s26  }
0x89: {  	p0 =	sne.s32 s26, $0x4800;
	s26 =	sadd.s32 $0x400, s26;
	_ =	swait.ge [sflag:s21], $0x4000  }
0x8a: {  	s28 =	sshra.s32 s28, $0x2;
	[sflag:s21] =	ssyncset.done $0x0  }
0x8b: {  	s29 =	sadd.s32 $0x1400, s28;
	[sflag:s21] =	ssyncadd.s32 $0xFFFFC000  }
0x8c: {  	[spmem:s1] =	stream.indirect.scatter.add.f32 [tilespmem:s16], [sflag:$0x3], $0x80, s29, s19, $0xb8;
	[tilespmem:$0x1E800] =	vst v63  }
0x8d: {  	_ =	swait.ge [sflag:s17], $0x4000  }
0x8e: {  	[sflag:s17] =	ssyncset.done $0x0  }
0x8f: {  	s29 =	sadd.s32 $0x100, s28;
	[sflag:s17] =	ssyncadd.s32 $0xFFFFC000  }
0x90: {  	[tilespmem:s16], [sflag:$0x1] =	stream.indirect.gather [hbm4b:s4+s19], $0x80, s29, s19, $0xb8;
	[tilespmem:$0x1E800] =	vst v63  }
0x91: {  	_ =	swait.ge [sflag:s22], $0x4000  }
0x92: {  	[sflag:s22] =	ssyncset.done $0x0  }
.Ltmp2:
0x93: {  	s29 =	sadd.s32 $0x1480, s28;
	[sflag:s22] =	ssyncadd.s32 $0xFFFFC000;
	(pc) =	sbr.rel @p0 .LBB2_6-.Ltmp2, $4  }
0x94: {  	[spmem:s1] =	stream.indirect.scatter.add.f32 [tilespmem:s20], [sflag:$0x3], $0x80, s29, s19, $0xb8;
	[tilespmem:$0x1E800] =	vst v63  }
0x95: {  	_ =	swait.ge [sflag:s17], $0x4000  }
0x96: {  	[sflag:s17] =	ssyncset.done $0x0  }
0x97: {  	s28 =	sadd.s32 $0x180, s28;
	[sflag:s17] =	ssyncadd.s32 $0xFFFFC000  }
0x98: {  	[tilespmem:s20], [sflag:$0x2] =	stream.indirect.gather [hbm4b:s4+s19], $0x80, s28, s19, $0xb8;
	[tilespmem:$0x1E800] =	vst v63  }
0x99: {  	_ =	swait.ge [sflag:s21], $0x4000  }
0x9a: {  	[sflag:s21] =	ssyncset.done $0x0  }
0x9b: {  	[sflag:s21] =	ssyncadd.s32 $0xFFFFC000  }
0x9c: {  	[spmem:s1] =	stream.indirect.scatter.add.f32 [tilespmem:s16], [sflag:$0x3], $0x80, s23, s19, $0xb8;
	[tilespmem:$0x1E800] =	vst v63  }
0x9d: {  	_ =	swait.ge [sflag:s17], $0x4000  }
0x9e: {  	[sflag:s17] =	ssyncset.done $0x0  }
0x9f: {  	[sflag:s17] =	ssyncadd.s32 $0xFFFFC000  }
0xa0: {  	_ =	swait.ge [sflag:s22], $0x4000  }
0xa1: {  	[sflag:s22] =	ssyncset.done $0x0  }
0xa2: {  	[sflag:s22] =	ssyncadd.s32 $0xFFFFC000  }
0xa3: {  	[spmem:s1] =	stream.indirect.scatter.add.f32 [tilespmem:s20], [sflag:$0x3], $0x80, s24, s19, $0xb8;
	[tilespmem:$0x1E800] =	vst v63  }
0xa4: {  	_ =	swait.ge [sflag:s17], $0x4000  }
0xa5: {  	s26 =	sshll.u32 s2, $0x6;
	s25 =	sadd.s32 $0x1, s25;
	[sflag:s17] =	ssyncset.done $0x0  }
0xa6: {  	s31 =	sshrl.u32 s5, $0x3;
	p0 =	sne.s32 s25, s11;
	[sflag:s17] =	ssyncadd.s32 $0xFFFFC000  }
.Ltmp3:
0xa7: {  	s26 =	sor.u32 $0x1C03, s26;
	[bflag:$0x0] =	sbarrier.arrive $0xFFFF;
	(pc) =	sbr.rel @p0 .LBB2_1-.Ltmp3, $4  }
0xa8: {  	[hbm:s10], [sflag:s26] =	dma.local [spmem:s31], $0x2800  }
0xa9: {  	_ =	swait.ge [sflag:s17], $0x2800  }
0xaa: {  	[sflag:s17] =	ssyncset.done $0x0  }
0xab: {  	[sflag:s17] =	ssyncadd.s32 $0xFFFFD800  }
0xac: {  	_ =	sfence.sel $0x180000  }
0xad: {  	[bflag:$0x0] =	sbarrier.arrive $0xFFFF  }
0xae: {  	p0 =	sne.s32 s2, $0x0;
	_ =	strace $0x9000004A  }
0xaf: {  	s0 =	sadd.s32 @!p0 $0x100000, s0;
	[bflag:$0x2] =	sbarrier.arrive $0xFFFF  }
0xb0: {  	[sflag:s0] =	ssyncadd.tile.s32 @!p0 $0x1;
	_ =	shalt  }
.Lfunc_end2:
_tile_overlayer_lowered:
.L_overlay_start_2:
0xb1: {  	(tag) =	ssettag $0x2  }
0xb2: {  	s0 =	rddreg [dreg:$0x0];
	s2 =	stileid.u32  }
0xb3: {  	s1 =	rddreg [dreg:$0x1];
	p0 =	sne.s32 s2, $0x0  }
0xb4: {  	s3 =	rddreg [dreg:$0x2];
	[bflag:$0x3] =	sbarrier.arrive $0xFFFF;
	s2 =	simm.s32 @!p0 $0x1C03  }
0xb5: {  	[timem:s3], [sflag:s2] =	dma.local @!p0 [hbm:s0], s1  }
0xb6: {  	s0 =	simm.s32 @!p0 $0x3  }
0xb7: {  	_ =	swait.ge @!p0 [sflag:s0], s1  }
0xb8: {  	s1 =	ssub.s32 @!p0 $0x0, s1;
	[sflag:s0] =	ssyncset.done @!p0 $0x0  }
0xb9: {  	[sflag:s0] =	ssyncadd.s32 @!p0 s1  }
0xba: {  	[bflag:$0x3] =	sbarrier.arrive $0xFFFF  }
0xbb: {  	_ =	shalt  }

// kernel: kernel.14.cloned.1.call-start
scs
__scs_entry_jumppad:
0x0: {  	(pc) =	sbr.rel $0x88, $3  }
0x1: {  	(tag) =	ssettag $0x0;
	lr =	simm.s32 $0x1  }
0x2: {  	[smem:$0x3F93] =	sst lr;
	_ =	strace $0xD0000000  }
0x3: {  	_ = 	snop  }
0x4: {  	_ = 	snop  }
0x5: {  	_ = 	snop  }
0x6: {  	_ = 	snop  }
0x7: {  	_ = 	snop  }
__scs_overlays_trampoline_lowered:
0x8: {  	[smem:$0x3FA2] =	sst s0  }
0x9: {  	[smem:$0x3FA3] =	sst s1  }
0xa: {  	[smem:$0x3FA4] =	sst s2  }
0xb: {  	[smem:$0x3FA5] =	sst s3  }
0xc: {  	[smem:$0x3FA6] =	sst s4  }
0xd: {  	[smem:$0x3FA7] =	sst s5  }
0xe: {  	[smem:$0x3FA8] =	sst s6  }
0xf: {  	[smem:$0x3FA9] =	sst s7  }
0x10: {  	[smem:$0x3FAA] =	sst s8  }
0x11: {  	[smem:$0x3FAB] =	sst s9;
	s0 =	simm.s32 @!p0 $0x0  }
0x12: {  	s1 =	sld [smem:$0x3F91];
	s0 =	simm.s32 @p0 $0x1  }
0x13: {  	[smem:$0x3FAC] =	sst s0;
	s0 =	simm.s32 @!p1 $0x0  }
0x14: {  	s2 =	sld [smem:$0x3F90];
	s0 =	simm.s32 @p1 $0x1  }
0x15: {  	[smem:$0x3FAD] =	sst s0;
	s0 =	simm.s32 @!p2 $0x0  }
0x16: {  	s3 =	sld [smem:$0x3FDB];
	s0 =	simm.s32 @p2 $0x1  }
0x17: {  	s4 =	simm.s32 $0x1BF5;
	[smem:$0x3FAF] =	sst s0  }
0x18: {  	s0 =	sld [smem:$0x3F92];
	_ =	swait.ge [sflag:s4], $0x0  }
0x19: {  	s7 =	sld [smem:$0x3F93]  }
0x1a: {  	s8 =	sadd.s32 $0xFFFFE003, lr  }
0x1b: {  	s9 =	sadd.s32 $0xFFFFFEF7, lr;
	s5 =	simm.s32 $0xFFFFFFFF;
	p2 =	slt.u32 s8, $0xFFFFF086  }
0x1c: {  	p1 =	slt.u32 s9, $0xF7A;
	s5 =	simm.s32 @!p2 $0x0  }
0x1d: {  	s5 =	simm.s32 @p1 $0x1;
	p0 =	seq.s32 s7, s2  }
0x1e: {  	s7 =	smul.u32 @!p0 $0xF7A, s2;
	p2 =	seq.s32 @!p0 s5, $0x0  }
0x1f: {  	s9 =	smul.u32 $0xF7A, s1;
	s8 =	simm.s32 @!p0 $0x1BF5;
	p2 =	por !p2, p0  }
0x20: {  	[sflag:s8] =	ssyncset.s32 @!p0 $0xFFFFF086;
	s6 =	sadd.s32 @!p0 s3, s7;
	s7 =	simm.s32 @!p0 $0x108  }
0x21: {  	s3 =	sadd.s32 s3, s9;
	s6 =	sadd.s32 @!p0 $0x88, s6;
	s7 =	simm.s32 @p2 $0x1082  }
0x22: {  	[simem:s7], [sflag:s8] =	dma.local @!p0 [hbm:s6], $0xF7A  }
0x23: {  	s9 =	sor.u32 $0xD0000000, s2;
	s6 =	simm.s32 $0x108;
	_ =	swait.ge @!p0 [sflag:s8], $0x0  }
0x24: {  	s3 =	sadd.s32 $0x88, s3;
	s6 =	simm.s32 @!p1 $0x1082;
	[sflag:s4] =	ssyncset.s32 $0xFFFFF086  }
0x25: {  	[simem:s6], [sflag:s4] =	dma.local [hbm:s3], $0xF7A  }
0x26: {  	[smem:$0x3F93] =	sst s1;
	(tag) =	ssettag s2;
	_ =	strace s9  }
0x27: {  	s1 =	sld [smem:$0x3FA3]  }
0x28: {  	s2 =	sld [smem:$0x3FA4]  }
0x29: {  	s4 =	sld [smem:$0x3FA6]  }
0x2a: {  	p0 =	seq.s32 s5, $0x0;
	s5 =	sld [smem:$0x3FA7]  }
0x2b: {  	s6 =	sld [smem:$0x3FA8]  }
0x2c: {  	s7 =	sld [smem:$0x3FA9]  }
0x2d: {  	s3 =	simm.s32 $0x108;
	s8 =	sld [smem:$0x3FAA]  }
0x2e: {  	s3 =	simm.s32 @!p0 $0x1082;
	s9 =	sld [smem:$0x3FAB]  }
0x2f: {  	lr =	sadd.s32 s0, s3;
	s0 =	sld [smem:$0x3FA2]  }
0x30: {  	s3 =	sld [smem:$0x3FA5]  }
0x31: {  	[smem:$0x3FAE] =	sst s10  }
0x32: {  	s10 =	sld [smem:$0x3FAC];
	_ =	sdelay $0x3  }
0x33: {  	p0 =	seq.s32 s10, $0x1;
	s10 =	sld [smem:$0x3FAE];
	_ =	sdelay $0x3  }
0x34: {  	[smem:$0x3FAE] =	sst s10  }
0x35: {  	s10 =	sld [smem:$0x3FAD];
	_ =	sdelay $0x3  }
0x36: {  	p1 =	seq.s32 s10, $0x1;
	s10 =	sld [smem:$0x3FAE];
	_ =	sdelay $0x3  }
0x37: {  	[smem:$0x3FAE] =	sst s10  }
0x38: {  	s10 =	sld [smem:$0x3FAF]  }
0x39: {  	_ = 	snop;
	(pc) =	sbr.ind lr, $3  }
0x3a: {  	_ = 	snop  }
0x3b: {  	_ = 	snop  }
0x3c: {  	p2 =	seq.s32 s10, $0x1;
	s10 =	sld [smem:$0x3FAE]  }
0x3d: {  	_ =	shalt  }
0x3e: {  	_ =	shalt  }
0x3f: {  	_ =	shalt  }
0x40: {  	_ =	shalt  }
0x41: {  	_ =	shalt  }
0x42: {  	_ =	shalt  }
0x43: {  	_ =	shalt  }
0x44: {  	_ =	shalt  }
0x45: {  	_ =	shalt  }
0x46: {  	_ =	shalt  }
0x47: {  	_ =	shalt  }
0x48: {  	_ =	shalt  }
0x49: {  	_ =	shalt  }
0x4a: {  	_ =	shalt  }
0x4b: {  	_ =	shalt  }
0x4c: {  	_ =	shalt  }
0x4d: {  	_ =	shalt  }
0x4e: {  	_ =	shalt  }
0x4f: {  	_ =	shalt  }
0x50: {  	_ =	shalt  }
0x51: {  	_ =	shalt  }
0x52: {  	_ =	shalt  }
0x53: {  	_ =	shalt  }
0x54: {  	_ =	shalt  }
0x55: {  	_ =	shalt  }
0x56: {  	_ =	shalt  }
0x57: {  	_ =	shalt  }
0x58: {  	_ =	shalt  }
0x59: {  	_ =	shalt  }
0x5a: {  	_ =	shalt  }
0x5b: {  	_ =	shalt  }
0x5c: {  	_ =	shalt  }
0x5d: {  	_ =	shalt  }
0x5e: {  	_ =	shalt  }
0x5f: {  	_ =	shalt  }
0x60: {  	_ =	shalt  }
0x61: {  	_ =	shalt  }
0x62: {  	_ =	shalt  }
0x63: {  	_ =	shalt  }
0x64: {  	_ =	shalt  }
0x65: {  	_ =	shalt  }
0x66: {  	_ =	shalt  }
0x67: {  	_ =	shalt  }
0x68: {  	_ =	shalt  }
0x69: {  	_ =	shalt  }
0x6a: {  	_ =	shalt  }
0x6b: {  	_ =	shalt  }
0x6c: {  	_ =	shalt  }
0x6d: {  	_ =	shalt  }
0x6e: {  	_ =	shalt  }
0x6f: {  	_ =	shalt  }
0x70: {  	_ =	shalt  }
0x71: {  	_ =	shalt  }
0x72: {  	_ =	shalt  }
0x73: {  	_ =	shalt  }
0x74: {  	_ =	shalt  }
0x75: {  	_ =	shalt  }
0x76: {  	_ =	shalt  }
0x77: {  	_ =	shalt  }
0x78: {  	_ =	shalt  }
0x79: {  	_ =	shalt  }
0x7a: {  	_ =	shalt  }
0x7b: {  	_ =	shalt  }
0x7c: {  	_ =	shalt  }
0x7d: {  	_ =	shalt  }
0x7e: {  	_ =	shalt  }
0x7f: {  	_ =	shalt  }
0x80: {  	_ =	shalt  }
0x81: {  	_ =	shalt  }
0x82: {  	_ =	shalt  }
0x83: {  	_ =	shalt  }
0x84: {  	_ =	shalt  }
0x85: {  	_ =	shalt  }
0x86: {  	_ =	shalt  }
0x87: {  	_ =	shalt  }
.Lfunc_end0:
.L_simem_size_0:
called_computation.2_lowered:
.L_overlay_start_0:
0x88: {  	s2 =	sld [smem:$0x3FD9]  }
0x89: {  	s3 =	sld [smem:$0x3FFE];
	_ =	sdelay $0x1  }
0x8a: {  	s1 =	srdreg.scid  }
0x8b: {  	s0 =	sand.u32 $0x1, s1  }
0x8c: {  	s17 =	sshll.u32 s0, $0xA;
	s2 =	sadd.s32 s3, s2  }
0x8d: {  	s2 =	sadd.s32 s2, s17  }
0x8e: {  	[smem:$0x3FBA] =	sst s2  }
0x8f: {  	_ = 	snop  }
0x90: {  	s2 =	sld [smem:$0x3FD0];
	(tm) =	ssettm $0x1  }
0x91: {  	s18 =	sld [smem:$0x3FFB];
	_ =	sdelay $0x3  }
0x92: {  	_ =	strace s18  }
0x93: {  	s3 =	sld [smem:$0x3FFC];
	_ =	sdelay $0x3  }
0x94: {  	_ =	strace s3  }
0x95: {  	s3 =	sld [smem:$0x3FFD];
	_ =	sdelay $0x3  }
0x96: {  	_ =	strace s3  }
0x97: {  	_ =	strace $0x8FFFFFFF  }
0x98: {  	s19 =	sld [smem:$0x3FDB];
	_ =	sdelay $0x1  }
0x99: {  	s4 =	simm.s32 $_scs_section_size  }
0x9a: {  	s5 =	simm.s32 $_size__tile_overlayer_lowered;
	s6 =	simm.s32 $_tile_overlayer_lowered  }
0x9b: {  	s22 =	simm.s32 $0x1BFF;
	s21 =	sshll.u32 s6, $0x1;
	s3 =	sadd.s32 s4, s19  }
0x9c: {  	s7 =	simm.s32 $0x0;
	s20 =	sshll.u32 s5, $0x1;
	s5 =	sadd.s32 s21, s3  }
0x9d: {  	[timem:s7], [sflag:s22] =	dma.local [hbm:s5], s20  }
0x9e: {  	_ =	swait.ge [sflag:s22], s20  }
0x9f: {  	s4 =	ssub.s32 $0x0, s20;
	[sflag:s22] =	ssyncset.done $0x0  }
0xa0: {  	[sflag:s22] =	ssyncadd.s32 s4;
	_ =	sdelay $0x1  }
0xa1: {  	s23 =	simm.s32 $0x1B8B  }
0xa2: {  	_ =	swait.ge [sflag:s23], $0x1  }
0xa3: {  	[sflag:s23] =	ssyncset.done $0x0  }
0xa4: {  	s25 =	simm.s32 $0x1B8E;
	s24 =	sld [smem:$0x3FFE];
	[sflag:s23] =	ssyncadd.s32 $0xFFFFFFFF  }
0xa5: {  	s26 =	simm.s32 $execute0_lowered;
	[smem:$0x3FD2] =	sst s25  }
0xa6: {  	s5 =	sshll.u32 s26, $0x1;
	_ =	strace $0x8000004C;
	[dreg:$0x1] =	wrdreg $0xFFFFFFFF  }
0xa7: {  	s28 =	simm.s32 $_size_execute0_lowered;
	s3 =	sadd.s32 s3, s5;
	[dreg:$0x0] =	wrdreg $0x0  }
0xa8: {  	s5 =	sshll.u32 s28, $0x1;
	[dreg:$0x2] =	wrdreg s3  }
0xa9: {  	[dreg:$0x3] =	wrdreg s5  }
0xaa: {  	[dreg:$0x4] =	wrdreg $0xC0  }
0xab: {  	_ =	task [dreg:s7], $0x5FFFF  }
0xac: {  	[dreg:$0x1] =	wrdreg $0xFFFFFFFF  }
0xad: {  	[dreg:$0x0] =	wrdreg $0x60  }
0xae: {  	[dreg:$0x2] =	wrdreg s24  }
0xaf: {  	[dreg:$0x3] =	wrdreg s2  }
0xb0: {  	[dreg:$0x4] =	wrdreg $0xA8000  }
0xb1: {  	[dreg:$0x5] =	wrdreg $0x9  }
0xb2: {  	_ =	task.clear_ibuf [dreg:s7], $0x6FFFF;
	_ =	strace $0x9000004C  }
0xb3: {  	s29 =	simm.s32 $0x9;
	_ =	strace $0x8000004E  }
0xb4: {  	_ =	swait.ge [sflag:s29], $0x1  }
0xb5: {  	[sflag:s29] =	ssyncadd.s32 $0xFFFFFFFF  }
0xb6: {  	_ =	strace $0x9000004E  }
0xb7: {  	_ =	sfence  }
0xb8: {  	s30 =	sld [smem:$0x0];
	_ =	sdelay $0x2  }
0xb9: {  	s31 =	sshll.u32 s1, $0xD;
	s1 =	sshrl.u32 s1, $0x2  }
0xba: {  	s3 =	sand.u32 $0x4000, s31;
	s1 =	sadd.s32 s1, s30  }
0xbb: {  	s0 =	sor.u32 s3, s0;
	s1 =	sshll.u32 s1, $0x11  }
0xbc: {  	s0 =	sor.u32 s1, s0  }
0xbd: {  	s0 =	sadd.s32 $0x8F2B, s0  }
0xbe: {  	[sflag:s0] =	ssyncadd.remote.s32 $0x1  }
0xbf: {  	_ =	sfence.sel $0xFFFF  }
0xc0: {  	[dreg:$0x0] =	wrdreg $0xFFFFFFFF;
	(pc) =	sbr.abs _section_cstart, $3  }
0xc1: {  	[dreg:$0x1] =	wrdreg $0xFFFFFFFF  }
0xc2: {  	_ =	task.clear_ibuf [dreg:s7], $0x2FFFF;
	_ =	strace $0x9FFFFFFF  }
0xc3: {  	(tm) =	ssettm $0x7FFFFFFF  }
tec
execute0_lowered:
.L_overlay_start_1:
0x0: {  	(tag) =	ssettag $0x1  }
0x1: {  	s5 =	rddreg [dreg:$0x0]  }
0x2: {  	s8 =	rddreg [dreg:$0x1]  }
0x3: {  	s1 =	rddreg [dreg:$0x2];
	s2 =	srdreg.scid  }
0x4: {  	s0 =	rddreg [dreg:$0x3];
	s3 =	simm.s32 $0x0;
	s16 =	simm.s32 $0x2800  }
0x5: {  	s17 =	simm.s32 $0x3;
	s18 =	simm.s32 $0x1400;
	s19 =	simm.s32 $0x80  }
0x6: {  	s20 =	simm.s32 $0x6800;
	s21 =	simm.s32 $0x1;
	s22 =	simm.s32 $0x2  }
0x7: {  	s23 =	simm.s32 $0x2700;
	s6 =	sand.u32 $0x1, s2;
	s2 =	stileid.u32  }
0x8: {  	s24 =	simm.s32 $0x2780;
	[smem:$0x7FF] =	sst s3;
	s7 =	smul.u32 $0x140000, s6  }
0x9: {  	s4 =	sadd.s32 $0xD000, s5;
	s10 =	sadd.s32 $0x3000, s5;
	s9 =	smul.u32 $0x14000, s2  }
0xa: {  	_ =	strace $0x8000004D;
	s25 =	sshll.u32 s2, $0x1;
	s11 =	smul.u32 $0x50000, s2  }
0xb: {  	s26 =	ssub.s32 $0x2, s6;
	s7 =	sadd.s32 s9, s7;
	s9 =	sor.u32 s6, s25  }
0xc: {  	s29 =	sshrl.u32 s26, $0x1;
	s11 =	sshrl.u32 s11, $0x2;
	s28 =	smul.u32 $0x2800, s9  }
0xd: {  	s13 =	ssub.s32 s26, s29;
	s7 =	sshrl.u32 s7, $0x3;
	s9 =	smul.u32 $0x500, s9  }
0xe: {  	s25 =	simm.s32 $0x0;
	s12 =	sadd.s32 s7, s5;
	s5 =	sadd.s32 s11, s1  }
0xf: {  	s11 =	smax.u32 s13, $0x1;
	s30 =	sshrl.u32 s28, $0x3;
	s6 =	sadd.s32 s8, s9  }
0x10: {  	s7 =	sadd.s32 s10, s9;
	s13 =	sadd.s32 $0x8000, s5;
	s31 =	sadd.s32 $0x280, s30  }
0x11: {  	s14 =	sadd.s32 $0xC000, s5;
	s15 =	sadd.s32 $0x10000, s5;
	s8 =	sadd.s32 s8, s31  }
0x12: {  	v0 =	vimm.f32 $0.0e+00;
	s9 =	sadd.s32 s10, s31;
	s10 =	sadd.s32 $0x34200, s12;
	s12 =	sadd.s32 $0x4000, s5  }
.LBB2_1:
0x13: {  	s26 =	sand.u32 $0xFE00, s3  }
0x14: {  	s28 =	sand.u32 $0x70, s3;
	s29 =	sshrl.u32 s26, $0x2  }
0x15: {  	s26 =	simm.s32 $0x40;
	s29 =	sor.u32 s28, s29;
	s28 =	simm.s32 $0x0  }
.LBB2_2:
0x16: {  	p0 =	sne.s32 s26, $0xFFC0  }
0x17: {  	[tilespmem:s29+$0x2800] =	vst v0;
	s28 =	sadd.s32 $0x10, s28;
	s29 =	smov.u32 s26;
	s26 =	sadd.s32 $0x40, s26  }
.Ltmp0:
0x18: {  	(pc) =	sbr.rel @p0 .LBB2_2-.Ltmp0, $4  }
0x19: {  	_ = 	snop  }
0x1a: {  	s29 =	sand.u32 $0xFE00, s29  }
0x1b: {  	s30 =	sand.u32 $0x70, s28;
	s29 =	sshrl.u32 s29, $0x2  }
0x1c: {  	s29 =	sor.u32 s30, s29  }
0x1d: {  	[tilespmem:s29+$0x2800] =	vst v0  }
0x1e: {  	[spmem:s5] =	stream.linear.scatter [tilespmem:s16], [sflag:$0x3], $0x4000, $0x38;
	[tilespmem:$0x1E800] =	vst v63  }
0x1f: {  	_ =	swait.ge [sflag:s17], $0x4000  }
0x20: {  	[sflag:s17] =	ssyncset.done $0x0  }
0x21: {  	[sflag:s17] =	ssyncadd.s32 $0xFFFFC000  }
0x22: {  	[spmem:s12] =	stream.linear.scatter [tilespmem:s16], [sflag:$0x3], $0x4000, $0x38;
	[tilespmem:$0x1E800] =	vst v63  }
0x23: {  	_ =	swait.ge [sflag:s17], $0x4000  }
0x24: {  	[sflag:s17] =	ssyncset.done $0x0  }
0x25: {  	[sflag:s17] =	ssyncadd.s32 $0xFFFFC000  }
0x26: {  	[spmem:s13] =	stream.linear.scatter [tilespmem:s16], [sflag:$0x3], $0x4000, $0x38;
	[tilespmem:$0x1E800] =	vst v63  }
0x27: {  	_ =	swait.ge [sflag:s17], $0x4000  }
0x28: {  	[sflag:s17] =	ssyncset.done $0x0  }
0x29: {  	[sflag:s17] =	ssyncadd.s32 $0xFFFFC000  }
0x2a: {  	[spmem:s14] =	stream.linear.scatter [tilespmem:s16], [sflag:$0x3], $0x4000, $0x38;
	[tilespmem:$0x1E800] =	vst v63  }
0x2b: {  	_ =	swait.ge [sflag:s17], $0x4000  }
0x2c: {  	[sflag:s17] =	ssyncset.done $0x0  }
0x2d: {  	[sflag:s17] =	ssyncadd.s32 $0xFFFFC000  }
0x2e: {  	[spmem:s15] =	stream.linear.scatter [tilespmem:s16], [sflag:$0x3], $0x4000, $0x38;
	[tilespmem:$0x1E800] =	vst v63  }
0x2f: {  	_ =	swait.ge [sflag:s17], $0x4000  }
0x30: {  	[sflag:s17] =	ssyncset.done $0x0  }
0x31: {  	[sflag:s17] =	ssyncadd.s32 $0xFFFFC000  }
0x32: {  	s26 =	simm.s32 $0x0;
	[bflag:$0x0] =	sbarrier.arrive $0xFFFF  }
0x33: {  	[tilespmem:s26], [sflag:$0x3] =	stream.linear.gather [hbm4b:s6+s26], $0x1400, $0x38;
	[tilespmem:$0x1E800] =	vst v63  }
0x34: {  	_ =	swait.ge [sflag:s17], $0x1400  }
0x35: {  	[sflag:s17] =	ssyncset.done $0x0  }
0x36: {  	[sflag:s17] =	ssyncadd.s32 $0xFFFFEC00  }
0x37: {  	[tilespmem:s18], [sflag:$0x3] =	stream.linear.gather [hbm4b:s7+s26], $0x1400, $0x38;
	[tilespmem:$0x1E800] =	vst v63  }
0x38: {  	_ =	swait.ge [sflag:s17], $0x1400  }
0x39: {  	[sflag:s17] =	ssyncset.done $0x0  }
0x3a: {  	[sflag:s17] =	ssyncadd.s32 $0xFFFFEC00  }
0x3b: {  	[tilespmem:s16], [sflag:$0x1] =	stream.indirect.gather [hbm4b:s4+s19], $0x80, s26, s19, $0xb8;
	[tilespmem:$0x1E800] =	vst v63  }
0x3c: {  	_ = 	snop  }
0x3d: {  	[tilespmem:s20], [sflag:$0x2] =	stream.indirect.gather [hbm4b:s4+s19], $0x80, s19, s19, $0xb8;
	[tilespmem:$0x1E800] =	vst v63  }
0x3e: {  	_ =	swait.ge [sflag:s21], $0x4000  }
0x3f: {  	[sflag:s21] =	ssyncset.done $0x0  }
0x40: {  	s29 =	simm.s32 $0x1400;
	[sflag:s21] =	ssyncadd.s32 $0xFFFFC000  }
0x41: {  	[spmem:s1] =	stream.indirect.scatter.add.f32 [tilespmem:s16], [sflag:$0x3], $0x80, s29, s19, $0xb8;
	[tilespmem:$0x1E800] =	vst v63  }
0x42: {  	_ =	swait.ge [sflag:s17], $0x4000  }
0x43: {  	[sflag:s17] =	ssyncset.done $0x0  }
0x44: {  	s30 =	simm.s32 $0x100;
	[sflag:s17] =	ssyncadd.s32 $0xFFFFC000  }
0x45: {  	[tilespmem:s16], [sflag:$0x1] =	stream.indirect.gather [hbm4b:s4+s19], $0x80, s30, s19, $0xb8;
	[tilespmem:$0x1E800] =	vst v63  }
0x46: {  	_ =	swait.ge [sflag:s22], $0x4000  }
0x47: {  	[sflag:s22] =	ssyncset.done $0x0  }
0x48: {  	s31 =	simm.s32 $0x1480;
	[sflag:s22] =	ssyncadd.s32 $0xFFFFC000  }
0x49: {  	[spmem:s1] =	stream.indirect.scatter.add.f32 [tilespmem:s20], [sflag:$0x3], $0x80, s31, s19, $0xb8;
	[tilespmem:$0x1E800] =	vst v63  }
0x4a: {  	_ =	swait.ge [sflag:s17], $0x4000  }
0x4b: {  	[sflag:s17] =	ssyncset.done $0x0  }
0x4c: {  	s28 =	simm.s32 $0x180;
	s26 =	simm.s32 $0x400;
	[sflag:s17] =	ssyncadd.s32 $0xFFFFC000  }
.LBB2_4:
0x4d: {  	[tilespmem:s20], [sflag:$0x2] =	stream.indirect.gather [hbm4b:s4+s19], $0x80, s28, s19, $0xb8;
	[tilespmem:$0x1E800] =	vst v63  }
0x4e: {  	s28 =	smov.u32 s26  }
0x4f: {  	p0 =	sne.s32 s26, $0x4800;
	s26 =	sadd.s32 $0x400, s26;
	_ =	swait.ge [sflag:s21], $0x4000  }
0x50: {  	s28 =	sshra.s32 s28, $0x2;
	[sflag:s21] =	ssyncset.done $0x0  }
0x51: {  	s29 =	sadd.s32 $0x1400, s28;
	[sflag:s21] =	ssyncadd.s32 $0xFFFFC000  }
0x52: {  	[spmem:s1] =	stream.indirect.scatter.add.f32 [tilespmem:s16], [sflag:$0x3], $0x80, s29, s19, $0xb8;
	[tilespmem:$0x1E800] =	vst v63  }
0x53: {  	_ =	swait.ge [sflag:s17], $0x4000  }
0x54: {  	[sflag:s17] =	ssyncset.done $0x0  }
0x55: {  	s29 =	sadd.s32 $0x100, s28;
	[sflag:s17] =	ssyncadd.s32 $0xFFFFC000  }
0x56: {  	[tilespmem:s16], [sflag:$0x1] =	stream.indirect.gather [hbm4b:s4+s19], $0x80, s29, s19, $0xb8;
	[tilespmem:$0x1E800] =	vst v63  }
0x57: {  	_ =	swait.ge [sflag:s22], $0x4000  }
0x58: {  	[sflag:s22] =	ssyncset.done $0x0  }
.Ltmp1:
0x59: {  	s29 =	sadd.s32 $0x1480, s28;
	[sflag:s22] =	ssyncadd.s32 $0xFFFFC000;
	(pc) =	sbr.rel @p0 .LBB2_4-.Ltmp1, $4  }
0x5a: {  	[spmem:s1] =	stream.indirect.scatter.add.f32 [tilespmem:s20], [sflag:$0x3], $0x80, s29, s19, $0xb8;
	[tilespmem:$0x1E800] =	vst v63  }
0x5b: {  	_ =	swait.ge [sflag:s17], $0x4000  }
0x5c: {  	[sflag:s17] =	ssyncset.done $0x0  }
0x5d: {  	s28 =	sadd.s32 $0x180, s28;
	[sflag:s17] =	ssyncadd.s32 $0xFFFFC000  }
0x5e: {  	[tilespmem:s20], [sflag:$0x2] =	stream.indirect.gather [hbm4b:s4+s19], $0x80, s28, s19, $0xb8;
	[tilespmem:$0x1E800] =	vst v63  }
0x5f: {  	_ =	swait.ge [sflag:s21], $0x4000  }
0x60: {  	[sflag:s21] =	ssyncset.done $0x0  }
0x61: {  	[sflag:s21] =	ssyncadd.s32 $0xFFFFC000  }
0x62: {  	[spmem:s1] =	stream.indirect.scatter.add.f32 [tilespmem:s16], [sflag:$0x3], $0x80, s23, s19, $0xb8;
	[tilespmem:$0x1E800] =	vst v63  }
0x63: {  	_ =	swait.ge [sflag:s17], $0x4000  }
0x64: {  	[sflag:s17] =	ssyncset.done $0x0  }
0x65: {  	[sflag:s17] =	ssyncadd.s32 $0xFFFFC000  }
0x66: {  	_ =	swait.ge [sflag:s22], $0x4000  }
0x67: {  	[sflag:s22] =	ssyncset.done $0x0  }
0x68: {  	[sflag:s22] =	ssyncadd.s32 $0xFFFFC000  }
0x69: {  	[spmem:s1] =	stream.indirect.scatter.add.f32 [tilespmem:s20], [sflag:$0x3], $0x80, s24, s19, $0xb8;
	[tilespmem:$0x1E800] =	vst v63  }
0x6a: {  	_ =	swait.ge [sflag:s17], $0x4000  }
0x6b: {  	[sflag:s17] =	ssyncset.done $0x0  }
0x6c: {  	s26 =	simm.s32 $0x0;
	[sflag:s17] =	ssyncadd.s32 $0xFFFFC000  }
0x6d: {  	[tilespmem:s26], [sflag:$0x3] =	stream.linear.gather [hbm4b:s8+s26], $0x1400, $0x38;
	[tilespmem:$0x1E800] =	vst v63  }
0x6e: {  	_ =	swait.ge [sflag:s17], $0x1400  }
0x6f: {  	[sflag:s17] =	ssyncset.done $0x0  }
0x70: {  	[sflag:s17] =	ssyncadd.s32 $0xFFFFEC00  }
0x71: {  	[tilespmem:s18], [sflag:$0x3] =	stream.linear.gather [hbm4b:s9+s26], $0x1400, $0x38;
	[tilespmem:$0x1E800] =	vst v63  }
0x72: {  	_ =	swait.ge [sflag:s17], $0x1400  }
0x73: {  	[sflag:s17] =	ssyncset.done $0x0  }
0x74: {  	[sflag:s17] =	ssyncadd.s32 $0xFFFFEC00  }
0x75: {  	[tilespmem:s16], [sflag:$0x1] =	stream.indirect.gather [hbm4b:s4+s19], $0x80, s26, s19, $0xb8;
	[tilespmem:$0x1E800] =	vst v63  }
0x76: {  	_ = 	snop  }
0x77: {  	[tilespmem:s20], [sflag:$0x2] =	stream.indirect.gather [hbm4b:s4+s19], $0x80, s19, s19, $0xb8;
	[tilespmem:$0x1E800] =	vst v63  }
0x78: {  	_ =	swait.ge [sflag:s21], $0x4000  }
0x79: {  	[sflag:s21] =	ssyncset.done $0x0  }
0x7a: {  	s29 =	simm.s32 $0x1400;
	[sflag:s21] =	ssyncadd.s32 $0xFFFFC000  }
0x7b: {  	[spmem:s1] =	stream.indirect.scatter.add.f32 [tilespmem:s16], [sflag:$0x3], $0x80, s29, s19, $0xb8;
	[tilespmem:$0x1E800] =	vst v63  }
0x7c: {  	_ =	swait.ge [sflag:s17], $0x4000  }
0x7d: {  	[sflag:s17] =	ssyncset.done $0x0  }
0x7e: {  	s30 =	simm.s32 $0x100;
	[sflag:s17] =	ssyncadd.s32 $0xFFFFC000  }
0x7f: {  	[tilespmem:s16], [sflag:$0x1] =	stream.indirect.gather [hbm4b:s4+s19], $0x80, s30, s19, $0xb8;
	[tilespmem:$0x1E800] =	vst v63  }
0x80: {  	_ =	swait.ge [sflag:s22], $0x4000  }
0x81: {  	[sflag:s22] =	ssyncset.done $0x0  }
0x82: {  	s31 =	simm.s32 $0x1480;
	[sflag:s22] =	ssyncadd.s32 $0xFFFFC000  }
0x83: {  	[spmem:s1] =	stream.indirect.scatter.add.f32 [tilespmem:s20], [sflag:$0x3], $0x80, s31, s19, $0xb8;
	[tilespmem:$0x1E800] =	vst v63  }
0x84: {  	_ =	swait.ge [sflag:s17], $0x4000  }
0x85: {  	[sflag:s17] =	ssyncset.done $0x0  }
0x86: {  	s28 =	simm.s32 $0x180;
	s26 =	simm.s32 $0x400;
	[sflag:s17] =	ssyncadd.s32 $0xFFFFC000  }
.LBB2_6:
0x87: {  	[tilespmem:s20], [sflag:$0x2] =	stream.indirect.gather [hbm4b:s4+s19], $0x80, s28, s19, $0xb8;
	[tilespmem:$0x1E800] =	vst v63  }
0x88: {  	s28 =	smov.u32 s26  }
0x89: {  	p0 =	sne.s32 s26, $0x4800;
	s26 =	sadd.s32 $0x400, s26;
	_ =	swait.ge [sflag:s21], $0x4000  }
0x8a: {  	s28 =	sshra.s32 s28, $0x2;
	[sflag:s21] =	ssyncset.done $0x0  }
0x8b: {  	s29 =	sadd.s32 $0x1400, s28;
	[sflag:s21] =	ssyncadd.s32 $0xFFFFC000  }
0x8c: {  	[spmem:s1] =	stream.indirect.scatter.add.f32 [tilespmem:s16], [sflag:$0x3], $0x80, s29, s19, $0xb8;
	[tilespmem:$0x1E800] =	vst v63  }
0x8d: {  	_ =	swait.ge [sflag:s17], $0x4000  }
0x8e: {  	[sflag:s17] =	ssyncset.done $0x0  }
0x8f: {  	s29 =	sadd.s32 $0x100, s28;
	[sflag:s17] =	ssyncadd.s32 $0xFFFFC000  }
0x90: {  	[tilespmem:s16], [sflag:$0x1] =	stream.indirect.gather [hbm4b:s4+s19], $0x80, s29, s19, $0xb8;
	[tilespmem:$0x1E800] =	vst v63  }
0x91: {  	_ =	swait.ge [sflag:s22], $0x4000  }
0x92: {  	[sflag:s22] =	ssyncset.done $0x0  }
.Ltmp2:
0x93: {  	s29 =	sadd.s32 $0x1480, s28;
	[sflag:s22] =	ssyncadd.s32 $0xFFFFC000;
	(pc) =	sbr.rel @p0 .LBB2_6-.Ltmp2, $4  }
0x94: {  	[spmem:s1] =	stream.indirect.scatter.add.f32 [tilespmem:s20], [sflag:$0x3], $0x80, s29, s19, $0xb8;
	[tilespmem:$0x1E800] =	vst v63  }
0x95: {  	_ =	swait.ge [sflag:s17], $0x4000  }
0x96: {  	[sflag:s17] =	ssyncset.done $0x0  }
0x97: {  	s28 =	sadd.s32 $0x180, s28;
	[sflag:s17] =	ssyncadd.s32 $0xFFFFC000  }
0x98: {  	[tilespmem:s20], [sflag:$0x2] =	stream.indirect.gather [hbm4b:s4+s19], $0x80, s28, s19, $0xb8;
	[tilespmem:$0x1E800] =	vst v63  }
0x99: {  	_ =	swait.ge [sflag:s21], $0x4000  }
0x9a: {  	[sflag:s21] =	ssyncset.done $0x0  }
0x9b: {  	[sflag:s21] =	ssyncadd.s32 $0xFFFFC000  }
0x9c: {  	[spmem:s1] =	stream.indirect.scatter.add.f32 [tilespmem:s16], [sflag:$0x3], $0x80, s23, s19, $0xb8;
	[tilespmem:$0x1E800] =	vst v63  }
0x9d: {  	_ =	swait.ge [sflag:s17], $0x4000  }
0x9e: {  	[sflag:s17] =	ssyncset.done $0x0  }
0x9f: {  	[sflag:s17] =	ssyncadd.s32 $0xFFFFC000  }
0xa0: {  	_ =	swait.ge [sflag:s22], $0x4000  }
0xa1: {  	[sflag:s22] =	ssyncset.done $0x0  }
0xa2: {  	[sflag:s22] =	ssyncadd.s32 $0xFFFFC000  }
0xa3: {  	[spmem:s1] =	stream.indirect.scatter.add.f32 [tilespmem:s20], [sflag:$0x3], $0x80, s24, s19, $0xb8;
	[tilespmem:$0x1E800] =	vst v63  }
0xa4: {  	_ =	swait.ge [sflag:s17], $0x4000  }
0xa5: {  	s26 =	sshll.u32 s2, $0x6;
	s25 =	sadd.s32 $0x1, s25;
	[sflag:s17] =	ssyncset.done $0x0  }
0xa6: {  	s31 =	sshrl.u32 s5, $0x3;
	p0 =	sne.s32 s25, s11;
	[sflag:s17] =	ssyncadd.s32 $0xFFFFC000  }
.Ltmp3:
0xa7: {  	s26 =	sor.u32 $0x1C03, s26;
	[bflag:$0x0] =	sbarrier.arrive $0xFFFF;
	(pc) =	sbr.rel @p0 .LBB2_1-.Ltmp3, $4  }
0xa8: {  	[hbm:s10], [sflag:s26] =	dma.local [spmem:s31], $0x2800  }
0xa9: {  	_ =	swait.ge [sflag:s17], $0x2800  }
0xaa: {  	[sflag:s17] =	ssyncset.done $0x0  }
0xab: {  	[sflag:s17] =	ssyncadd.s32 $0xFFFFD800  }
0xac: {  	_ =	sfence.sel $0x180000  }
0xad: {  	[bflag:$0x0] =	sbarrier.arrive $0xFFFF  }
0xae: {  	p0 =	sne.s32 s2, $0x0;
	_ =	strace $0x9000004D  }
0xaf: {  	s0 =	sadd.s32 @!p0 $0x100000, s0;
	[bflag:$0x2] =	sbarrier.arrive $0xFFFF  }
0xb0: {  	[sflag:s0] =	ssyncadd.tile.s32 @!p0 $0x1;
	_ =	shalt  }
.Lfunc_end2:
_tile_overlayer_lowered:
.L_overlay_start_2:
0xb1: {  	(tag) =	ssettag $0x2  }
0xb2: {  	s0 =	rddreg [dreg:$0x0];
	s2 =	stileid.u32  }
0xb3: {  	s1 =	rddreg [dreg:$0x1];
	p0 =	sne.s32 s2, $0x0  }
0xb4: {  	s3 =	rddreg [dreg:$0x2];
	[bflag:$0x3] =	sbarrier.arrive $0xFFFF;
	s2 =	simm.s32 @!p0 $0x1C03  }
0xb5: {  	[timem:s3], [sflag:s2] =	dma.local @!p0 [hbm:s0], s1  }
0xb6: {  	s0 =	simm.s32 @!p0 $0x3  }
0xb7: {  	_ =	swait.ge @!p0 [sflag:s0], s1  }
0xb8: {  	s1 =	ssub.s32 @!p0 $0x0, s1;
	[sflag:s0] =	ssyncset.done @!p0 $0x0  }
0xb9: {  	[sflag:s0] =	ssyncadd.s32 @!p0 s1  }
0xba: {  	[bflag:$0x3] =	sbarrier.arrive $0xFFFF  }
0xbb: {  	_ =	shalt  }

// kernel: kernel.8.cloned.1.call-start
scs
__scs_entry_jumppad:
0x0: {  	(pc) =	sbr.rel $0x88, $3  }
0x1: {  	(tag) =	ssettag $0x0;
	lr =	simm.s32 $0x1  }
0x2: {  	[smem:$0x3F93] =	sst lr;
	_ =	strace $0xD0000000  }
0x3: {  	_ = 	snop  }
0x4: {  	_ = 	snop  }
0x5: {  	_ = 	snop  }
0x6: {  	_ = 	snop  }
0x7: {  	_ = 	snop  }
__scs_overlays_trampoline_lowered:
0x8: {  	[smem:$0x3FA2] =	sst s0  }
0x9: {  	[smem:$0x3FA3] =	sst s1  }
0xa: {  	[smem:$0x3FA4] =	sst s2  }
0xb: {  	[smem:$0x3FA5] =	sst s3  }
0xc: {  	[smem:$0x3FA6] =	sst s4  }
0xd: {  	[smem:$0x3FA7] =	sst s5  }
0xe: {  	[smem:$0x3FA8] =	sst s6  }
0xf: {  	[smem:$0x3FA9] =	sst s7  }
0x10: {  	[smem:$0x3FAA] =	sst s8  }
0x11: {  	[smem:$0x3FAB] =	sst s9;
	s0 =	simm.s32 @!p0 $0x0  }
0x12: {  	s1 =	sld [smem:$0x3F91];
	s0 =	simm.s32 @p0 $0x1  }
0x13: {  	[smem:$0x3FAC] =	sst s0;
	s0 =	simm.s32 @!p1 $0x0  }
0x14: {  	s2 =	sld [smem:$0x3F90];
	s0 =	simm.s32 @p1 $0x1  }
0x15: {  	[smem:$0x3FAD] =	sst s0;
	s0 =	simm.s32 @!p2 $0x0  }
0x16: {  	s3 =	sld [smem:$0x3FDB];
	s0 =	simm.s32 @p2 $0x1  }
0x17: {  	s4 =	simm.s32 $0x1BF5;
	[smem:$0x3FAF] =	sst s0  }
0x18: {  	s0 =	sld [smem:$0x3F92];
	_ =	swait.ge [sflag:s4], $0x0  }
0x19: {  	s7 =	sld [smem:$0x3F93]  }
0x1a: {  	s8 =	sadd.s32 $0xFFFFE003, lr  }
0x1b: {  	s9 =	sadd.s32 $0xFFFFFEF7, lr;
	s5 =	simm.s32 $0xFFFFFFFF;
	p2 =	slt.u32 s8, $0xFFFFF086  }
0x1c: {  	p1 =	slt.u32 s9, $0xF7A;
	s5 =	simm.s32 @!p2 $0x0  }
0x1d: {  	s5 =	simm.s32 @p1 $0x1;
	p0 =	seq.s32 s7, s2  }
0x1e: {  	s7 =	smul.u32 @!p0 $0xF7A, s2;
	p2 =	seq.s32 @!p0 s5, $0x0  }
0x1f: {  	s9 =	smul.u32 $0xF7A, s1;
	s8 =	simm.s32 @!p0 $0x1BF5;
	p2 =	por !p2, p0  }
0x20: {  	[sflag:s8] =	ssyncset.s32 @!p0 $0xFFFFF086;
	s6 =	sadd.s32 @!p0 s3, s7;
	s7 =	simm.s32 @!p0 $0x108  }
0x21: {  	s3 =	sadd.s32 s3, s9;
	s6 =	sadd.s32 @!p0 $0x88, s6;
	s7 =	simm.s32 @p2 $0x1082  }
0x22: {  	[simem:s7], [sflag:s8] =	dma.local @!p0 [hbm:s6], $0xF7A  }
0x23: {  	s9 =	sor.u32 $0xD0000000, s2;
	s6 =	simm.s32 $0x108;
	_ =	swait.ge @!p0 [sflag:s8], $0x0  }
0x24: {  	s3 =	sadd.s32 $0x88, s3;
	s6 =	simm.s32 @!p1 $0x1082;
	[sflag:s4] =	ssyncset.s32 $0xFFFFF086  }
0x25: {  	[simem:s6], [sflag:s4] =	dma.local [hbm:s3], $0xF7A  }
0x26: {  	[smem:$0x3F93] =	sst s1;
	(tag) =	ssettag s2;
	_ =	strace s9  }
0x27: {  	s1 =	sld [smem:$0x3FA3]  }
0x28: {  	s2 =	sld [smem:$0x3FA4]  }
0x29: {  	s4 =	sld [smem:$0x3FA6]  }
0x2a: {  	p0 =	seq.s32 s5, $0x0;
	s5 =	sld [smem:$0x3FA7]  }
0x2b: {  	s6 =	sld [smem:$0x3FA8]  }
0x2c: {  	s7 =	sld [smem:$0x3FA9]  }
0x2d: {  	s3 =	simm.s32 $0x108;
	s8 =	sld [smem:$0x3FAA]  }
0x2e: {  	s3 =	simm.s32 @!p0 $0x1082;
	s9 =	sld [smem:$0x3FAB]  }
0x2f: {  	lr =	sadd.s32 s0, s3;
	s0 =	sld [smem:$0x3FA2]  }
0x30: {  	s3 =	sld [smem:$0x3FA5]  }
0x31: {  	[smem:$0x3FAE] =	sst s10  }
0x32: {  	s10 =	sld [smem:$0x3FAC];
	_ =	sdelay $0x3  }
0x33: {  	p0 =	seq.s32 s10, $0x1;
	s10 =	sld [smem:$0x3FAE];
	_ =	sdelay $0x3  }
0x34: {  	[smem:$0x3FAE] =	sst s10  }
0x35: {  	s10 =	sld [smem:$0x3FAD];
	_ =	sdelay $0x3  }
0x36: {  	p1 =	seq.s32 s10, $0x1;
	s10 =	sld [smem:$0x3FAE];
	_ =	sdelay $0x3  }
0x37: {  	[smem:$0x3FAE] =	sst s10  }
0x38: {  	s10 =	sld [smem:$0x3FAF]  }
0x39: {  	_ = 	snop;
	(pc) =	sbr.ind lr, $3  }
0x3a: {  	_ = 	snop  }
0x3b: {  	_ = 	snop  }
0x3c: {  	p2 =	seq.s32 s10, $0x1;
	s10 =	sld [smem:$0x3FAE]  }
0x3d: {  	_ =	shalt  }
0x3e: {  	_ =	shalt  }
0x3f: {  	_ =	shalt  }
0x40: {  	_ =	shalt  }
0x41: {  	_ =	shalt  }
0x42: {  	_ =	shalt  }
0x43: {  	_ =	shalt  }
0x44: {  	_ =	shalt  }
0x45: {  	_ =	shalt  }
0x46: {  	_ =	shalt  }
0x47: {  	_ =	shalt  }
0x48: {  	_ =	shalt  }
0x49: {  	_ =	shalt  }
0x4a: {  	_ =	shalt  }
0x4b: {  	_ =	shalt  }
0x4c: {  	_ =	shalt  }
0x4d: {  	_ =	shalt  }
0x4e: {  	_ =	shalt  }
0x4f: {  	_ =	shalt  }
0x50: {  	_ =	shalt  }
0x51: {  	_ =	shalt  }
0x52: {  	_ =	shalt  }
0x53: {  	_ =	shalt  }
0x54: {  	_ =	shalt  }
0x55: {  	_ =	shalt  }
0x56: {  	_ =	shalt  }
0x57: {  	_ =	shalt  }
0x58: {  	_ =	shalt  }
0x59: {  	_ =	shalt  }
0x5a: {  	_ =	shalt  }
0x5b: {  	_ =	shalt  }
0x5c: {  	_ =	shalt  }
0x5d: {  	_ =	shalt  }
0x5e: {  	_ =	shalt  }
0x5f: {  	_ =	shalt  }
0x60: {  	_ =	shalt  }
0x61: {  	_ =	shalt  }
0x62: {  	_ =	shalt  }
0x63: {  	_ =	shalt  }
0x64: {  	_ =	shalt  }
0x65: {  	_ =	shalt  }
0x66: {  	_ =	shalt  }
0x67: {  	_ =	shalt  }
0x68: {  	_ =	shalt  }
0x69: {  	_ =	shalt  }
0x6a: {  	_ =	shalt  }
0x6b: {  	_ =	shalt  }
0x6c: {  	_ =	shalt  }
0x6d: {  	_ =	shalt  }
0x6e: {  	_ =	shalt  }
0x6f: {  	_ =	shalt  }
0x70: {  	_ =	shalt  }
0x71: {  	_ =	shalt  }
0x72: {  	_ =	shalt  }
0x73: {  	_ =	shalt  }
0x74: {  	_ =	shalt  }
0x75: {  	_ =	shalt  }
0x76: {  	_ =	shalt  }
0x77: {  	_ =	shalt  }
0x78: {  	_ =	shalt  }
0x79: {  	_ =	shalt  }
0x7a: {  	_ =	shalt  }
0x7b: {  	_ =	shalt  }
0x7c: {  	_ =	shalt  }
0x7d: {  	_ =	shalt  }
0x7e: {  	_ =	shalt  }
0x7f: {  	_ =	shalt  }
0x80: {  	_ =	shalt  }
0x81: {  	_ =	shalt  }
0x82: {  	_ =	shalt  }
0x83: {  	_ =	shalt  }
0x84: {  	_ =	shalt  }
0x85: {  	_ =	shalt  }
0x86: {  	_ =	shalt  }
0x87: {  	_ =	shalt  }
.Lfunc_end0:
.L_simem_size_0:
called_computation_lowered:
.L_overlay_start_0:
0x88: {  	s2 =	sld [smem:$0x3FD9]  }
0x89: {  	s3 =	sld [smem:$0x3FFE];
	_ =	sdelay $0x1  }
0x8a: {  	s1 =	srdreg.scid  }
0x8b: {  	s0 =	sand.u32 $0x1, s1  }
0x8c: {  	s17 =	sshll.u32 s0, $0xA;
	s2 =	sadd.s32 s3, s2  }
0x8d: {  	s2 =	sadd.s32 s2, s17  }
0x8e: {  	[smem:$0x3FBA] =	sst s2  }
0x8f: {  	_ = 	snop  }
0x90: {  	s2 =	sld [smem:$0x3FC9]  }
0x91: {  	s18 =	sld [smem:$0x3FD0];
	(tm) =	ssettm $0x1  }
0x92: {  	s4 =	sld [smem:$0x3FFB];
	_ =	sdelay $0x3  }
0x93: {  	_ =	strace s4  }
0x94: {  	s4 =	sld [smem:$0x3FFC];
	_ =	sdelay $0x3  }
0x95: {  	_ =	strace s4  }
0x96: {  	s4 =	sld [smem:$0x3FFD];
	_ =	sdelay $0x3  }
0x97: {  	_ =	strace s4  }
0x98: {  	_ =	strace $0x8FFFFFFF  }
0x99: {  	s19 =	sld [smem:$0x3FDB];
	_ =	sdelay $0x1  }
0x9a: {  	s5 =	simm.s32 $_scs_section_size  }
0x9b: {  	s6 =	simm.s32 $_size__tile_overlayer_lowered;
	s7 =	simm.s32 $_tile_overlayer_lowered  }
0x9c: {  	s22 =	simm.s32 $0x1BFF;
	s21 =	sshll.u32 s7, $0x1;
	s4 =	sadd.s32 s5, s19  }
0x9d: {  	s8 =	simm.s32 $0x0;
	s20 =	sshll.u32 s6, $0x1;
	s6 =	sadd.s32 s21, s4  }
0x9e: {  	[timem:s8], [sflag:s22] =	dma.local [hbm:s6], s20  }
0x9f: {  	_ =	swait.ge [sflag:s22], s20  }
0xa0: {  	s5 =	ssub.s32 $0x0, s20;
	[sflag:s22] =	ssyncset.done $0x0  }
0xa1: {  	[sflag:s22] =	ssyncadd.s32 s5;
	_ =	sdelay $0x1  }
0xa2: {  	s23 =	simm.s32 $0x1B8B  }
0xa3: {  	_ =	swait.ge [sflag:s23], $0x1  }
0xa4: {  	[sflag:s23] =	ssyncset.done $0x0  }
0xa5: {  	s25 =	simm.s32 $0x1B8E;
	s24 =	sld [smem:$0x3FFE];
	[sflag:s23] =	ssyncadd.s32 $0xFFFFFFFF  }
0xa6: {  	s26 =	simm.s32 $execute0_lowered;
	[smem:$0x3FD2] =	sst s25  }
0xa7: {  	s6 =	sshll.u32 s26, $0x1;
	_ =	strace $0x80000046;
	[dreg:$0x1] =	wrdreg $0xFFFFFFFF  }
0xa8: {  	s28 =	simm.s32 $_size_execute0_lowered;
	s4 =	sadd.s32 s4, s6;
	[dreg:$0x0] =	wrdreg $0x0  }
0xa9: {  	s6 =	sshll.u32 s28, $0x1;
	[dreg:$0x2] =	wrdreg s4  }
0xaa: {  	[dreg:$0x3] =	wrdreg s6  }
0xab: {  	[dreg:$0x4] =	wrdreg $0xC0  }
0xac: {  	_ =	task [dreg:s8], $0x5FFFF  }
0xad: {  	[dreg:$0x1] =	wrdreg $0xFFFFFFFF  }
0xae: {  	[dreg:$0x0] =	wrdreg $0x60  }
0xaf: {  	[dreg:$0x2] =	wrdreg s2  }
0xb0: {  	[dreg:$0x3] =	wrdreg s18  }
0xb1: {  	[dreg:$0x4] =	wrdreg s24  }
0xb2: {  	[dreg:$0x5] =	wrdreg $0xA8000  }
0xb3: {  	[dreg:$0x6] =	wrdreg $0x9  }
0xb4: {  	_ =	task.clear_ibuf [dreg:s8], $0x7FFFF;
	_ =	strace $0x90000046  }
0xb5: {  	s29 =	simm.s32 $0x9;
	_ =	strace $0x80000048  }
0xb6: {  	_ =	swait.ge [sflag:s29], $0x1  }
0xb7: {  	[sflag:s29] =	ssyncadd.s32 $0xFFFFFFFF  }
0xb8: {  	_ =	strace $0x90000048  }
0xb9: {  	_ =	sfence  }
0xba: {  	s30 =	sld [smem:$0x0];
	_ =	sdelay $0x2  }
0xbb: {  	s31 =	sshll.u32 s1, $0xD;
	s1 =	sshrl.u32 s1, $0x2  }
0xbc: {  	s3 =	sand.u32 $0x4000, s31;
	s1 =	sadd.s32 s1, s30  }
0xbd: {  	s0 =	sor.u32 s3, s0;
	s1 =	sshll.u32 s1, $0x11  }
0xbe: {  	s0 =	sor.u32 s1, s0  }
0xbf: {  	s0 =	sadd.s32 $0x8F2B, s0  }
0xc0: {  	[sflag:s0] =	ssyncadd.remote.s32 $0x1  }
0xc1: {  	_ =	sfence.sel $0xFFFF  }
0xc2: {  	[dreg:$0x0] =	wrdreg $0xFFFFFFFF;
	(pc) =	sbr.abs _section_cstart, $3  }
0xc3: {  	[dreg:$0x1] =	wrdreg $0xFFFFFFFF  }
0xc4: {  	_ =	task.clear_ibuf [dreg:s8], $0x2FFFF;
	_ =	strace $0x9FFFFFFF  }
0xc5: {  	(tm) =	ssettm $0x7FFFFFFF  }
tec
execute0_lowered:
.L_overlay_start_1:
0x0: {  	(tag) =	ssettag $0x1  }
0x1: {  	s1 =	rddreg [dreg:$0x0]  }
0x2: {  	s8 =	rddreg [dreg:$0x1]  }
0x3: {  	s5 =	rddreg [dreg:$0x2]  }
0x4: {  	s2 =	rddreg [dreg:$0x3]  }
0x5: {  	s3 =	srdreg.scid;
	s0 =	rddreg [dreg:$0x4];
	s4 =	simm.s32 $0x0  }
0x6: {  	s16 =	simm.s32 $0x2800;
	s17 =	simm.s32 $0x3;
	s18 =	simm.s32 $0x1400  }
0x7: {  	s19 =	simm.s32 $0x80;
	s20 =	simm.s32 $0x6800;
	s21 =	simm.s32 $0x1  }
0x8: {  	s22 =	simm.s32 $0x2;
	s23 =	simm.s32 $0x2700;
	s6 =	sand.u32 $0x1, s3  }
0x9: {  	s24 =	simm.s32 $0x2780;
	s3 =	stileid.u32;
	s7 =	smul.u32 $0x140000, s6  }
0xa: {  	[smem:$0x7FF] =	sst s4;
	s10 =	sadd.s32 $0x3000, s5;
	s9 =	smul.u32 $0x14000, s3  }
0xb: {  	_ =	strace $0x80000047;
	s25 =	sshll.u32 s3, $0x1;
	s11 =	smul.u32 $0x50000, s3  }
0xc: {  	s26 =	ssub.s32 $0x2, s6;
	s7 =	sadd.s32 s9, s7;
	s9 =	sor.u32 s6, s25  }
0xd: {  	s29 =	sshrl.u32 s26, $0x1;
	s11 =	sshrl.u32 s11, $0x2;
	s28 =	smul.u32 $0x2800, s9  }
0xe: {  	s13 =	ssub.s32 s26, s29;
	s7 =	sshrl.u32 s7, $0x3;
	s9 =	smul.u32 $0x500, s9  }
0xf: {  	s25 =	simm.s32 $0x0;
	s12 =	sadd.s32 s7, s5;
	s5 =	sadd.s32 s11, s2  }
0x10: {  	s11 =	smax.u32 s13, $0x1;
	s30 =	sshrl.u32 s28, $0x3;
	s6 =	sadd.s32 s8, s9  }
0x11: {  	s7 =	sadd.s32 s10, s9;
	s13 =	sadd.s32 $0x8000, s5;
	s31 =	sadd.s32 $0x280, s30  }
0x12: {  	s14 =	sadd.s32 $0xC000, s5;
	s15 =	sadd.s32 $0x10000, s5;
	s8 =	sadd.s32 s8, s31  }
0x13: {  	v0 =	vimm.f32 $0.0e+00;
	s9 =	sadd.s32 s10, s31;
	s10 =	sadd.s32 $0xD000, s12;
	s12 =	sadd.s32 $0x4000, s5  }
.LBB2_1:
0x14: {  	s26 =	sand.u32 $0xFE00, s4  }
0x15: {  	s28 =	sand.u32 $0x70, s4;
	s29 =	sshrl.u32 s26, $0x2  }
0x16: {  	s26 =	simm.s32 $0x40;
	s29 =	sor.u32 s28, s29;
	s28 =	simm.s32 $0x0  }
.LBB2_2:
0x17: {  	p0 =	sne.s32 s26, $0xFFC0  }
0x18: {  	[tilespmem:s29+$0x2800] =	vst v0;
	s28 =	sadd.s32 $0x10, s28;
	s29 =	smov.u32 s26;
	s26 =	sadd.s32 $0x40, s26  }
.Ltmp0:
0x19: {  	(pc) =	sbr.rel @p0 .LBB2_2-.Ltmp0, $4  }
0x1a: {  	_ = 	snop  }
0x1b: {  	s29 =	sand.u32 $0xFE00, s29  }
0x1c: {  	s30 =	sand.u32 $0x70, s28;
	s29 =	sshrl.u32 s29, $0x2  }
0x1d: {  	s29 =	sor.u32 s30, s29  }
0x1e: {  	[tilespmem:s29+$0x2800] =	vst v0  }
0x1f: {  	[spmem:s5] =	stream.linear.scatter [tilespmem:s16], [sflag:$0x3], $0x4000, $0x38;
	[tilespmem:$0x1E800] =	vst v63  }
0x20: {  	_ =	swait.ge [sflag:s17], $0x4000  }
0x21: {  	[sflag:s17] =	ssyncset.done $0x0  }
0x22: {  	[sflag:s17] =	ssyncadd.s32 $0xFFFFC000  }
0x23: {  	[spmem:s12] =	stream.linear.scatter [tilespmem:s16], [sflag:$0x3], $0x4000, $0x38;
	[tilespmem:$0x1E800] =	vst v63  }
0x24: {  	_ =	swait.ge [sflag:s17], $0x4000  }
0x25: {  	[sflag:s17] =	ssyncset.done $0x0  }
0x26: {  	[sflag:s17] =	ssyncadd.s32 $0xFFFFC000  }
0x27: {  	[spmem:s13] =	stream.linear.scatter [tilespmem:s16], [sflag:$0x3], $0x4000, $0x38;
	[tilespmem:$0x1E800] =	vst v63  }
0x28: {  	_ =	swait.ge [sflag:s17], $0x4000  }
0x29: {  	[sflag:s17] =	ssyncset.done $0x0  }
0x2a: {  	[sflag:s17] =	ssyncadd.s32 $0xFFFFC000  }
0x2b: {  	[spmem:s14] =	stream.linear.scatter [tilespmem:s16], [sflag:$0x3], $0x4000, $0x38;
	[tilespmem:$0x1E800] =	vst v63  }
0x2c: {  	_ =	swait.ge [sflag:s17], $0x4000  }
0x2d: {  	[sflag:s17] =	ssyncset.done $0x0  }
0x2e: {  	[sflag:s17] =	ssyncadd.s32 $0xFFFFC000  }
0x2f: {  	[spmem:s15] =	stream.linear.scatter [tilespmem:s16], [sflag:$0x3], $0x4000, $0x38;
	[tilespmem:$0x1E800] =	vst v63  }
0x30: {  	_ =	swait.ge [sflag:s17], $0x4000  }
0x31: {  	[sflag:s17] =	ssyncset.done $0x0  }
0x32: {  	[sflag:s17] =	ssyncadd.s32 $0xFFFFC000  }
0x33: {  	s26 =	simm.s32 $0x0;
	[bflag:$0x0] =	sbarrier.arrive $0xFFFF  }
0x34: {  	[tilespmem:s26], [sflag:$0x3] =	stream.linear.gather [hbm4b:s6+s26], $0x1400, $0x38;
	[tilespmem:$0x1E800] =	vst v63  }
0x35: {  	_ =	swait.ge [sflag:s17], $0x1400  }
0x36: {  	[sflag:s17] =	ssyncset.done $0x0  }
0x37: {  	[sflag:s17] =	ssyncadd.s32 $0xFFFFEC00  }
0x38: {  	[tilespmem:s18], [sflag:$0x3] =	stream.linear.gather [hbm4b:s7+s26], $0x1400, $0x38;
	[tilespmem:$0x1E800] =	vst v63  }
0x39: {  	_ =	swait.ge [sflag:s17], $0x1400  }
0x3a: {  	[sflag:s17] =	ssyncset.done $0x0  }
0x3b: {  	[sflag:s17] =	ssyncadd.s32 $0xFFFFEC00  }
0x3c: {  	[tilespmem:s16], [sflag:$0x1] =	stream.indirect.gather [hbm4b:s1+s19], $0x80, s26, s19, $0xb8;
	[tilespmem:$0x1E800] =	vst v63  }
0x3d: {  	_ = 	snop  }
0x3e: {  	[tilespmem:s20], [sflag:$0x2] =	stream.indirect.gather [hbm4b:s1+s19], $0x80, s19, s19, $0xb8;
	[tilespmem:$0x1E800] =	vst v63  }
0x3f: {  	_ =	swait.ge [sflag:s21], $0x4000  }
0x40: {  	[sflag:s21] =	ssyncset.done $0x0  }
0x41: {  	s29 =	simm.s32 $0x1400;
	[sflag:s21] =	ssyncadd.s32 $0xFFFFC000  }
0x42: {  	[spmem:s2] =	stream.indirect.scatter.add.f32 [tilespmem:s16], [sflag:$0x3], $0x80, s29, s19, $0xb8;
	[tilespmem:$0x1E800] =	vst v63  }
0x43: {  	_ =	swait.ge [sflag:s17], $0x4000  }
0x44: {  	[sflag:s17] =	ssyncset.done $0x0  }
0x45: {  	s30 =	simm.s32 $0x100;
	[sflag:s17] =	ssyncadd.s32 $0xFFFFC000  }
0x46: {  	[tilespmem:s16], [sflag:$0x1] =	stream.indirect.gather [hbm4b:s1+s19], $0x80, s30, s19, $0xb8;
	[tilespmem:$0x1E800] =	vst v63  }
0x47: {  	_ =	swait.ge [sflag:s22], $0x4000  }
0x48: {  	[sflag:s22] =	ssyncset.done $0x0  }
0x49: {  	s31 =	simm.s32 $0x1480;
	[sflag:s22] =	ssyncadd.s32 $0xFFFFC000  }
0x4a: {  	[spmem:s2] =	stream.indirect.scatter.add.f32 [tilespmem:s20], [sflag:$0x3], $0x80, s31, s19, $0xb8;
	[tilespmem:$0x1E800] =	vst v63  }
0x4b: {  	_ =	swait.ge [sflag:s17], $0x4000  }
0x4c: {  	[sflag:s17] =	ssyncset.done $0x0  }
0x4d: {  	s28 =	simm.s32 $0x180;
	s26 =	simm.s32 $0x400;
	[sflag:s17] =	ssyncadd.s32 $0xFFFFC000  }
.LBB2_4:
0x4e: {  	[tilespmem:s20], [sflag:$0x2] =	stream.indirect.gather [hbm4b:s1+s19], $0x80, s28, s19, $0xb8;
	[tilespmem:$0x1E800] =	vst v63  }
0x4f: {  	s28 =	smov.u32 s26  }
0x50: {  	p0 =	sne.s32 s26, $0x4800;
	s26 =	sadd.s32 $0x400, s26;
	_ =	swait.ge [sflag:s21], $0x4000  }
0x51: {  	s28 =	sshra.s32 s28, $0x2;
	[sflag:s21] =	ssyncset.done $0x0  }
0x52: {  	s29 =	sadd.s32 $0x1400, s28;
	[sflag:s21] =	ssyncadd.s32 $0xFFFFC000  }
0x53: {  	[spmem:s2] =	stream.indirect.scatter.add.f32 [tilespmem:s16], [sflag:$0x3], $0x80, s29, s19, $0xb8;
	[tilespmem:$0x1E800] =	vst v63  }
0x54: {  	_ =	swait.ge [sflag:s17], $0x4000  }
0x55: {  	[sflag:s17] =	ssyncset.done $0x0  }
0x56: {  	s29 =	sadd.s32 $0x100, s28;
	[sflag:s17] =	ssyncadd.s32 $0xFFFFC000  }
0x57: {  	[tilespmem:s16], [sflag:$0x1] =	stream.indirect.gather [hbm4b:s1+s19], $0x80, s29, s19, $0xb8;
	[tilespmem:$0x1E800] =	vst v63  }
0x58: {  	_ =	swait.ge [sflag:s22], $0x4000  }
0x59: {  	[sflag:s22] =	ssyncset.done $0x0  }
.Ltmp1:
0x5a: {  	s29 =	sadd.s32 $0x1480, s28;
	[sflag:s22] =	ssyncadd.s32 $0xFFFFC000;
	(pc) =	sbr.rel @p0 .LBB2_4-.Ltmp1, $4  }
0x5b: {  	[spmem:s2] =	stream.indirect.scatter.add.f32 [tilespmem:s20], [sflag:$0x3], $0x80, s29, s19, $0xb8;
	[tilespmem:$0x1E800] =	vst v63  }
0x5c: {  	_ =	swait.ge [sflag:s17], $0x4000  }
0x5d: {  	[sflag:s17] =	ssyncset.done $0x0  }
0x5e: {  	s28 =	sadd.s32 $0x180, s28;
	[sflag:s17] =	ssyncadd.s32 $0xFFFFC000  }
0x5f: {  	[tilespmem:s20], [sflag:$0x2] =	stream.indirect.gather [hbm4b:s1+s19], $0x80, s28, s19, $0xb8;
	[tilespmem:$0x1E800] =	vst v63  }
0x60: {  	_ =	swait.ge [sflag:s21], $0x4000  }
0x61: {  	[sflag:s21] =	ssyncset.done $0x0  }
0x62: {  	[sflag:s21] =	ssyncadd.s32 $0xFFFFC000  }
0x63: {  	[spmem:s2] =	stream.indirect.scatter.add.f32 [tilespmem:s16], [sflag:$0x3], $0x80, s23, s19, $0xb8;
	[tilespmem:$0x1E800] =	vst v63  }
0x64: {  	_ =	swait.ge [sflag:s17], $0x4000  }
0x65: {  	[sflag:s17] =	ssyncset.done $0x0  }
0x66: {  	[sflag:s17] =	ssyncadd.s32 $0xFFFFC000  }
0x67: {  	_ =	swait.ge [sflag:s22], $0x4000  }
0x68: {  	[sflag:s22] =	ssyncset.done $0x0  }
0x69: {  	[sflag:s22] =	ssyncadd.s32 $0xFFFFC000  }
0x6a: {  	[spmem:s2] =	stream.indirect.scatter.add.f32 [tilespmem:s20], [sflag:$0x3], $0x80, s24, s19, $0xb8;
	[tilespmem:$0x1E800] =	vst v63  }
0x6b: {  	_ =	swait.ge [sflag:s17], $0x4000  }
0x6c: {  	[sflag:s17] =	ssyncset.done $0x0  }
0x6d: {  	s26 =	simm.s32 $0x0;
	[sflag:s17] =	ssyncadd.s32 $0xFFFFC000  }
0x6e: {  	[tilespmem:s26], [sflag:$0x3] =	stream.linear.gather [hbm4b:s8+s26], $0x1400, $0x38;
	[tilespmem:$0x1E800] =	vst v63  }
0x6f: {  	_ =	swait.ge [sflag:s17], $0x1400  }
0x70: {  	[sflag:s17] =	ssyncset.done $0x0  }
0x71: {  	[sflag:s17] =	ssyncadd.s32 $0xFFFFEC00  }
0x72: {  	[tilespmem:s18], [sflag:$0x3] =	stream.linear.gather [hbm4b:s9+s26], $0x1400, $0x38;
	[tilespmem:$0x1E800] =	vst v63  }
0x73: {  	_ =	swait.ge [sflag:s17], $0x1400  }
0x74: {  	[sflag:s17] =	ssyncset.done $0x0  }
0x75: {  	[sflag:s17] =	ssyncadd.s32 $0xFFFFEC00  }
0x76: {  	[tilespmem:s16], [sflag:$0x1] =	stream.indirect.gather [hbm4b:s1+s19], $0x80, s26, s19, $0xb8;
	[tilespmem:$0x1E800] =	vst v63  }
0x77: {  	_ = 	snop  }
0x78: {  	[tilespmem:s20], [sflag:$0x2] =	stream.indirect.gather [hbm4b:s1+s19], $0x80, s19, s19, $0xb8;
	[tilespmem:$0x1E800] =	vst v63  }
0x79: {  	_ =	swait.ge [sflag:s21], $0x4000  }
0x7a: {  	[sflag:s21] =	ssyncset.done $0x0  }
0x7b: {  	s29 =	simm.s32 $0x1400;
	[sflag:s21] =	ssyncadd.s32 $0xFFFFC000  }
0x7c: {  	[spmem:s2] =	stream.indirect.scatter.add.f32 [tilespmem:s16], [sflag:$0x3], $0x80, s29, s19, $0xb8;
	[tilespmem:$0x1E800] =	vst v63  }
0x7d: {  	_ =	swait.ge [sflag:s17], $0x4000  }
0x7e: {  	[sflag:s17] =	ssyncset.done $0x0  }
0x7f: {  	s30 =	simm.s32 $0x100;
	[sflag:s17] =	ssyncadd.s32 $0xFFFFC000  }
0x80: {  	[tilespmem:s16], [sflag:$0x1] =	stream.indirect.gather [hbm4b:s1+s19], $0x80, s30, s19, $0xb8;
	[tilespmem:$0x1E800] =	vst v63  }
0x81: {  	_ =	swait.ge [sflag:s22], $0x4000  }
0x82: {  	[sflag:s22] =	ssyncset.done $0x0  }
0x83: {  	s31 =	simm.s32 $0x1480;
	[sflag:s22] =	ssyncadd.s32 $0xFFFFC000  }
0x84: {  	[spmem:s2] =	stream.indirect.scatter.add.f32 [tilespmem:s20], [sflag:$0x3], $0x80, s31, s19, $0xb8;
	[tilespmem:$0x1E800] =	vst v63  }
0x85: {  	_ =	swait.ge [sflag:s17], $0x4000  }
0x86: {  	[sflag:s17] =	ssyncset.done $0x0  }
0x87: {  	s28 =	simm.s32 $0x180;
	s26 =	simm.s32 $0x400;
	[sflag:s17] =	ssyncadd.s32 $0xFFFFC000  }
.LBB2_6:
0x88: {  	[tilespmem:s20], [sflag:$0x2] =	stream.indirect.gather [hbm4b:s1+s19], $0x80, s28, s19, $0xb8;
	[tilespmem:$0x1E800] =	vst v63  }
0x89: {  	s28 =	smov.u32 s26  }
0x8a: {  	p0 =	sne.s32 s26, $0x4800;
	s26 =	sadd.s32 $0x400, s26;
	_ =	swait.ge [sflag:s21], $0x4000  }
0x8b: {  	s28 =	sshra.s32 s28, $0x2;
	[sflag:s21] =	ssyncset.done $0x0  }
0x8c: {  	s29 =	sadd.s32 $0x1400, s28;
	[sflag:s21] =	ssyncadd.s32 $0xFFFFC000  }
0x8d: {  	[spmem:s2] =	stream.indirect.scatter.add.f32 [tilespmem:s16], [sflag:$0x3], $0x80, s29, s19, $0xb8;
	[tilespmem:$0x1E800] =	vst v63  }
0x8e: {  	_ =	swait.ge [sflag:s17], $0x4000  }
0x8f: {  	[sflag:s17] =	ssyncset.done $0x0  }
0x90: {  	s29 =	sadd.s32 $0x100, s28;
	[sflag:s17] =	ssyncadd.s32 $0xFFFFC000  }
0x91: {  	[tilespmem:s16], [sflag:$0x1] =	stream.indirect.gather [hbm4b:s1+s19], $0x80, s29, s19, $0xb8;
	[tilespmem:$0x1E800] =	vst v63  }
0x92: {  	_ =	swait.ge [sflag:s22], $0x4000  }
0x93: {  	[sflag:s22] =	ssyncset.done $0x0  }
.Ltmp2:
0x94: {  	s29 =	sadd.s32 $0x1480, s28;
	[sflag:s22] =	ssyncadd.s32 $0xFFFFC000;
	(pc) =	sbr.rel @p0 .LBB2_6-.Ltmp2, $4  }
0x95: {  	[spmem:s2] =	stream.indirect.scatter.add.f32 [tilespmem:s20], [sflag:$0x3], $0x80, s29, s19, $0xb8;
	[tilespmem:$0x1E800] =	vst v63  }
0x96: {  	_ =	swait.ge [sflag:s17], $0x4000  }
0x97: {  	[sflag:s17] =	ssyncset.done $0x0  }
0x98: {  	s28 =	sadd.s32 $0x180, s28;
	[sflag:s17] =	ssyncadd.s32 $0xFFFFC000  }
0x99: {  	[tilespmem:s20], [sflag:$0x2] =	stream.indirect.gather [hbm4b:s1+s19], $0x80, s28, s19, $0xb8;
	[tilespmem:$0x1E800] =	vst v63  }
0x9a: {  	_ =	swait.ge [sflag:s21], $0x4000  }
0x9b: {  	[sflag:s21] =	ssyncset.done $0x0  }
0x9c: {  	[sflag:s21] =	ssyncadd.s32 $0xFFFFC000  }
0x9d: {  	[spmem:s2] =	stream.indirect.scatter.add.f32 [tilespmem:s16], [sflag:$0x3], $0x80, s23, s19, $0xb8;
	[tilespmem:$0x1E800] =	vst v63  }
0x9e: {  	_ =	swait.ge [sflag:s17], $0x4000  }
0x9f: {  	[sflag:s17] =	ssyncset.done $0x0  }
0xa0: {  	[sflag:s17] =	ssyncadd.s32 $0xFFFFC000  }
0xa1: {  	_ =	swait.ge [sflag:s22], $0x4000  }
0xa2: {  	[sflag:s22] =	ssyncset.done $0x0  }
0xa3: {  	[sflag:s22] =	ssyncadd.s32 $0xFFFFC000  }
0xa4: {  	[spmem:s2] =	stream.indirect.scatter.add.f32 [tilespmem:s20], [sflag:$0x3], $0x80, s24, s19, $0xb8;
	[tilespmem:$0x1E800] =	vst v63  }
0xa5: {  	_ =	swait.ge [sflag:s17], $0x4000  }
0xa6: {  	s26 =	sshll.u32 s3, $0x6;
	s25 =	sadd.s32 $0x1, s25;
	[sflag:s17] =	ssyncset.done $0x0  }
0xa7: {  	s31 =	sshrl.u32 s5, $0x3;
	p0 =	sne.s32 s25, s11;
	[sflag:s17] =	ssyncadd.s32 $0xFFFFC000  }
.Ltmp3:
0xa8: {  	s26 =	sor.u32 $0x1C03, s26;
	[bflag:$0x0] =	sbarrier.arrive $0xFFFF;
	(pc) =	sbr.rel @p0 .LBB2_1-.Ltmp3, $4  }
0xa9: {  	[hbm:s10], [sflag:s26] =	dma.local [spmem:s31], $0x2800  }
0xaa: {  	_ =	swait.ge [sflag:s17], $0x2800  }
0xab: {  	[sflag:s17] =	ssyncset.done $0x0  }
0xac: {  	[sflag:s17] =	ssyncadd.s32 $0xFFFFD800  }
0xad: {  	_ =	sfence.sel $0x180000  }
0xae: {  	[bflag:$0x0] =	sbarrier.arrive $0xFFFF  }
0xaf: {  	p0 =	sne.s32 s3, $0x0;
	_ =	strace $0x90000047  }
0xb0: {  	s0 =	sadd.s32 @!p0 $0x100000, s0;
	[bflag:$0x2] =	sbarrier.arrive $0xFFFF  }
0xb1: {  	[sflag:s0] =	ssyncadd.tile.s32 @!p0 $0x1;
	_ =	shalt  }
.Lfunc_end2:
_tile_overlayer_lowered:
.L_overlay_start_2:
0xb2: {  	(tag) =	ssettag $0x2  }
0xb3: {  	s0 =	rddreg [dreg:$0x0];
	s2 =	stileid.u32  }
0xb4: {  	s1 =	rddreg [dreg:$0x1];
	p0 =	sne.s32 s2, $0x0  }
0xb5: {  	s3 =	rddreg [dreg:$0x2];
	[bflag:$0x3] =	sbarrier.arrive $0xFFFF;
	s2 =	simm.s32 @!p0 $0x1C03  }
0xb6: {  	[timem:s3], [sflag:s2] =	dma.local @!p0 [hbm:s0], s1  }
0xb7: {  	s0 =	simm.s32 @!p0 $0x3  }
0xb8: {  	_ =	swait.ge @!p0 [sflag:s0], s1  }
0xb9: {  	s1 =	ssub.s32 @!p0 $0x0, s1;
	[sflag:s0] =	ssyncset.done @!p0 $0x0  }
0xba: {  	[sflag:s0] =	ssyncadd.s32 @!p0 s1  }
0xbb: {  	[bflag:$0x3] =	sbarrier.arrive $0xFFFF  }
0xbc: {  	_ =	shalt  }

</sc_bundles>
